<compile_context>
chip_gen: v7x
topology: tpu7x:2x2x1
jax: 0.10.2.dev20260603
libtpu: 0.0.44.dev20260713+nightly
codegen_flags: <defaults>
</compile_context>

<pallas_src>
import dataclasses
import functools

import jax
import jax.numpy as jnp
from jax import lax
from jax.experimental import pallas as pl
from jax.experimental.pallas import tpu as pltpu
from jax.experimental.pallas import tpu_sc as plsc

N = 10000
E = 320000
D = 128
EPS = 1e-5

NC = 2
NS = 16
CHUNK = 128
NCHUNKS = E // CHUNK
SUB_ROWS = 624
TAIL = N - NS * SUB_ROWS
ZBLK = 48
WCH = 80
NCHP = NC * NS * WCH
NA = N + CHUNK

BLK = 2000


def _ln(v, g, b):
    m = jnp.mean(v, axis=-1, keepdims=True)
    c = v - m
    s = jnp.mean(c * c, axis=-1, keepdims=True)
    return c * lax.rsqrt(s + EPS) * g + b



def _ffn_body(x_ref, w1_ref, b1_ref, w2_ref, b2_ref, g_ref, b_ref, o_ref):
    x = x_ref[...]
    h = jnp.maximum(
        jnp.dot(x, w1_ref[...], preferred_element_type=jnp.float32)
        + b1_ref[...], 0.0)
    f = jnp.dot(h, w2_ref[...], preferred_element_type=jnp.float32) + b2_ref[...]
    o_ref[...] = _ln(f + x, g_ref[...], b_ref[...])


def _ffn_ln(xa, w1, b1, w2, b2, g, b):
    row = pl.BlockSpec((BLK, D), lambda i: (i, 0))
    mat = pl.BlockSpec((D, D), lambda i: (0, 0))
    vec = pl.BlockSpec((1, D), lambda i: (0, 0))
    return pl.pallas_call(
        _ffn_body,
        grid=(N // BLK,),
        compiler_params=pltpu.CompilerParams(dimension_semantics=("parallel",)),
        in_specs=[row, mat, vec, mat, vec, vec, vec],
        out_specs=row,
        out_shape=jax.ShapeDtypeStruct((N, D), jnp.float32),
    )(xa, w1, b1.reshape(1, D), w2, b2.reshape(1, D),
      g.reshape(1, D), b.reshape(1, D))



HW = 40
HWD = 8
HROWS = 80
ZROWS = SUB_ROWS + TAIL


def _sc_compiler_params():
    cp = pltpu.CompilerParams()
    if "needs_layout_passes" in pltpu.CompilerParams.__dataclass_fields__:
        cp = dataclasses.replace(cp, needs_layout_passes=False)
    return cp


def _sc_seg_deg_body(ff_hbm, src_hbm, dst_hbm, z_hbm,
                     out_hbm, deg_hbm,
                     acc, hacc, rows0, rows1, sidx, didx, sidx2, didx2, hist,
                     dexp, sem0, sem1, sem2, sem3):
    c = lax.axis_index("c")
    s = lax.axis_index("s")
    w = c * NS + s

    base = s * SUB_ROWS
    pltpu.sync_copy(z_hbm.at[pl.ds(0, SUB_ROWS)], acc.at[pl.ds(base, SUB_ROWS)])

    @pl.when(s == NS - 1)
    def _():
        pltpu.sync_copy(z_hbm.at[pl.ds(0, TAIL)],
                        acc.at[pl.ds(NS * SUB_ROWS, TAIL)])

    @pl.when(s == 0)
    def _():
        pltpu.sync_copy(z_hbm.at[pl.ds(0, HROWS)], hacc)

    pltpu.sync_copy(z_hbm.at[pl.ds(0, HROWS)], hist)

    plsc.subcore_barrier()

    def _hist_update(didx_b, k):
        @pl.loop(0, CHUNK, step=16)
        def _(g):
            v = plsc.load_gather(
                didx_b, [jnp.full((16,), k, jnp.int32),
                         g + lax.iota(jnp.int32, 16)])
            plsc.addupdate_scatter(
                hist, [lax.shift_right_logical(v, 7), v & 127],
                jnp.ones((16,), jnp.float32))

    def _round(sidx_b, didx_b, last):
        pltpu.async_copy(ff_hbm.at[sidx_b.at[0]], rows0, sem0)

        @pl.loop(0, HWD // 2)
        def _(p):
            k0 = 2 * p
            pltpu.make_async_copy(ff_hbm.at[sidx_b.at[0]], rows0, sem0).wait()
            pltpu.async_copy(ff_hbm.at[sidx_b.at[k0 + 1]], rows1, sem1)
            pltpu.async_copy(rows0, acc.at[didx_b.at[k0]], sem3, add=True)
            _hist_update(didx_b, k0)
            pltpu.make_async_copy(rows0, acc.at[didx_b.at[k0]], sem3).wait()
            pltpu.make_async_copy(ff_hbm.at[sidx_b.at[0]], rows1, sem1).wait()

            @pl.when(k0 + 2 < HWD)
            def _():
                pltpu.async_copy(ff_hbm.at[sidx_b.at[k0 + 2]], rows0, sem0)

            pltpu.async_copy(rows1, acc.at[didx_b.at[k0 + 1]], sem3, add=True)
            _hist_update(didx_b, k0 + 1)
            pltpu.make_async_copy(rows1, acc.at[didx_b.at[k0 + 1]],
                                  sem3).wait()

    def _preload(sidx_b, didx_b, h, sem):
        hb = w * WCH + h * HWD
        pltpu.async_copy(src_hbm.at[pl.ds(hb, HWD)], sidx_b, sem)
        pltpu.async_copy(dst_hbm.at[pl.ds(hb, HWD)], didx_b, sem)

    def _preload_wait(sidx_b, didx_b, sem):
        pltpu.make_async_copy(src_hbm.at[pl.ds(0, HWD)], sidx_b, sem).wait()
        pltpu.make_async_copy(dst_hbm.at[pl.ds(0, HWD)], didx_b, sem).wait()

    _preload(sidx, didx, 0, sem2)
    _preload_wait(sidx, didx, sem2)

    @pl.loop(0, WCH // (2 * HWD))
    def _(hh):
        _preload(sidx2, didx2, 2 * hh + 1, sem2)
        _round(sidx, didx, False)
        _preload_wait(sidx2, didx2, sem2)

        @pl.when(2 * hh + 2 < WCH // HWD)
        def _():
            _preload(sidx, didx, 2 * hh + 2, sem2)

        _round(sidx2, didx2, False)

        @pl.when(2 * hh + 2 < WCH // HWD)
        def _():
            _preload_wait(sidx, didx, sem2)

    plsc.subcore_barrier()

    for g in range(HROWS // 16):
        pltpu.sync_copy(hist.at[pl.ds(g * 16, 16)],
                        hacc.at[g * 16 + lax.iota(jnp.int32, 16)], add=True)

    plsc.subcore_barrier()

    obase = c * N + s * SUB_ROWS
    pltpu.sync_copy(hacc, rows1.at[pl.ds(0, HROWS)])

    @pl.loop(0, SUB_ROWS // ZBLK)
    def _(k):
        pltpu.sync_copy(acc.at[pl.ds(base + k * ZBLK, ZBLK)],
                        out_hbm.at[pl.ds(obase + k * ZBLK, ZBLK)])

    def _expand_out(node0, out_row):
        nodes = node0 + lax.iota(jnp.int32, 16)
        vals = plsc.load_gather(
            rows1, [lax.shift_right_logical(nodes, 7), nodes & 127])
        rows16 = lax.iota(jnp.int32, 16)
        for l in range(16):
            plsc.store_scatter(
                dexp, [rows16, jnp.full((16,), l, jnp.int32)], vals)
        pltpu.sync_copy(dexp, deg_hbm.at[pl.ds(out_row, 16)])

    @pl.loop(0, SUB_ROWS // 16)
    def _(g):
        _expand_out(base + g * 16, obase + g * 16)

    @pl.when(s == NS - 1)
    def _():
        pltpu.sync_copy(acc.at[pl.ds(NS * SUB_ROWS, TAIL)],
                        out_hbm.at[pl.ds(c * N + NS * SUB_ROWS, TAIL)])
        _expand_out(NS * SUB_ROWS, c * N + NS * SUB_ROWS)


@functools.cache
def _get_sc_seg_deg():
  return pl.kernel(
    _sc_seg_deg_body,
    out_type=(
        jax.ShapeDtypeStruct((NC * N, D), jnp.float32),
        jax.ShapeDtypeStruct((NC * N, 16), jnp.float32),
    ),
    mesh=plsc.VectorSubcoreMesh(core_axis_name="c", subcore_axis_name="s",
                                num_cores=NC, num_subcores=NS),
    compiler_params=_sc_compiler_params(),
    scratch_types=[
        pltpu.VMEM_SHARED((NA, D), jnp.float32),
        pltpu.VMEM_SHARED((HROWS, CHUNK), jnp.float32),
        pltpu.VMEM((CHUNK, D), jnp.float32),
        pltpu.VMEM((CHUNK, D), jnp.float32),
        pltpu.VMEM((HWD, CHUNK), jnp.int32),
        pltpu.VMEM((HWD, CHUNK), jnp.int32),
        pltpu.VMEM((HWD, CHUNK), jnp.int32),
        pltpu.VMEM((HWD, CHUNK), jnp.int32),
        pltpu.VMEM((HROWS, CHUNK), jnp.float32),
        pltpu.VMEM((16, 16), jnp.float32),
        pltpu.SemaphoreType.DMA,
        pltpu.SemaphoreType.DMA,
        pltpu.SemaphoreType.DMA,
        pltpu.SemaphoreType.DMA,
    ],
  )


def _sc_seg_body(ff_hbm, src_hbm, dst_hbm, z_hbm, out_hbm,
                 acc, rows0, rows1, sidx, didx, sem0, sem1):
    c = lax.axis_index("c")
    s = lax.axis_index("s")
    w = c * NS + s

    base = s * SUB_ROWS
    pltpu.sync_copy(z_hbm.at[pl.ds(0, SUB_ROWS)], acc.at[pl.ds(base, SUB_ROWS)])

    @pl.when(s == NS - 1)
    def _():
        pltpu.sync_copy(z_hbm.at[pl.ds(0, TAIL)],
                        acc.at[pl.ds(NS * SUB_ROWS, TAIL)])

    plsc.subcore_barrier()

    @pl.loop(0, WCH // HW)
    def _(h):
        hb = w * WCH + h * HW
        pltpu.sync_copy(src_hbm.at[pl.ds(hb, HW)], sidx)
        pltpu.sync_copy(dst_hbm.at[pl.ds(hb, HW)], didx)

        pltpu.async_copy(ff_hbm.at[sidx.at[0]], rows0, sem0)

        @pl.loop(0, HW // 2)
        def _(p):
            k0 = 2 * p
            pltpu.make_async_copy(ff_hbm.at[sidx.at[0]], rows0, sem0).wait()
            pltpu.async_copy(ff_hbm.at[sidx.at[k0 + 1]], rows1, sem1)
            pltpu.sync_copy(rows0, acc.at[didx.at[k0]], add=True)
            pltpu.make_async_copy(ff_hbm.at[sidx.at[0]], rows1, sem1).wait()

            @pl.when(k0 + 2 < HW)
            def _():
                pltpu.async_copy(ff_hbm.at[sidx.at[k0 + 2]], rows0, sem0)

            pltpu.sync_copy(rows1, acc.at[didx.at[k0 + 1]], add=True)

    plsc.subcore_barrier()

    obase = c * N + s * SUB_ROWS

    @pl.loop(0, SUB_ROWS // ZBLK)
    def _(k):
        pltpu.sync_copy(acc.at[pl.ds(base + k * ZBLK, ZBLK)],
                        out_hbm.at[pl.ds(obase + k * ZBLK, ZBLK)])

    @pl.when(s == NS - 1)
    def _():
        pltpu.sync_copy(acc.at[pl.ds(NS * SUB_ROWS, TAIL)],
                        out_hbm.at[pl.ds(c * N + NS * SUB_ROWS, TAIL)])


@functools.cache
def _get_sc_seg():
  return pl.kernel(
    _sc_seg_body,
    out_type=jax.ShapeDtypeStruct((NC * N, D), jnp.float32),
    mesh=plsc.VectorSubcoreMesh(core_axis_name="c", subcore_axis_name="s",
                                num_cores=NC, num_subcores=NS),
    scratch_types=[
        pltpu.VMEM_SHARED((NA, D), jnp.float32),
        pltpu.VMEM((CHUNK, D), jnp.float32),
        pltpu.VMEM((CHUNK, D), jnp.float32),
        pltpu.VMEM((HW, CHUNK), jnp.int32),
        pltpu.VMEM((HW, CHUNK), jnp.int32),
        pltpu.SemaphoreType.DMA,
        pltpu.SemaphoreType.DMA,
    ],
  )



def _agg_body(p_ref, deg_ref, ff_ref, wg_ref, bg_ref, g_ref, b_ref, o_ref):
    summ = p_ref[0] + p_ref[1]
    deg = deg_ref[0, :, 0:1] + deg_ref[1, :, 0:1]
    agg = summ / jnp.maximum(deg, 1.0)
    h = jnp.maximum(
        jnp.dot(agg, wg_ref[...], preferred_element_type=jnp.float32)
        + bg_ref[...], 0.0)
    o_ref[...] = _ln(h + ff_ref[...], g_ref[...], b_ref[...])


def _agg_ln(part, deg, ff, wg, bg, g, b):
    return pl.pallas_call(
        _agg_body,
        grid=(N // BLK,),
        compiler_params=pltpu.CompilerParams(dimension_semantics=("parallel",)),
        in_specs=[
            pl.BlockSpec((2, BLK, D), lambda i: (0, i, 0)),
            pl.BlockSpec((2, BLK, 16), lambda i: (0, i, 0)),
            pl.BlockSpec((BLK, D), lambda i: (i, 0)),
            pl.BlockSpec((D, D), lambda i: (0, 0)),
            pl.BlockSpec((1, D), lambda i: (0, 0)),
            pl.BlockSpec((1, D), lambda i: (0, 0)),
            pl.BlockSpec((1, D), lambda i: (0, 0)),
        ],
        out_specs=pl.BlockSpec((BLK, D), lambda i: (i, 0)),
        out_shape=jax.ShapeDtypeStruct((N, D), jnp.float32),
    )(part.reshape(NC, N, D), deg.reshape(NC, N, 16), ff, wg,
      bg.reshape(1, D), g.reshape(1, D), b.reshape(1, D))



def _agg_ffn_body(p_ref, deg_ref, ff_ref, wg_ref, bg_ref, g1_ref, b1_ref,
                  w1_ref, c1_ref, w2_ref, c2_ref, g2_ref, b2_ref, o_ref):
    summ = p_ref[0] + p_ref[1]
    deg = deg_ref[0, :, 0:1] + deg_ref[1, :, 0:1]
    agg = summ / jnp.maximum(deg, 1.0)
    h = jnp.maximum(
        jnp.dot(agg, wg_ref[...], preferred_element_type=jnp.float32)
        + bg_ref[...], 0.0)
    out = _ln(h + ff_ref[...], g1_ref[...], b1_ref[...])
    hh = jnp.maximum(
        jnp.dot(out, w1_ref[...], preferred_element_type=jnp.float32)
        + c1_ref[...], 0.0)
    f2 = jnp.dot(hh, w2_ref[...], preferred_element_type=jnp.float32) + c2_ref[...]
    o_ref[...] = _ln(f2 + out, g2_ref[...], b2_ref[...])


def _agg_ffn(part, deg, ff, wg, bg, g1, b1, w1, c1, w2, c2, g2, b2):
    row = pl.BlockSpec((BLK, D), lambda i: (i, 0))
    mat = pl.BlockSpec((D, D), lambda i: (0, 0))
    vec = pl.BlockSpec((1, D), lambda i: (0, 0))
    return pl.pallas_call(
        _agg_ffn_body,
        grid=(N // BLK,),
        compiler_params=pltpu.CompilerParams(dimension_semantics=("parallel",)),
        in_specs=[
            pl.BlockSpec((2, BLK, D), lambda i: (0, i, 0)),
            pl.BlockSpec((2, BLK, 16), lambda i: (0, i, 0)),
            row, mat, vec, vec, vec, mat, vec, mat, vec, vec, vec,
        ],
        out_specs=row,
        out_shape=jax.ShapeDtypeStruct((N, D), jnp.float32),
    )(part.reshape(NC, N, D), deg.reshape(NC, N, 16), ff, wg,
      bg.reshape(1, D), g1.reshape(1, D), b1.reshape(1, D),
      w1, c1.reshape(1, D), w2, c2.reshape(1, D),
      g2.reshape(1, D), b2.reshape(1, D))



def kernel(x, edge_index,
           Wff1_0, bff1_0, Wff2_0, bff2_0, gff_0, boff_0, Wg_0, bg_0, gln_0, bln_0,
           Wff1_1, bff1_1, Wff2_1, bff2_1, gff_1, boff_1, Wg_1, bg_1, gln_1, bln_1):
    npad = NCHP * CHUNK - E
    pad_src = jnp.tile(jnp.arange(CHUNK, dtype=jnp.int32), npad // CHUNK)
    pad_dst = jnp.tile(jnp.arange(N, N + CHUNK, dtype=jnp.int32), npad // CHUNK)
    src = jnp.concatenate([edge_index[0], pad_src]).reshape(NCHP, CHUNK)
    dst = jnp.concatenate([edge_index[1], pad_dst]).reshape(NCHP, CHUNK)
    layers = [
        (Wff1_0, bff1_0, Wff2_0, bff2_0, gff_0, boff_0, Wg_0, bg_0, gln_0, bln_0),
        (Wff1_1, bff1_1, Wff2_1, bff2_1, gff_1, boff_1, Wg_1, bg_1, gln_1, bln_1),
    ]
    zeros = jnp.zeros((ZROWS, D), jnp.float32)
    (w1_0, b1_0, w2_0, b2_0, gff0, boff0, wg0, bg0, gln0, bln0) = layers[0]
    (w1_1, b1_1, w2_1, b2_1, gff1, boff1, wg1, bg1, gln1, bln1) = layers[1]
    ff1 = _ffn_ln(x, w1_0, b1_0, w2_0, b2_0, gff0, boff0)
    part1, deg = _get_sc_seg_deg()(ff1, src, dst, zeros)
    ff2 = _agg_ffn(part1, deg, ff1, wg0, bg0, gln0, bln0,
                   w1_1, b1_1, w2_1, b2_1, gff1, boff1)
    part2 = _get_sc_seg()(ff2, src, dst, zeros)
    return _agg_ln(part2, deg, ff2, wg1, bg1, gln1, bln1)

# --- scband reference (transcript-rebuilt; emitter-appended) ---
"""Pipeline reference for scband-gcnnet-55731495633048 (READ-ONLY COPY).

The authoritative reference and input builder live on the scoring server;
editing this copy changes nothing except your own understanding.
"""

import jax, jax.numpy as jnp
import numpy as np

N = 10000
E = 320000
D = 128
EPS = 1e-5


def _ln(v, g, b):
    m = jnp.mean(v, axis=-1, keepdims=True)
    s = jnp.var(v, axis=-1, keepdims=True)
    return (v - m) / jnp.sqrt(s + EPS) * g + b


def setup_inputs(seed: int = 0):
    key = jax.random.key(seed)
    ks = jax.random.split(key, 16)
    inp = {}
    inp['x'] = jax.random.normal(ks[0], (N, D), dtype=jnp.float32)
    inp['edge_index'] = jax.random.randint(ks[1], (2, E), 0, N, dtype=jnp.int32)
    j = 2
    for i in range(2):
        inp['Wff1_%d' % i] = jax.random.normal(ks[j], (D, D), dtype=jnp.float32) * 0.05; j += 1
        inp['bff1_%d' % i] = jnp.zeros((D,), dtype=jnp.float32)
        inp['Wff2_%d' % i] = jax.random.normal(ks[j], (D, D), dtype=jnp.float32) * 0.05; j += 1
        inp['bff2_%d' % i] = jnp.zeros((D,), dtype=jnp.float32)
        inp['gff_%d' % i] = jnp.ones((D,), dtype=jnp.float32)
        inp['boff_%d' % i] = jnp.zeros((D,), dtype=jnp.float32)
        inp['Wg_%d' % i] = jax.random.normal(ks[j], (D, D), dtype=jnp.float32) * 0.05; j += 1
        inp['bg_%d' % i] = jnp.zeros((D,), dtype=jnp.float32)
        inp['gln_%d' % i] = jnp.ones((D,), dtype=jnp.float32)
        inp['bln_%d' % i] = jnp.zeros((D,), dtype=jnp.float32)
    return inp


def reference(x, edge_index, Wff1_0, bff1_0, Wff2_0, bff2_0, gff_0, boff_0, Wg_0, bg_0, gln_0, bln_0, Wff1_1, bff1_1, Wff2_1, bff2_1, gff_1, boff_1, Wg_1, bg_1, gln_1, bln_1):
    src = edge_index[0]
    dst = edge_index[1]
    layers = [
        (Wff1_0, bff1_0, Wff2_0, bff2_0, gff_0, boff_0, Wg_0, bg_0, gln_0, bln_0),
        (Wff1_1, bff1_1, Wff2_1, bff2_1, gff_1, boff_1, Wg_1, bg_1, gln_1, bln_1),
    ]
    out = x
    for (Wff1, bff1, Wff2, bff2, gff, boff, Wg, bg, gln, bln) in layers:
        cached = out
        # FeedForward: linear -> relu -> linear (dropout is identity in eval)
        ff = jnp.maximum(out @ Wff1 + bff1, 0.0) @ Wff2 + bff2
        # residual + layer norm (shapes match since hidden_dim == hdim)
        ff = _ln(ff + cached, gff, boff)
        # GCN: mean aggregation over incoming edges (copy_u -> mean), then linear + relu
        summ = jax.ops.segment_sum(ff[src], dst, num_segments=N)
        deg = jax.ops.segment_sum(jnp.ones((E,), dtype=ff.dtype), dst, num_segments=N)
        agg = summ / jnp.maximum(deg, 1.0)[:, None]
        h = jnp.maximum(agg @ Wg + bg, 0.0)
        out = _ln(h + ff, gln, bln)
    return out

if __name__ == "__main__":
    import jax
    _d = setup_inputs()
    print(jax.jit(kernel)(*tuple(_d.values())))

</pallas_src>

<mosaic_0001>
#map = affine_map<(d0, d1) -> (0, 0)>
module attributes {stable_mosaic.version = 14 : i64} {
  func.func @_sc_seg_body(%arg0: i32, %arg1: i32, %arg2: memref<10000x128xf32, #tpu.memory_space<hbm>>, %arg3: memref<2560x128xi32, #tpu.memory_space<hbm>>, %arg4: memref<2560x128xi32, #tpu.memory_space<hbm>>, %arg5: memref<640x128xf32, #tpu.memory_space<hbm>>, %arg6: memref<20000x128xf32, #tpu.memory_space<hbm>>, %arg7: memref<10128x128xf32, #tpu.memory_space<vmem_shared>>, %arg8: memref<128x128xf32, #tpu.memory_space<vmem>>, %arg9: memref<128x128xf32, #tpu.memory_space<vmem>>, %arg10: memref<40x128xi32, #tpu.memory_space<vmem>>, %arg11: memref<40x128xi32, #tpu.memory_space<vmem>>, %arg12: memref<!tpu.dma_semaphore, #tpu.memory_space<semaphore_mem>>, %arg13: memref<!tpu.dma_semaphore, #tpu.memory_space<semaphore_mem>>) attributes {dimension_semantics = [#tpu.dimension_semantics<core_parallel>, #tpu.dimension_semantics<subcore_parallel>], iteration_bounds = array<i64: 2, 16>, scalar_prefetch = 0 : i64, scratch_operands = 7 : i64, tpu.core_type = #tpu.core_type<sc_vector_subcore>, window_params = [{transform_indices = #map}, {transform_indices = #map}, {transform_indices = #map}, {transform_indices = #map}, {transform_indices = #map}]} {
    %mul3A = arith.constant 16 : i32
    %mul3A_0 = arith.muli %arg0, %mul3A : i32
    %add3A = arith.addi %mul3A_0, %arg1 : i32
    %mul3A_1 = arith.constant 624 : i32
    %mul3A_2 = arith.muli %arg1, %mul3A_1 : i32
    "tpu.region"() ({
      %run_scoped3A = tpu.sem_alloc : memref<!tpu.dma_semaphore, #tpu.memory_space<semaphore_mem>>
      %dma_start3A = arith.constant 0 : i32
      %dma_start3A_25 = tpu.memref_slice %arg7[%mul3A_2, %dma_start3A] : memref<10128x128xf32, #tpu.memory_space<vmem_shared>> -> memref<624x128xf32, #tpu.memory_space<vmem_shared>>
      %dma_start3A_26 = arith.constant 0 : i32
      %dma_start3A_27 = arith.constant 0 : i32
      %dma_start3A_28 = tpu.memref_slice %arg5[%dma_start3A_26, %dma_start3A_27] : memref<640x128xf32, #tpu.memory_space<hbm>> -> memref<624x128xf32, #tpu.memory_space<hbm>>
      tpu.enqueue_dma source(%dma_start3A_28 : memref<624x128xf32, #tpu.memory_space<hbm>>) target(%dma_start3A_25 : memref<624x128xf32, #tpu.memory_space<vmem_shared>>) target_semaphore(%run_scoped3A : memref<!tpu.dma_semaphore, #tpu.memory_space<semaphore_mem>>)
      %dma_wait3A = arith.constant 0 : i32
      %dma_wait3A_29 = tpu.memref_slice %arg7[%mul3A_2, %dma_wait3A] : memref<10128x128xf32, #tpu.memory_space<vmem_shared>> -> memref<624x128xf32, #tpu.memory_space<vmem_shared>>
      %dma_wait3A_30 = arith.constant 0 : i32
      %dma_wait3A_31 = arith.constant 0 : i32
      %dma_wait3A_32 = tpu.memref_slice %arg5[%dma_wait3A_30, %dma_wait3A_31] : memref<640x128xf32, #tpu.memory_space<hbm>> -> memref<624x128xf32, #tpu.memory_space<hbm>>
      tpu.wait_dma2 semaphore(%run_scoped3A : memref<!tpu.dma_semaphore, #tpu.memory_space<semaphore_mem>>) src(%dma_wait3A_32 : memref<624x128xf32, #tpu.memory_space<hbm>>) dst(%dma_wait3A_29 : memref<624x128xf32, #tpu.memory_space<vmem_shared>>)
      tpu.yield
    }) : () -> ()
    %eq3A = arith.constant 15 : i32
    %eq3A_3 = arith.cmpi eq, %arg1, %eq3A : i32
    %convert_element_type3A = arith.extui %eq3A_3 : i1 to i32
    %cond3A = arith.constant 0 : i32
    %cond3A_4 = arith.cmpi ne, %convert_element_type3A, %cond3A : i32
    scf.if %cond3A_4 {
      "tpu.region"() ({
        %run_scoped3A = tpu.sem_alloc : memref<!tpu.dma_semaphore, #tpu.memory_space<semaphore_mem>>
        %dma_start3A = arith.constant 9984 : i32
        %dma_start3A_25 = arith.constant 0 : i32
        %dma_start3A_26 = tpu.memref_slice %arg7[%dma_start3A, %dma_start3A_25] : memref<10128x128xf32, #tpu.memory_space<vmem_shared>> -> memref<16x128xf32, #tpu.memory_space<vmem_shared>>
        %dma_start3A_27 = arith.constant 0 : i32
        %dma_start3A_28 = arith.constant 0 : i32
        %dma_start3A_29 = tpu.memref_slice %arg5[%dma_start3A_27, %dma_start3A_28] : memref<640x128xf32, #tpu.memory_space<hbm>> -> memref<16x128xf32, #tpu.memory_space<hbm>>
        tpu.enqueue_dma source(%dma_start3A_29 : memref<16x128xf32, #tpu.memory_space<hbm>>) target(%dma_start3A_26 : memref<16x128xf32, #tpu.memory_space<vmem_shared>>) target_semaphore(%run_scoped3A : memref<!tpu.dma_semaphore, #tpu.memory_space<semaphore_mem>>)
        %dma_wait3A = arith.constant 9984 : i32
        %dma_wait3A_30 = arith.constant 0 : i32
        %dma_wait3A_31 = tpu.memref_slice %arg7[%dma_wait3A, %dma_wait3A_30] : memref<10128x128xf32, #tpu.memory_space<vmem_shared>> -> memref<16x128xf32, #tpu.memory_space<vmem_shared>>
        %dma_wait3A_32 = arith.constant 0 : i32
        %dma_wait3A_33 = arith.constant 0 : i32
        %dma_wait3A_34 = tpu.memref_slice %arg5[%dma_wait3A_32, %dma_wait3A_33] : memref<640x128xf32, #tpu.memory_space<hbm>> -> memref<16x128xf32, #tpu.memory_space<hbm>>
        tpu.wait_dma2 semaphore(%run_scoped3A : memref<!tpu.dma_semaphore, #tpu.memory_space<semaphore_mem>>) src(%dma_wait3A_34 : memref<16x128xf32, #tpu.memory_space<hbm>>) dst(%dma_wait3A_31 : memref<16x128xf32, #tpu.memory_space<vmem_shared>>)
        tpu.yield
      }) : () -> ()
    } else {
    }
    %barrier3A = arith.constant 0 : index
    tpu.barrier barrier_id(%barrier3A)
    %scan3A = arith.constant 0 : i32
    %scan3A_5 = arith.constant 2 : i32
    %scan3A_6 = arith.addi %scan3A, %scan3A_5 : i32
    %scan3A_7 = arith.constant 1 : i32
    scf.for %scan3A_25 = %scan3A to %scan3A_6 step %scan3A_7  : i32 {
      %mul3A_26 = arith.constant 1 : i32
      %mul3A_27 = arith.muli %scan3A_25, %mul3A_26 : i32
      %add3A_28 = arith.constant 0 : i32
      %add3A_29 = arith.addi %add3A_28, %mul3A_27 : i32
      %mul3A_30 = arith.constant 80 : i32
      %mul3A_31 = arith.muli %add3A, %mul3A_30 : i32
      %mul3A_32 = arith.constant 40 : i32
      %mul3A_33 = arith.muli %add3A_29, %mul3A_32 : i32
      %add3A_34 = arith.addi %mul3A_31, %mul3A_33 : i32
      "tpu.region"() ({
        %run_scoped3A = tpu.sem_alloc : memref<!tpu.dma_semaphore, #tpu.memory_space<semaphore_mem>>
        %dma_start3A_46 = arith.constant 0 : i32
        %dma_start3A_47 = tpu.memref_slice %arg3[%add3A_34, %dma_start3A_46] : memref<2560x128xi32, #tpu.memory_space<hbm>> -> memref<40x128xi32, #tpu.memory_space<hbm>>
        %dma_start3A_48 = arith.constant 0 : i32
        %dma_start3A_49 = tpu.memref_slice %arg3[%add3A_34, %dma_start3A_48] : memref<2560x128xi32, #tpu.memory_space<hbm>> -> memref<40x128xi32, #tpu.memory_space<hbm>>
        tpu.enqueue_dma source(%dma_start3A_49 : memref<40x128xi32, #tpu.memory_space<hbm>>) target(%arg10 : memref<40x128xi32, #tpu.memory_space<vmem>>) target_semaphore(%run_scoped3A : memref<!tpu.dma_semaphore, #tpu.memory_space<semaphore_mem>>)
        %dma_wait3A = arith.constant 0 : i32
        %dma_wait3A_50 = tpu.memref_slice %arg3[%add3A_34, %dma_wait3A] : memref<2560x128xi32, #tpu.memory_space<hbm>> -> memref<40x128xi32, #tpu.memory_space<hbm>>
        %dma_wait3A_51 = arith.constant 0 : i32
        %dma_wait3A_52 = tpu.memref_slice %arg3[%add3A_34, %dma_wait3A_51] : memref<2560x128xi32, #tpu.memory_space<hbm>> -> memref<40x128xi32, #tpu.memory_space<hbm>>
        tpu.wait_dma2 semaphore(%run_scoped3A : memref<!tpu.dma_semaphore, #tpu.memory_space<semaphore_mem>>) src(%dma_wait3A_52 : memref<40x128xi32, #tpu.memory_space<hbm>>) dst(%arg10 : memref<40x128xi32, #tpu.memory_space<vmem>>)
        tpu.yield
      }) : () -> ()
      "tpu.region"() ({
        %run_scoped3A = tpu.sem_alloc : memref<!tpu.dma_semaphore, #tpu.memory_space<semaphore_mem>>
        %dma_start3A_46 = arith.constant 0 : i32
        %dma_start3A_47 = tpu.memref_slice %arg4[%add3A_34, %dma_start3A_46] : memref<2560x128xi32, #tpu.memory_space<hbm>> -> memref<40x128xi32, #tpu.memory_space<hbm>>
        %dma_start3A_48 = arith.constant 0 : i32
        %dma_start3A_49 = tpu.memref_slice %arg4[%add3A_34, %dma_start3A_48] : memref<2560x128xi32, #tpu.memory_space<hbm>> -> memref<40x128xi32, #tpu.memory_space<hbm>>
        tpu.enqueue_dma source(%dma_start3A_49 : memref<40x128xi32, #tpu.memory_space<hbm>>) target(%arg11 : memref<40x128xi32, #tpu.memory_space<vmem>>) target_semaphore(%run_scoped3A : memref<!tpu.dma_semaphore, #tpu.memory_space<semaphore_mem>>)
        %dma_wait3A = arith.constant 0 : i32
        %dma_wait3A_50 = tpu.memref_slice %arg4[%add3A_34, %dma_wait3A] : memref<2560x128xi32, #tpu.memory_space<hbm>> -> memref<40x128xi32, #tpu.memory_space<hbm>>
        %dma_wait3A_51 = arith.constant 0 : i32
        %dma_wait3A_52 = tpu.memref_slice %arg4[%add3A_34, %dma_wait3A_51] : memref<2560x128xi32, #tpu.memory_space<hbm>> -> memref<40x128xi32, #tpu.memory_space<hbm>>
        tpu.wait_dma2 semaphore(%run_scoped3A : memref<!tpu.dma_semaphore, #tpu.memory_space<semaphore_mem>>) src(%dma_wait3A_52 : memref<40x128xi32, #tpu.memory_space<hbm>>) dst(%arg11 : memref<40x128xi32, #tpu.memory_space<vmem>>)
        tpu.yield
      }) : () -> ()
      %dma_start3A = arith.constant 0 : i32
      %dma_start3A_35 = arith.constant 0 : i32
      %dma_start3A_36 = tpu.memref_slice %arg10[%dma_start3A, %dma_start3A_35] : memref<40x128xi32, #tpu.memory_space<vmem>> -> memref<1x128xi32, #tpu.memory_space<vmem>>
      %dma_start3A_37 = tpu.memref_squeeze %dma_start3A_36 : memref<1x128xi32, #tpu.memory_space<vmem>> -> memref<128xi32, #tpu.memory_space<vmem>>
      %dma_start3A_38 = arith.constant 0 : i32
      %dma_start3A_39 = arith.constant 0 : i32
      %dma_start3A_40 = tpu.memref_slice %arg2[%dma_start3A_38, %dma_start3A_39] : memref<10000x128xf32, #tpu.memory_space<hbm>> -> memref<10000x128xf32, #tpu.memory_space<hbm>>
      tpu.enqueue_indirect_dma source(%dma_start3A_40 : memref<10000x128xf32, #tpu.memory_space<hbm>>) target(%arg8 : memref<128x128xf32, #tpu.memory_space<vmem>>) offsets(%dma_start3A_37 : memref<128xi32, #tpu.memory_space<vmem>>) semaphore(%arg12 : memref<!tpu.dma_semaphore, #tpu.memory_space<semaphore_mem>>)
      %scan3A_41 = arith.constant 0 : i32
      %scan3A_42 = arith.constant 20 : i32
      %scan3A_43 = arith.addi %scan3A_41, %scan3A_42 : i32
      %scan3A_44 = arith.constant 1 : i32
      scf.for %scan3A_46 = %scan3A_41 to %scan3A_43 step %scan3A_44  : i32 {
        %mul3A_47 = arith.constant 1 : i32
        %mul3A_48 = arith.muli %scan3A_46, %mul3A_47 : i32
        %add3A_49 = arith.constant 0 : i32
        %add3A_50 = arith.addi %add3A_49, %mul3A_48 : i32
        %mul3A_51 = arith.constant 2 : i32
        %mul3A_52 = arith.muli %mul3A_51, %add3A_50 : i32
        %dma_wait3A = arith.constant 0 : i32
        %dma_wait3A_53 = arith.constant 0 : i32
        %dma_wait3A_54 = tpu.memref_slice %arg10[%dma_wait3A, %dma_wait3A_53] : memref<40x128xi32, #tpu.memory_space<vmem>> -> memref<1x128xi32, #tpu.memory_space<vmem>>
        %dma_wait3A_55 = tpu.memref_squeeze %dma_wait3A_54 : memref<1x128xi32, #tpu.memory_space<vmem>> -> memref<128xi32, #tpu.memory_space<vmem>>
        %dma_wait3A_56 = arith.constant 0 : i32
        %dma_wait3A_57 = arith.constant 0 : i32
        %dma_wait3A_58 = tpu.memref_slice %arg2[%dma_wait3A_56, %dma_wait3A_57] : memref<10000x128xf32, #tpu.memory_space<hbm>> -> memref<10000x128xf32, #tpu.memory_space<hbm>>
        tpu.wait_indirect_dma semaphore(%arg12 : memref<!tpu.dma_semaphore, #tpu.memory_space<semaphore_mem>>) src(%dma_wait3A_58 : memref<10000x128xf32, #tpu.memory_space<hbm>>) dst(%arg8 : memref<128x128xf32, #tpu.memory_space<vmem>>)
        %add3A_59 = arith.constant 1 : i32
        %add3A_60 = arith.addi %mul3A_52, %add3A_59 : i32
        %dma_start3A_61 = arith.constant 0 : i32
        %dma_start3A_62 = tpu.memref_slice %arg10[%add3A_60, %dma_start3A_61] : memref<40x128xi32, #tpu.memory_space<vmem>> -> memref<1x128xi32, #tpu.memory_space<vmem>>
        %dma_start3A_63 = tpu.memref_squeeze %dma_start3A_62 : memref<1x128xi32, #tpu.memory_space<vmem>> -> memref<128xi32, #tpu.memory_space<vmem>>
        %dma_start3A_64 = arith.constant 0 : i32
        %dma_start3A_65 = arith.constant 0 : i32
        %dma_start3A_66 = tpu.memref_slice %arg2[%dma_start3A_64, %dma_start3A_65] : memref<10000x128xf32, #tpu.memory_space<hbm>> -> memref<10000x128xf32, #tpu.memory_space<hbm>>
        tpu.enqueue_indirect_dma source(%dma_start3A_66 : memref<10000x128xf32, #tpu.memory_space<hbm>>) target(%arg9 : memref<128x128xf32, #tpu.memory_space<vmem>>) offsets(%dma_start3A_63 : memref<128xi32, #tpu.memory_space<vmem>>) semaphore(%arg13 : memref<!tpu.dma_semaphore, #tpu.memory_space<semaphore_mem>>)
        "tpu.region"() ({
          %run_scoped3A = tpu.sem_alloc : memref<!tpu.dma_semaphore, #tpu.memory_space<semaphore_mem>>
          %dma_start3A_82 = arith.constant 0 : i32
          %dma_start3A_83 = tpu.memref_slice %arg11[%mul3A_52, %dma_start3A_82] : memref<40x128xi32, #tpu.memory_space<vmem>> -> memref<1x128xi32, #tpu.memory_space<vmem>>
          %dma_start3A_84 = tpu.memref_squeeze %dma_start3A_83 : memref<1x128xi32, #tpu.memory_space<vmem>> -> memref<128xi32, #tpu.memory_space<vmem>>
          %dma_start3A_85 = arith.constant 0 : i32
          %dma_start3A_86 = arith.constant 0 : i32
          %dma_start3A_87 = tpu.memref_slice %arg7[%dma_start3A_85, %dma_start3A_86] : memref<10128x128xf32, #tpu.memory_space<vmem_shared>> -> memref<10128x128xf32, #tpu.memory_space<vmem_shared>>
          tpu.enqueue_indirect_dma source(%arg8 : memref<128x128xf32, #tpu.memory_space<vmem>>) target(%dma_start3A_87 : memref<10128x128xf32, #tpu.memory_space<vmem_shared>>) offsets(%dma_start3A_84 : memref<128xi32, #tpu.memory_space<vmem>>) semaphore(%run_scoped3A : memref<!tpu.dma_semaphore, #tpu.memory_space<semaphore_mem>>) {add = true}
          %dma_wait3A_88 = arith.constant 0 : i32
          %dma_wait3A_89 = tpu.memref_slice %arg11[%mul3A_52, %dma_wait3A_88] : memref<40x128xi32, #tpu.memory_space<vmem>> -> memref<1x128xi32, #tpu.memory_space<vmem>>
          %dma_wait3A_90 = tpu.memref_squeeze %dma_wait3A_89 : memref<1x128xi32, #tpu.memory_space<vmem>> -> memref<128xi32, #tpu.memory_space<vmem>>
          %dma_wait3A_91 = arith.constant 0 : i32
          %dma_wait3A_92 = arith.constant 0 : i32
          %dma_wait3A_93 = tpu.memref_slice %arg7[%dma_wait3A_91, %dma_wait3A_92] : memref<10128x128xf32, #tpu.memory_space<vmem_shared>> -> memref<10128x128xf32, #tpu.memory_space<vmem_shared>>
          tpu.wait_indirect_dma semaphore(%run_scoped3A : memref<!tpu.dma_semaphore, #tpu.memory_space<semaphore_mem>>) src(%arg8 : memref<128x128xf32, #tpu.memory_space<vmem>>) dst(%dma_wait3A_93 : memref<10128x128xf32, #tpu.memory_space<vmem_shared>>)
          tpu.yield
        }) : () -> ()
        %dma_wait3A_67 = arith.constant 0 : i32
        %dma_wait3A_68 = arith.constant 0 : i32
        %dma_wait3A_69 = tpu.memref_slice %arg10[%dma_wait3A_67, %dma_wait3A_68] : memref<40x128xi32, #tpu.memory_space<vmem>> -> memref<1x128xi32, #tpu.memory_space<vmem>>
        %dma_wait3A_70 = tpu.memref_squeeze %dma_wait3A_69 : memref<1x128xi32, #tpu.memory_space<vmem>> -> memref<128xi32, #tpu.memory_space<vmem>>
        %dma_wait3A_71 = arith.constant 0 : i32
        %dma_wait3A_72 = arith.constant 0 : i32
        %dma_wait3A_73 = tpu.memref_slice %arg2[%dma_wait3A_71, %dma_wait3A_72] : memref<10000x128xf32, #tpu.memory_space<hbm>> -> memref<10000x128xf32, #tpu.memory_space<hbm>>
        tpu.wait_indirect_dma semaphore(%arg13 : memref<!tpu.dma_semaphore, #tpu.memory_space<semaphore_mem>>) src(%dma_wait3A_73 : memref<10000x128xf32, #tpu.memory_space<hbm>>) dst(%arg9 : memref<128x128xf32, #tpu.memory_space<vmem>>)
        %add3A_74 = arith.constant 2 : i32
        %add3A_75 = arith.addi %mul3A_52, %add3A_74 : i32
        %lt3A = arith.constant 40 : i32
        %lt3A_76 = arith.cmpi slt, %add3A_75, %lt3A : i32
        %convert_element_type3A_77 = arith.extui %lt3A_76 : i1 to i32
        %cond3A_78 = arith.constant 0 : i32
        %cond3A_79 = arith.cmpi ne, %convert_element_type3A_77, %cond3A_78 : i32
        scf.if %cond3A_79 {
          %add3A_82 = arith.constant 2 : i32
          %add3A_83 = arith.addi %mul3A_52, %add3A_82 : i32
          %dma_start3A_84 = arith.constant 0 : i32
          %dma_start3A_85 = tpu.memref_slice %arg10[%add3A_83, %dma_start3A_84] : memref<40x128xi32, #tpu.memory_space<vmem>> -> memref<1x128xi32, #tpu.memory_space<vmem>>
          %dma_start3A_86 = tpu.memref_squeeze %dma_start3A_85 : memref<1x128xi32, #tpu.memory_space<vmem>> -> memref<128xi32, #tpu.memory_space<vmem>>
          %dma_start3A_87 = arith.constant 0 : i32
          %dma_start3A_88 = arith.constant 0 : i32
          %dma_start3A_89 = tpu.memref_slice %arg2[%dma_start3A_87, %dma_start3A_88] : memref<10000x128xf32, #tpu.memory_space<hbm>> -> memref<10000x128xf32, #tpu.memory_space<hbm>>
          tpu.enqueue_indirect_dma source(%dma_start3A_89 : memref<10000x128xf32, #tpu.memory_space<hbm>>) target(%arg8 : memref<128x128xf32, #tpu.memory_space<vmem>>) offsets(%dma_start3A_86 : memref<128xi32, #tpu.memory_space<vmem>>) semaphore(%arg12 : memref<!tpu.dma_semaphore, #tpu.memory_space<semaphore_mem>>)
        } else {
        }
        %add3A_80 = arith.constant 1 : i32
        %add3A_81 = arith.addi %mul3A_52, %add3A_80 : i32
        "tpu.region"() ({
          %run_scoped3A = tpu.sem_alloc : memref<!tpu.dma_semaphore, #tpu.memory_space<semaphore_mem>>
          %dma_start3A_82 = arith.constant 0 : i32
          %dma_start3A_83 = tpu.memref_slice %arg11[%add3A_81, %dma_start3A_82] : memref<40x128xi32, #tpu.memory_space<vmem>> -> memref<1x128xi32, #tpu.memory_space<vmem>>
          %dma_start3A_84 = tpu.memref_squeeze %dma_start3A_83 : memref<1x128xi32, #tpu.memory_space<vmem>> -> memref<128xi32, #tpu.memory_space<vmem>>
          %dma_start3A_85 = arith.constant 0 : i32
          %dma_start3A_86 = arith.constant 0 : i32
          %dma_start3A_87 = tpu.memref_slice %arg7[%dma_start3A_85, %dma_start3A_86] : memref<10128x128xf32, #tpu.memory_space<vmem_shared>> -> memref<10128x128xf32, #tpu.memory_space<vmem_shared>>
          tpu.enqueue_indirect_dma source(%arg9 : memref<128x128xf32, #tpu.memory_space<vmem>>) target(%dma_start3A_87 : memref<10128x128xf32, #tpu.memory_space<vmem_shared>>) offsets(%dma_start3A_84 : memref<128xi32, #tpu.memory_space<vmem>>) semaphore(%run_scoped3A : memref<!tpu.dma_semaphore, #tpu.memory_space<semaphore_mem>>) {add = true}
          %dma_wait3A_88 = arith.constant 0 : i32
          %dma_wait3A_89 = tpu.memref_slice %arg11[%add3A_81, %dma_wait3A_88] : memref<40x128xi32, #tpu.memory_space<vmem>> -> memref<1x128xi32, #tpu.memory_space<vmem>>
          %dma_wait3A_90 = tpu.memref_squeeze %dma_wait3A_89 : memref<1x128xi32, #tpu.memory_space<vmem>> -> memref<128xi32, #tpu.memory_space<vmem>>
          %dma_wait3A_91 = arith.constant 0 : i32
          %dma_wait3A_92 = arith.constant 0 : i32
          %dma_wait3A_93 = tpu.memref_slice %arg7[%dma_wait3A_91, %dma_wait3A_92] : memref<10128x128xf32, #tpu.memory_space<vmem_shared>> -> memref<10128x128xf32, #tpu.memory_space<vmem_shared>>
          tpu.wait_indirect_dma semaphore(%run_scoped3A : memref<!tpu.dma_semaphore, #tpu.memory_space<semaphore_mem>>) src(%arg9 : memref<128x128xf32, #tpu.memory_space<vmem>>) dst(%dma_wait3A_93 : memref<10128x128xf32, #tpu.memory_space<vmem_shared>>)
          tpu.yield
        }) : () -> ()
      }
      %scan3A_45 = arith.constant 20 : i32
    }
    %scan3A_8 = arith.constant 2 : i32
    %barrier3A_9 = arith.constant 0 : index
    tpu.barrier barrier_id(%barrier3A_9)
    %mul3A_10 = arith.constant 10000 : i32
    %mul3A_11 = arith.muli %arg0, %mul3A_10 : i32
    %mul3A_12 = arith.constant 624 : i32
    %mul3A_13 = arith.muli %arg1, %mul3A_12 : i32
    %add3A_14 = arith.addi %mul3A_11, %mul3A_13 : i32
    %scan3A_15 = arith.constant 0 : i32
    %scan3A_16 = arith.constant 13 : i32
    %scan3A_17 = arith.addi %scan3A_15, %scan3A_16 : i32
    %scan3A_18 = arith.constant 1 : i32
    scf.for %scan3A_25 = %scan3A_15 to %scan3A_17 step %scan3A_18  : i32 {
      %mul3A_26 = arith.constant 1 : i32
      %mul3A_27 = arith.muli %scan3A_25, %mul3A_26 : i32
      %add3A_28 = arith.constant 0 : i32
      %add3A_29 = arith.addi %add3A_28, %mul3A_27 : i32
      %mul3A_30 = arith.constant 48 : i32
      %mul3A_31 = arith.muli %add3A_29, %mul3A_30 : i32
      %add3A_32 = arith.addi %mul3A_2, %mul3A_31 : i32
      %mul3A_33 = arith.constant 48 : i32
      %mul3A_34 = arith.muli %add3A_29, %mul3A_33 : i32
      %add3A_35 = arith.addi %add3A_14, %mul3A_34 : i32
      "tpu.region"() ({
        %run_scoped3A = tpu.sem_alloc : memref<!tpu.dma_semaphore, #tpu.memory_space<semaphore_mem>>
        %dma_start3A = arith.constant 0 : i32
        %dma_start3A_36 = tpu.memref_slice %arg6[%add3A_35, %dma_start3A] : memref<20000x128xf32, #tpu.memory_space<hbm>> -> memref<48x128xf32, #tpu.memory_space<hbm>>
        %dma_start3A_37 = arith.constant 0 : i32
        %dma_start3A_38 = tpu.memref_slice %arg7[%add3A_32, %dma_start3A_37] : memref<10128x128xf32, #tpu.memory_space<vmem_shared>> -> memref<48x128xf32, #tpu.memory_space<vmem_shared>>
        tpu.enqueue_dma source(%dma_start3A_38 : memref<48x128xf32, #tpu.memory_space<vmem_shared>>) target(%dma_start3A_36 : memref<48x128xf32, #tpu.memory_space<hbm>>) target_semaphore(%run_scoped3A : memref<!tpu.dma_semaphore, #tpu.memory_space<semaphore_mem>>)
        %dma_wait3A = arith.constant 0 : i32
        %dma_wait3A_39 = tpu.memref_slice %arg6[%add3A_35, %dma_wait3A] : memref<20000x128xf32, #tpu.memory_space<hbm>> -> memref<48x128xf32, #tpu.memory_space<hbm>>
        %dma_wait3A_40 = arith.constant 0 : i32
        %dma_wait3A_41 = tpu.memref_slice %arg7[%add3A_32, %dma_wait3A_40] : memref<10128x128xf32, #tpu.memory_space<vmem_shared>> -> memref<48x128xf32, #tpu.memory_space<vmem_shared>>
        tpu.wait_dma2 semaphore(%run_scoped3A : memref<!tpu.dma_semaphore, #tpu.memory_space<semaphore_mem>>) src(%dma_wait3A_41 : memref<48x128xf32, #tpu.memory_space<vmem_shared>>) dst(%dma_wait3A_39 : memref<48x128xf32, #tpu.memory_space<hbm>>)
        tpu.yield
      }) : () -> ()
    }
    %scan3A_19 = arith.constant 13 : i32
    %eq3A_20 = arith.constant 15 : i32
    %eq3A_21 = arith.cmpi eq, %arg1, %eq3A_20 : i32
    %convert_element_type3A_22 = arith.extui %eq3A_21 : i1 to i32
    %cond3A_23 = arith.constant 0 : i32
    %cond3A_24 = arith.cmpi ne, %convert_element_type3A_22, %cond3A_23 : i32
    scf.if %cond3A_24 {
      %mul3A_25 = arith.constant 10000 : i32
      %mul3A_26 = arith.muli %arg0, %mul3A_25 : i32
      %add3A_27 = arith.constant 9984 : i32
      %add3A_28 = arith.addi %mul3A_26, %add3A_27 : i32
      "tpu.region"() ({
        %run_scoped3A = tpu.sem_alloc : memref<!tpu.dma_semaphore, #tpu.memory_space<semaphore_mem>>
        %dma_start3A = arith.constant 0 : i32
        %dma_start3A_29 = tpu.memref_slice %arg6[%add3A_28, %dma_start3A] : memref<20000x128xf32, #tpu.memory_space<hbm>> -> memref<16x128xf32, #tpu.memory_space<hbm>>
        %dma_start3A_30 = arith.constant 9984 : i32
        %dma_start3A_31 = arith.constant 0 : i32
        %dma_start3A_32 = tpu.memref_slice %arg7[%dma_start3A_30, %dma_start3A_31] : memref<10128x128xf32, #tpu.memory_space<vmem_shared>> -> memref<16x128xf32, #tpu.memory_space<vmem_shared>>
        tpu.enqueue_dma source(%dma_start3A_32 : memref<16x128xf32, #tpu.memory_space<vmem_shared>>) target(%dma_start3A_29 : memref<16x128xf32, #tpu.memory_space<hbm>>) target_semaphore(%run_scoped3A : memref<!tpu.dma_semaphore, #tpu.memory_space<semaphore_mem>>)
        %dma_wait3A = arith.constant 0 : i32
        %dma_wait3A_33 = tpu.memref_slice %arg6[%add3A_28, %dma_wait3A] : memref<20000x128xf32, #tpu.memory_space<hbm>> -> memref<16x128xf32, #tpu.memory_space<hbm>>
        %dma_wait3A_34 = arith.constant 9984 : i32
        %dma_wait3A_35 = arith.constant 0 : i32
        %dma_wait3A_36 = tpu.memref_slice %arg7[%dma_wait3A_34, %dma_wait3A_35] : memref<10128x128xf32, #tpu.memory_space<vmem_shared>> -> memref<16x128xf32, #tpu.memory_space<vmem_shared>>
        tpu.wait_dma2 semaphore(%run_scoped3A : memref<!tpu.dma_semaphore, #tpu.memory_space<semaphore_mem>>) src(%dma_wait3A_36 : memref<16x128xf32, #tpu.memory_space<vmem_shared>>) dst(%dma_wait3A_33 : memref<16x128xf32, #tpu.memory_space<hbm>>)
        tpu.yield
      }) : () -> ()
    } else {
    }
    return
  }
}

#map = affine_map<(d0, d1) -> (0, 0)>
module attributes {stable_mosaic.version = 14 : i64} {
  func.func @_sc_seg_deg_body(%arg0: i32, %arg1: i32, %arg2: memref<10000x128xf32, #tpu.memory_space<hbm>>, %arg3: memref<2560x128xi32, #tpu.memory_space<hbm>>, %arg4: memref<2560x128xi32, #tpu.memory_space<hbm>>, %arg5: memref<640x128xf32, #tpu.memory_space<hbm>>, %arg6: memref<20000x128xf32, #tpu.memory_space<hbm>>, %arg7: memref<20000x16xf32, #tpu.memory_space<hbm>>, %arg8: memref<10128x128xf32, #tpu.memory_space<vmem_shared>>, %arg9: memref<80x128xf32, #tpu.memory_space<vmem_shared>>, %arg10: memref<128x128xf32, #tpu.memory_space<vmem>>, %arg11: memref<128x128xf32, #tpu.memory_space<vmem>>, %arg12: memref<8x128xi32, #tpu.memory_space<vmem>>, %arg13: memref<8x128xi32, #tpu.memory_space<vmem>>, %arg14: memref<8x128xi32, #tpu.memory_space<vmem>>, %arg15: memref<8x128xi32, #tpu.memory_space<vmem>>, %arg16: memref<80x128xf32, #tpu.memory_space<vmem>>, %arg17: memref<16x16xf32, #tpu.memory_space<vmem>>, %arg18: memref<!tpu.dma_semaphore, #tpu.memory_space<semaphore_mem>>, %arg19: memref<!tpu.dma_semaphore, #tpu.memory_space<semaphore_mem>>, %arg20: memref<!tpu.dma_semaphore, #tpu.memory_space<semaphore_mem>>, %arg21: memref<!tpu.dma_semaphore, #tpu.memory_space<semaphore_mem>>) attributes {dimension_semantics = [#tpu.dimension_semantics<core_parallel>, #tpu.dimension_semantics<subcore_parallel>], iteration_bounds = array<i64: 2, 16>, scalar_prefetch = 0 : i64, scratch_operands = 14 : i64, tpu.core_type = #tpu.core_type<sc_vector_subcore>, window_params = [{transform_indices = #map}, {transform_indices = #map}, {transform_indices = #map}, {transform_indices = #map}, {transform_indices = #map}, {transform_indices = #map}]} {
    %mul3A = arith.constant 16 : i32
    %mul3A_0 = arith.muli %arg0, %mul3A : i32
    %add3A = arith.addi %mul3A_0, %arg1 : i32
    %mul3A_1 = arith.constant 624 : i32
    %mul3A_2 = arith.muli %arg1, %mul3A_1 : i32
    "tpu.region"() ({
      %run_scoped3A = tpu.sem_alloc : memref<!tpu.dma_semaphore, #tpu.memory_space<semaphore_mem>>
      %dma_start3A_77 = arith.constant 0 : i32
      %dma_start3A_78 = tpu.memref_slice %arg8[%mul3A_2, %dma_start3A_77] : memref<10128x128xf32, #tpu.memory_space<vmem_shared>> -> memref<624x128xf32, #tpu.memory_space<vmem_shared>>
      %dma_start3A_79 = arith.constant 0 : i32
      %dma_start3A_80 = arith.constant 0 : i32
      %dma_start3A_81 = tpu.memref_slice %arg5[%dma_start3A_79, %dma_start3A_80] : memref<640x128xf32, #tpu.memory_space<hbm>> -> memref<624x128xf32, #tpu.memory_space<hbm>>
      tpu.enqueue_dma source(%dma_start3A_81 : memref<624x128xf32, #tpu.memory_space<hbm>>) target(%dma_start3A_78 : memref<624x128xf32, #tpu.memory_space<vmem_shared>>) target_semaphore(%run_scoped3A : memref<!tpu.dma_semaphore, #tpu.memory_space<semaphore_mem>>)
      %dma_wait3A_82 = arith.constant 0 : i32
      %dma_wait3A_83 = tpu.memref_slice %arg8[%mul3A_2, %dma_wait3A_82] : memref<10128x128xf32, #tpu.memory_space<vmem_shared>> -> memref<624x128xf32, #tpu.memory_space<vmem_shared>>
      %dma_wait3A_84 = arith.constant 0 : i32
      %dma_wait3A_85 = arith.constant 0 : i32
      %dma_wait3A_86 = tpu.memref_slice %arg5[%dma_wait3A_84, %dma_wait3A_85] : memref<640x128xf32, #tpu.memory_space<hbm>> -> memref<624x128xf32, #tpu.memory_space<hbm>>
      tpu.wait_dma2 semaphore(%run_scoped3A : memref<!tpu.dma_semaphore, #tpu.memory_space<semaphore_mem>>) src(%dma_wait3A_86 : memref<624x128xf32, #tpu.memory_space<hbm>>) dst(%dma_wait3A_83 : memref<624x128xf32, #tpu.memory_space<vmem_shared>>)
      tpu.yield
    }) : () -> ()
    %eq3A = arith.constant 15 : i32
    %eq3A_3 = arith.cmpi eq, %arg1, %eq3A : i32
    %convert_element_type3A = arith.extui %eq3A_3 : i1 to i32
    %cond3A = arith.constant 0 : i32
    %cond3A_4 = arith.cmpi ne, %convert_element_type3A, %cond3A : i32
    scf.if %cond3A_4 {
      "tpu.region"() ({
        %run_scoped3A = tpu.sem_alloc : memref<!tpu.dma_semaphore, #tpu.memory_space<semaphore_mem>>
        %dma_start3A_77 = arith.constant 9984 : i32
        %dma_start3A_78 = arith.constant 0 : i32
        %dma_start3A_79 = tpu.memref_slice %arg8[%dma_start3A_77, %dma_start3A_78] : memref<10128x128xf32, #tpu.memory_space<vmem_shared>> -> memref<16x128xf32, #tpu.memory_space<vmem_shared>>
        %dma_start3A_80 = arith.constant 0 : i32
        %dma_start3A_81 = arith.constant 0 : i32
        %dma_start3A_82 = tpu.memref_slice %arg5[%dma_start3A_80, %dma_start3A_81] : memref<640x128xf32, #tpu.memory_space<hbm>> -> memref<16x128xf32, #tpu.memory_space<hbm>>
        tpu.enqueue_dma source(%dma_start3A_82 : memref<16x128xf32, #tpu.memory_space<hbm>>) target(%dma_start3A_79 : memref<16x128xf32, #tpu.memory_space<vmem_shared>>) target_semaphore(%run_scoped3A : memref<!tpu.dma_semaphore, #tpu.memory_space<semaphore_mem>>)
        %dma_wait3A_83 = arith.constant 9984 : i32
        %dma_wait3A_84 = arith.constant 0 : i32
        %dma_wait3A_85 = tpu.memref_slice %arg8[%dma_wait3A_83, %dma_wait3A_84] : memref<10128x128xf32, #tpu.memory_space<vmem_shared>> -> memref<16x128xf32, #tpu.memory_space<vmem_shared>>
        %dma_wait3A_86 = arith.constant 0 : i32
        %dma_wait3A_87 = arith.constant 0 : i32
        %dma_wait3A_88 = tpu.memref_slice %arg5[%dma_wait3A_86, %dma_wait3A_87] : memref<640x128xf32, #tpu.memory_space<hbm>> -> memref<16x128xf32, #tpu.memory_space<hbm>>
        tpu.wait_dma2 semaphore(%run_scoped3A : memref<!tpu.dma_semaphore, #tpu.memory_space<semaphore_mem>>) src(%dma_wait3A_88 : memref<16x128xf32, #tpu.memory_space<hbm>>) dst(%dma_wait3A_85 : memref<16x128xf32, #tpu.memory_space<vmem_shared>>)
        tpu.yield
      }) : () -> ()
    } else {
    }
    %eq3A_5 = arith.constant 0 : i32
    %eq3A_6 = arith.cmpi eq, %arg1, %eq3A_5 : i32
    %convert_element_type3A_7 = arith.extui %eq3A_6 : i1 to i32
    %cond3A_8 = arith.constant 0 : i32
    %cond3A_9 = arith.cmpi ne, %convert_element_type3A_7, %cond3A_8 : i32
    scf.if %cond3A_9 {
      "tpu.region"() ({
        %run_scoped3A = tpu.sem_alloc : memref<!tpu.dma_semaphore, #tpu.memory_space<semaphore_mem>>
        %dma_start3A_77 = arith.constant 0 : i32
        %dma_start3A_78 = arith.constant 0 : i32
        %dma_start3A_79 = tpu.memref_slice %arg5[%dma_start3A_77, %dma_start3A_78] : memref<640x128xf32, #tpu.memory_space<hbm>> -> memref<80x128xf32, #tpu.memory_space<hbm>>
        tpu.enqueue_dma source(%dma_start3A_79 : memref<80x128xf32, #tpu.memory_space<hbm>>) target(%arg9 : memref<80x128xf32, #tpu.memory_space<vmem_shared>>) target_semaphore(%run_scoped3A : memref<!tpu.dma_semaphore, #tpu.memory_space<semaphore_mem>>)
        %dma_wait3A_80 = arith.constant 0 : i32
        %dma_wait3A_81 = arith.constant 0 : i32
        %dma_wait3A_82 = tpu.memref_slice %arg5[%dma_wait3A_80, %dma_wait3A_81] : memref<640x128xf32, #tpu.memory_space<hbm>> -> memref<80x128xf32, #tpu.memory_space<hbm>>
        tpu.wait_dma2 semaphore(%run_scoped3A : memref<!tpu.dma_semaphore, #tpu.memory_space<semaphore_mem>>) src(%dma_wait3A_82 : memref<80x128xf32, #tpu.memory_space<hbm>>) dst(%arg9 : memref<80x128xf32, #tpu.memory_space<vmem_shared>>)
        tpu.yield
      }) : () -> ()
    } else {
    }
    "tpu.region"() ({
      %run_scoped3A = tpu.sem_alloc : memref<!tpu.dma_semaphore, #tpu.memory_space<semaphore_mem>>
      %dma_start3A_77 = arith.constant 0 : i32
      %dma_start3A_78 = arith.constant 0 : i32
      %dma_start3A_79 = tpu.memref_slice %arg5[%dma_start3A_77, %dma_start3A_78] : memref<640x128xf32, #tpu.memory_space<hbm>> -> memref<80x128xf32, #tpu.memory_space<hbm>>
      %dma_start3A_80 = arith.constant 0 : i32
      %dma_start3A_81 = arith.constant 0 : i32
      %dma_start3A_82 = tpu.memref_slice %arg5[%dma_start3A_80, %dma_start3A_81] : memref<640x128xf32, #tpu.memory_space<hbm>> -> memref<80x128xf32, #tpu.memory_space<hbm>>
      tpu.enqueue_dma source(%dma_start3A_82 : memref<80x128xf32, #tpu.memory_space<hbm>>) target(%arg16 : memref<80x128xf32, #tpu.memory_space<vmem>>) target_semaphore(%run_scoped3A : memref<!tpu.dma_semaphore, #tpu.memory_space<semaphore_mem>>)
      %dma_wait3A_83 = arith.constant 0 : i32
      %dma_wait3A_84 = arith.constant 0 : i32
      %dma_wait3A_85 = tpu.memref_slice %arg5[%dma_wait3A_83, %dma_wait3A_84] : memref<640x128xf32, #tpu.memory_space<hbm>> -> memref<80x128xf32, #tpu.memory_space<hbm>>
      %dma_wait3A_86 = arith.constant 0 : i32
      %dma_wait3A_87 = arith.constant 0 : i32
      %dma_wait3A_88 = tpu.memref_slice %arg5[%dma_wait3A_86, %dma_wait3A_87] : memref<640x128xf32, #tpu.memory_space<hbm>> -> memref<80x128xf32, #tpu.memory_space<hbm>>
      tpu.wait_dma2 semaphore(%run_scoped3A : memref<!tpu.dma_semaphore, #tpu.memory_space<semaphore_mem>>) src(%dma_wait3A_88 : memref<80x128xf32, #tpu.memory_space<hbm>>) dst(%arg16 : memref<80x128xf32, #tpu.memory_space<vmem>>)
      tpu.yield
    }) : () -> ()
    %barrier3A = arith.constant 0 : index
    tpu.barrier barrier_id(%barrier3A)
    %mul3A_10 = arith.constant 80 : i32
    %mul3A_11 = arith.muli %add3A, %mul3A_10 : i32
    %add3A_12 = arith.constant 0 : i32
    %add3A_13 = arith.addi %mul3A_11, %add3A_12 : i32
    %dma_start3A = arith.constant 0 : i32
    %dma_start3A_14 = tpu.memref_slice %arg3[%add3A_13, %dma_start3A] : memref<2560x128xi32, #tpu.memory_space<hbm>> -> memref<8x128xi32, #tpu.memory_space<hbm>>
    %dma_start3A_15 = arith.constant 0 : i32
    %dma_start3A_16 = tpu.memref_slice %arg3[%add3A_13, %dma_start3A_15] : memref<2560x128xi32, #tpu.memory_space<hbm>> -> memref<8x128xi32, #tpu.memory_space<hbm>>
    tpu.enqueue_dma source(%dma_start3A_16 : memref<8x128xi32, #tpu.memory_space<hbm>>) target(%arg12 : memref<8x128xi32, #tpu.memory_space<vmem>>) target_semaphore(%arg20 : memref<!tpu.dma_semaphore, #tpu.memory_space<semaphore_mem>>)
    %dma_start3A_17 = arith.constant 0 : i32
    %dma_start3A_18 = tpu.memref_slice %arg4[%add3A_13, %dma_start3A_17] : memref<2560x128xi32, #tpu.memory_space<hbm>> -> memref<8x128xi32, #tpu.memory_space<hbm>>
    %dma_start3A_19 = arith.constant 0 : i32
    %dma_start3A_20 = tpu.memref_slice %arg4[%add3A_13, %dma_start3A_19] : memref<2560x128xi32, #tpu.memory_space<hbm>> -> memref<8x128xi32, #tpu.memory_space<hbm>>
    tpu.enqueue_dma source(%dma_start3A_20 : memref<8x128xi32, #tpu.memory_space<hbm>>) target(%arg13 : memref<8x128xi32, #tpu.memory_space<vmem>>) target_semaphore(%arg20 : memref<!tpu.dma_semaphore, #tpu.memory_space<semaphore_mem>>)
    %dma_wait3A = arith.constant 0 : i32
    %dma_wait3A_21 = arith.constant 0 : i32
    %dma_wait3A_22 = tpu.memref_slice %arg3[%dma_wait3A, %dma_wait3A_21] : memref<2560x128xi32, #tpu.memory_space<hbm>> -> memref<8x128xi32, #tpu.memory_space<hbm>>
    %dma_wait3A_23 = arith.constant 0 : i32
    %dma_wait3A_24 = arith.constant 0 : i32
    %dma_wait3A_25 = tpu.memref_slice %arg3[%dma_wait3A_23, %dma_wait3A_24] : memref<2560x128xi32, #tpu.memory_space<hbm>> -> memref<8x128xi32, #tpu.memory_space<hbm>>
    tpu.wait_dma2 semaphore(%arg20 : memref<!tpu.dma_semaphore, #tpu.memory_space<semaphore_mem>>) src(%dma_wait3A_25 : memref<8x128xi32, #tpu.memory_space<hbm>>) dst(%arg12 : memref<8x128xi32, #tpu.memory_space<vmem>>)
    %dma_wait3A_26 = arith.constant 0 : i32
    %dma_wait3A_27 = arith.constant 0 : i32
    %dma_wait3A_28 = tpu.memref_slice %arg4[%dma_wait3A_26, %dma_wait3A_27] : memref<2560x128xi32, #tpu.memory_space<hbm>> -> memref<8x128xi32, #tpu.memory_space<hbm>>
    %dma_wait3A_29 = arith.constant 0 : i32
    %dma_wait3A_30 = arith.constant 0 : i32
    %dma_wait3A_31 = tpu.memref_slice %arg4[%dma_wait3A_29, %dma_wait3A_30] : memref<2560x128xi32, #tpu.memory_space<hbm>> -> memref<8x128xi32, #tpu.memory_space<hbm>>
    tpu.wait_dma2 semaphore(%arg20 : memref<!tpu.dma_semaphore, #tpu.memory_space<semaphore_mem>>) src(%dma_wait3A_31 : memref<8x128xi32, #tpu.memory_space<hbm>>) dst(%arg13 : memref<8x128xi32, #tpu.memory_space<vmem>>)
    %scan3A = arith.constant 0 : i32
    %scan3A_32 = arith.constant 5 : i32
    %scan3A_33 = arith.addi %scan3A, %scan3A_32 : i32
    %scan3A_34 = arith.constant 1 : i32
    scf.for %scan3A_77 = %scan3A to %scan3A_33 step %scan3A_34  : i32 {
      %mul3A_78 = arith.constant 1 : i32
      %mul3A_79 = arith.muli %scan3A_77, %mul3A_78 : i32
      %add3A_80 = arith.constant 0 : i32
      %add3A_81 = arith.addi %add3A_80, %mul3A_79 : i32
      %mul3A_82 = arith.constant 2 : i32
      %mul3A_83 = arith.muli %mul3A_82, %add3A_81 : i32
      %add3A_84 = arith.constant 1 : i32
      %add3A_85 = arith.addi %mul3A_83, %add3A_84 : i32
      %mul3A_86 = arith.constant 80 : i32
      %mul3A_87 = arith.muli %add3A, %mul3A_86 : i32
      %mul3A_88 = arith.constant 8 : i32
      %mul3A_89 = arith.muli %add3A_85, %mul3A_88 : i32
      %add3A_90 = arith.addi %mul3A_87, %mul3A_89 : i32
      %dma_start3A_91 = arith.constant 0 : i32
      %dma_start3A_92 = tpu.memref_slice %arg3[%add3A_90, %dma_start3A_91] : memref<2560x128xi32, #tpu.memory_space<hbm>> -> memref<8x128xi32, #tpu.memory_space<hbm>>
      %dma_start3A_93 = arith.constant 0 : i32
      %dma_start3A_94 = tpu.memref_slice %arg3[%add3A_90, %dma_start3A_93] : memref<2560x128xi32, #tpu.memory_space<hbm>> -> memref<8x128xi32, #tpu.memory_space<hbm>>
      tpu.enqueue_dma source(%dma_start3A_94 : memref<8x128xi32, #tpu.memory_space<hbm>>) target(%arg14 : memref<8x128xi32, #tpu.memory_space<vmem>>) target_semaphore(%arg20 : memref<!tpu.dma_semaphore, #tpu.memory_space<semaphore_mem>>)
      %dma_start3A_95 = arith.constant 0 : i32
      %dma_start3A_96 = tpu.memref_slice %arg4[%add3A_90, %dma_start3A_95] : memref<2560x128xi32, #tpu.memory_space<hbm>> -> memref<8x128xi32, #tpu.memory_space<hbm>>
      %dma_start3A_97 = arith.constant 0 : i32
      %dma_start3A_98 = tpu.memref_slice %arg4[%add3A_90, %dma_start3A_97] : memref<2560x128xi32, #tpu.memory_space<hbm>> -> memref<8x128xi32, #tpu.memory_space<hbm>>
      tpu.enqueue_dma source(%dma_start3A_98 : memref<8x128xi32, #tpu.memory_space<hbm>>) target(%arg15 : memref<8x128xi32, #tpu.memory_space<vmem>>) target_semaphore(%arg20 : memref<!tpu.dma_semaphore, #tpu.memory_space<semaphore_mem>>)
      %dma_start3A_99 = arith.constant 0 : i32
      %dma_start3A_100 = arith.constant 0 : i32
      %dma_start3A_101 = tpu.memref_slice %arg12[%dma_start3A_99, %dma_start3A_100] : memref<8x128xi32, #tpu.memory_space<vmem>> -> memref<1x128xi32, #tpu.memory_space<vmem>>
      %dma_start3A_102 = tpu.memref_squeeze %dma_start3A_101 : memref<1x128xi32, #tpu.memory_space<vmem>> -> memref<128xi32, #tpu.memory_space<vmem>>
      %dma_start3A_103 = arith.constant 0 : i32
      %dma_start3A_104 = arith.constant 0 : i32
      %dma_start3A_105 = tpu.memref_slice %arg2[%dma_start3A_103, %dma_start3A_104] : memref<10000x128xf32, #tpu.memory_space<hbm>> -> memref<10000x128xf32, #tpu.memory_space<hbm>>
      tpu.enqueue_indirect_dma source(%dma_start3A_105 : memref<10000x128xf32, #tpu.memory_space<hbm>>) target(%arg10 : memref<128x128xf32, #tpu.memory_space<vmem>>) offsets(%dma_start3A_102 : memref<128xi32, #tpu.memory_space<vmem>>) semaphore(%arg18 : memref<!tpu.dma_semaphore, #tpu.memory_space<semaphore_mem>>)
      %scan3A_106 = arith.constant 0 : i32
      %scan3A_107 = arith.constant 4 : i32
      %scan3A_108 = arith.addi %scan3A_106, %scan3A_107 : i32
      %scan3A_109 = arith.constant 1 : i32
      scf.for %scan3A_152 = %scan3A_106 to %scan3A_108 step %scan3A_109  : i32 {
        %mul3A_153 = arith.constant 1 : i32
        %mul3A_154 = arith.muli %scan3A_152, %mul3A_153 : i32
        %add3A_155 = arith.constant 0 : i32
        %add3A_156 = arith.addi %add3A_155, %mul3A_154 : i32
        %mul3A_157 = arith.constant 2 : i32
        %mul3A_158 = arith.muli %mul3A_157, %add3A_156 : i32
        %dma_wait3A_159 = arith.constant 0 : i32
        %dma_wait3A_160 = arith.constant 0 : i32
        %dma_wait3A_161 = tpu.memref_slice %arg12[%dma_wait3A_159, %dma_wait3A_160] : memref<8x128xi32, #tpu.memory_space<vmem>> -> memref<1x128xi32, #tpu.memory_space<vmem>>
        %dma_wait3A_162 = tpu.memref_squeeze %dma_wait3A_161 : memref<1x128xi32, #tpu.memory_space<vmem>> -> memref<128xi32, #tpu.memory_space<vmem>>
        %dma_wait3A_163 = arith.constant 0 : i32
        %dma_wait3A_164 = arith.constant 0 : i32
        %dma_wait3A_165 = tpu.memref_slice %arg2[%dma_wait3A_163, %dma_wait3A_164] : memref<10000x128xf32, #tpu.memory_space<hbm>> -> memref<10000x128xf32, #tpu.memory_space<hbm>>
        tpu.wait_indirect_dma semaphore(%arg18 : memref<!tpu.dma_semaphore, #tpu.memory_space<semaphore_mem>>) src(%dma_wait3A_165 : memref<10000x128xf32, #tpu.memory_space<hbm>>) dst(%arg10 : memref<128x128xf32, #tpu.memory_space<vmem>>)
        %add3A_166 = arith.constant 1 : i32
        %add3A_167 = arith.addi %mul3A_158, %add3A_166 : i32
        %dma_start3A_168 = arith.constant 0 : i32
        %dma_start3A_169 = tpu.memref_slice %arg12[%add3A_167, %dma_start3A_168] : memref<8x128xi32, #tpu.memory_space<vmem>> -> memref<1x128xi32, #tpu.memory_space<vmem>>
        %dma_start3A_170 = tpu.memref_squeeze %dma_start3A_169 : memref<1x128xi32, #tpu.memory_space<vmem>> -> memref<128xi32, #tpu.memory_space<vmem>>
        %dma_start3A_171 = arith.constant 0 : i32
        %dma_start3A_172 = arith.constant 0 : i32
        %dma_start3A_173 = tpu.memref_slice %arg2[%dma_start3A_171, %dma_start3A_172] : memref<10000x128xf32, #tpu.memory_space<hbm>> -> memref<10000x128xf32, #tpu.memory_space<hbm>>
        tpu.enqueue_indirect_dma source(%dma_start3A_173 : memref<10000x128xf32, #tpu.memory_space<hbm>>) target(%arg11 : memref<128x128xf32, #tpu.memory_space<vmem>>) offsets(%dma_start3A_170 : memref<128xi32, #tpu.memory_space<vmem>>) semaphore(%arg19 : memref<!tpu.dma_semaphore, #tpu.memory_space<semaphore_mem>>)
        %dma_start3A_174 = arith.constant 0 : i32
        %dma_start3A_175 = tpu.memref_slice %arg13[%mul3A_158, %dma_start3A_174] : memref<8x128xi32, #tpu.memory_space<vmem>> -> memref<1x128xi32, #tpu.memory_space<vmem>>
        %dma_start3A_176 = tpu.memref_squeeze %dma_start3A_175 : memref<1x128xi32, #tpu.memory_space<vmem>> -> memref<128xi32, #tpu.memory_space<vmem>>
        %dma_start3A_177 = arith.constant 0 : i32
        %dma_start3A_178 = arith.constant 0 : i32
        %dma_start3A_179 = tpu.memref_slice %arg8[%dma_start3A_177, %dma_start3A_178] : memref<10128x128xf32, #tpu.memory_space<vmem_shared>> -> memref<10128x128xf32, #tpu.memory_space<vmem_shared>>
        tpu.enqueue_indirect_dma source(%arg10 : memref<128x128xf32, #tpu.memory_space<vmem>>) target(%dma_start3A_179 : memref<10128x128xf32, #tpu.memory_space<vmem_shared>>) offsets(%dma_start3A_176 : memref<128xi32, #tpu.memory_space<vmem>>) semaphore(%arg21 : memref<!tpu.dma_semaphore, #tpu.memory_space<semaphore_mem>>) {add = true}
        %scan3A_180 = arith.constant 0 : i32
        %scan3A_181 = arith.constant 8 : i32
        %scan3A_182 = arith.addi %scan3A_180, %scan3A_181 : i32
        %scan3A_183 = arith.constant 1 : i32
        scf.for %scan3A_228 = %scan3A_180 to %scan3A_182 step %scan3A_183  : i32 {
          %mul3A_229 = arith.constant 16 : i32
          %mul3A_230 = arith.muli %scan3A_228, %mul3A_229 : i32
          %add3A_231 = arith.constant 0 : i32
          %add3A_232 = arith.addi %add3A_231, %mul3A_230 : i32
          %broadcast_in_dim3A = vector.broadcast %mul3A_158 : i32 to vector<16xi32>
          %iota3A_233 = tpu.iota {dimensions = array<i32: 0>} : vector<16xi32>
          %add3A_234 = vector.broadcast %add3A_232 : i32 to vector<16xi32>
          %add3A_235 = arith.addi %add3A_234, %iota3A_233 : vector<16xi32>
          %gather3A = tpu.vector_load_idx %arg13[%broadcast_in_dim3A, %add3A_235] : memref<8x128xi32, #tpu.memory_space<vmem>>[vector<16xi32>, vector<16xi32>], vector<16xi32>,
          %shift_right_logical3A = arith.constant 7 : i32
          %shift_right_logical3A_236 = vector.broadcast %shift_right_logical3A : i32 to vector<16xi32>
          %shift_right_logical3A_237 = arith.shrui %gather3A, %shift_right_logical3A_236 : vector<16xi32>
          %and3A = arith.constant 127 : i32
          %and3A_238 = vector.broadcast %and3A : i32 to vector<16xi32>
          %and3A_239 = arith.andi %gather3A, %and3A_238 : vector<16xi32>
          %broadcast_in_dim3A_240 = arith.constant 1.000000e+00 : f32
          %broadcast_in_dim3A_241 = vector.broadcast %broadcast_in_dim3A_240 : f32 to vector<16xf32>
          tpu.vector_store_idx %arg16[%shift_right_logical3A_237, %and3A_239], %broadcast_in_dim3A_241 {add = true} : memref<80x128xf32, #tpu.memory_space<vmem>>[vector<16xi32>, vector<16xi32>], vector<16xf32>,
        }
        %scan3A_184 = arith.constant 8 : i32
        %dma_wait3A_185 = arith.constant 0 : i32
        %dma_wait3A_186 = tpu.memref_slice %arg13[%mul3A_158, %dma_wait3A_185] : memref<8x128xi32, #tpu.memory_space<vmem>> -> memref<1x128xi32, #tpu.memory_space<vmem>>
        %dma_wait3A_187 = tpu.memref_squeeze %dma_wait3A_186 : memref<1x128xi32, #tpu.memory_space<vmem>> -> memref<128xi32, #tpu.memory_space<vmem>>
        %dma_wait3A_188 = arith.constant 0 : i32
        %dma_wait3A_189 = arith.constant 0 : i32
        %dma_wait3A_190 = tpu.memref_slice %arg8[%dma_wait3A_188, %dma_wait3A_189] : memref<10128x128xf32, #tpu.memory_space<vmem_shared>> -> memref<10128x128xf32, #tpu.memory_space<vmem_shared>>
        tpu.wait_indirect_dma semaphore(%arg21 : memref<!tpu.dma_semaphore, #tpu.memory_space<semaphore_mem>>) src(%arg10 : memref<128x128xf32, #tpu.memory_space<vmem>>) dst(%dma_wait3A_190 : memref<10128x128xf32, #tpu.memory_space<vmem_shared>>)
        %dma_wait3A_191 = arith.constant 0 : i32
        %dma_wait3A_192 = arith.constant 0 : i32
        %dma_wait3A_193 = tpu.memref_slice %arg12[%dma_wait3A_191, %dma_wait3A_192] : memref<8x128xi32, #tpu.memory_space<vmem>> -> memref<1x128xi32, #tpu.memory_space<vmem>>
        %dma_wait3A_194 = tpu.memref_squeeze %dma_wait3A_193 : memref<1x128xi32, #tpu.memory_space<vmem>> -> memref<128xi32, #tpu.memory_space<vmem>>
        %dma_wait3A_195 = arith.constant 0 : i32
        %dma_wait3A_196 = arith.constant 0 : i32
        %dma_wait3A_197 = tpu.memref_slice %arg2[%dma_wait3A_195, %dma_wait3A_196] : memref<10000x128xf32, #tpu.memory_space<hbm>> -> memref<10000x128xf32, #tpu.memory_space<hbm>>
        tpu.wait_indirect_dma semaphore(%arg19 : memref<!tpu.dma_semaphore, #tpu.memory_space<semaphore_mem>>) src(%dma_wait3A_197 : memref<10000x128xf32, #tpu.memory_space<hbm>>) dst(%arg11 : memref<128x128xf32, #tpu.memory_space<vmem>>)
        %add3A_198 = arith.constant 2 : i32
        %add3A_199 = arith.addi %mul3A_158, %add3A_198 : i32
        %lt3A_200 = arith.constant 8 : i32
        %lt3A_201 = arith.cmpi slt, %add3A_199, %lt3A_200 : i32
        %convert_element_type3A_202 = arith.extui %lt3A_201 : i1 to i32
        %cond3A_203 = arith.constant 0 : i32
        %cond3A_204 = arith.cmpi ne, %convert_element_type3A_202, %cond3A_203 : i32
        scf.if %cond3A_204 {
          %add3A_228 = arith.constant 2 : i32
          %add3A_229 = arith.addi %mul3A_158, %add3A_228 : i32
          %dma_start3A_230 = arith.constant 0 : i32
          %dma_start3A_231 = tpu.memref_slice %arg12[%add3A_229, %dma_start3A_230] : memref<8x128xi32, #tpu.memory_space<vmem>> -> memref<1x128xi32, #tpu.memory_space<vmem>>
          %dma_start3A_232 = tpu.memref_squeeze %dma_start3A_231 : memref<1x128xi32, #tpu.memory_space<vmem>> -> memref<128xi32, #tpu.memory_space<vmem>>
          %dma_start3A_233 = arith.constant 0 : i32
          %dma_start3A_234 = arith.constant 0 : i32
          %dma_start3A_235 = tpu.memref_slice %arg2[%dma_start3A_233, %dma_start3A_234] : memref<10000x128xf32, #tpu.memory_space<hbm>> -> memref<10000x128xf32, #tpu.memory_space<hbm>>
          tpu.enqueue_indirect_dma source(%dma_start3A_235 : memref<10000x128xf32, #tpu.memory_space<hbm>>) target(%arg10 : memref<128x128xf32, #tpu.memory_space<vmem>>) offsets(%dma_start3A_232 : memref<128xi32, #tpu.memory_space<vmem>>) semaphore(%arg18 : memref<!tpu.dma_semaphore, #tpu.memory_space<semaphore_mem>>)
        } else {
        }
        %add3A_205 = arith.constant 1 : i32
        %add3A_206 = arith.addi %mul3A_158, %add3A_205 : i32
        %dma_start3A_207 = arith.constant 0 : i32
        %dma_start3A_208 = tpu.memref_slice %arg13[%add3A_206, %dma_start3A_207] : memref<8x128xi32, #tpu.memory_space<vmem>> -> memref<1x128xi32, #tpu.memory_space<vmem>>
        %dma_start3A_209 = tpu.memref_squeeze %dma_start3A_208 : memref<1x128xi32, #tpu.memory_space<vmem>> -> memref<128xi32, #tpu.memory_space<vmem>>
        %dma_start3A_210 = arith.constant 0 : i32
        %dma_start3A_211 = arith.constant 0 : i32
        %dma_start3A_212 = tpu.memref_slice %arg8[%dma_start3A_210, %dma_start3A_211] : memref<10128x128xf32, #tpu.memory_space<vmem_shared>> -> memref<10128x128xf32, #tpu.memory_space<vmem_shared>>
        tpu.enqueue_indirect_dma source(%arg11 : memref<128x128xf32, #tpu.memory_space<vmem>>) target(%dma_start3A_212 : memref<10128x128xf32, #tpu.memory_space<vmem_shared>>) offsets(%dma_start3A_209 : memref<128xi32, #tpu.memory_space<vmem>>) semaphore(%arg21 : memref<!tpu.dma_semaphore, #tpu.memory_space<semaphore_mem>>) {add = true}
        %add3A_213 = arith.constant 1 : i32
        %add3A_214 = arith.addi %mul3A_158, %add3A_213 : i32
        %scan3A_215 = arith.constant 0 : i32
        %scan3A_216 = arith.constant 8 : i32
        %scan3A_217 = arith.addi %scan3A_215, %scan3A_216 : i32
        %scan3A_218 = arith.constant 1 : i32
        scf.for %scan3A_228 = %scan3A_215 to %scan3A_217 step %scan3A_218  : i32 {
          %mul3A_229 = arith.constant 16 : i32
          %mul3A_230 = arith.muli %scan3A_228, %mul3A_229 : i32
          %add3A_231 = arith.constant 0 : i32
          %add3A_232 = arith.addi %add3A_231, %mul3A_230 : i32
          %broadcast_in_dim3A = vector.broadcast %add3A_214 : i32 to vector<16xi32>
          %iota3A_233 = tpu.iota {dimensions = array<i32: 0>} : vector<16xi32>
          %add3A_234 = vector.broadcast %add3A_232 : i32 to vector<16xi32>
          %add3A_235 = arith.addi %add3A_234, %iota3A_233 : vector<16xi32>
          %gather3A = tpu.vector_load_idx %arg13[%broadcast_in_dim3A, %add3A_235] : memref<8x128xi32, #tpu.memory_space<vmem>>[vector<16xi32>, vector<16xi32>], vector<16xi32>,
          %shift_right_logical3A = arith.constant 7 : i32
          %shift_right_logical3A_236 = vector.broadcast %shift_right_logical3A : i32 to vector<16xi32>
          %shift_right_logical3A_237 = arith.shrui %gather3A, %shift_right_logical3A_236 : vector<16xi32>
          %and3A = arith.constant 127 : i32
          %and3A_238 = vector.broadcast %and3A : i32 to vector<16xi32>
          %and3A_239 = arith.andi %gather3A, %and3A_238 : vector<16xi32>
          %broadcast_in_dim3A_240 = arith.constant 1.000000e+00 : f32
          %broadcast_in_dim3A_241 = vector.broadcast %broadcast_in_dim3A_240 : f32 to vector<16xf32>
          tpu.vector_store_idx %arg16[%shift_right_logical3A_237, %and3A_239], %broadcast_in_dim3A_241 {add = true} : memref<80x128xf32, #tpu.memory_space<vmem>>[vector<16xi32>, vector<16xi32>], vector<16xf32>,
        }
        %scan3A_219 = arith.constant 8 : i32
        %add3A_220 = arith.constant 1 : i32
        %add3A_221 = arith.addi %mul3A_158, %add3A_220 : i32
        %dma_wait3A_222 = arith.constant 0 : i32
        %dma_wait3A_223 = tpu.memref_slice %arg13[%add3A_221, %dma_wait3A_222] : memref<8x128xi32, #tpu.memory_space<vmem>> -> memref<1x128xi32, #tpu.memory_space<vmem>>
        %dma_wait3A_224 = tpu.memref_squeeze %dma_wait3A_223 : memref<1x128xi32, #tpu.memory_space<vmem>> -> memref<128xi32, #tpu.memory_space<vmem>>
        %dma_wait3A_225 = arith.constant 0 : i32
        %dma_wait3A_226 = arith.constant 0 : i32
        %dma_wait3A_227 = tpu.memref_slice %arg8[%dma_wait3A_225, %dma_wait3A_226] : memref<10128x128xf32, #tpu.memory_space<vmem_shared>> -> memref<10128x128xf32, #tpu.memory_space<vmem_shared>>
        tpu.wait_indirect_dma semaphore(%arg21 : memref<!tpu.dma_semaphore, #tpu.memory_space<semaphore_mem>>) src(%arg11 : memref<128x128xf32, #tpu.memory_space<vmem>>) dst(%dma_wait3A_227 : memref<10128x128xf32, #tpu.memory_space<vmem_shared>>)
      }
      %scan3A_110 = arith.constant 4 : i32
      %dma_wait3A_111 = arith.constant 0 : i32
      %dma_wait3A_112 = arith.constant 0 : i32
      %dma_wait3A_113 = tpu.memref_slice %arg3[%dma_wait3A_111, %dma_wait3A_112] : memref<2560x128xi32, #tpu.memory_space<hbm>> -> memref<8x128xi32, #tpu.memory_space<hbm>>
      %dma_wait3A_114 = arith.constant 0 : i32
      %dma_wait3A_115 = arith.constant 0 : i32
      %dma_wait3A_116 = tpu.memref_slice %arg3[%dma_wait3A_114, %dma_wait3A_115] : memref<2560x128xi32, #tpu.memory_space<hbm>> -> memref<8x128xi32, #tpu.memory_space<hbm>>
      tpu.wait_dma2 semaphore(%arg20 : memref<!tpu.dma_semaphore, #tpu.memory_space<semaphore_mem>>) src(%dma_wait3A_116 : memref<8x128xi32, #tpu.memory_space<hbm>>) dst(%arg14 : memref<8x128xi32, #tpu.memory_space<vmem>>)
      %dma_wait3A_117 = arith.constant 0 : i32
      %dma_wait3A_118 = arith.constant 0 : i32
      %dma_wait3A_119 = tpu.memref_slice %arg4[%dma_wait3A_117, %dma_wait3A_118] : memref<2560x128xi32, #tpu.memory_space<hbm>> -> memref<8x128xi32, #tpu.memory_space<hbm>>
      %dma_wait3A_120 = arith.constant 0 : i32
      %dma_wait3A_121 = arith.constant 0 : i32
      %dma_wait3A_122 = tpu.memref_slice %arg4[%dma_wait3A_120, %dma_wait3A_121] : memref<2560x128xi32, #tpu.memory_space<hbm>> -> memref<8x128xi32, #tpu.memory_space<hbm>>
      tpu.wait_dma2 semaphore(%arg20 : memref<!tpu.dma_semaphore, #tpu.memory_space<semaphore_mem>>) src(%dma_wait3A_122 : memref<8x128xi32, #tpu.memory_space<hbm>>) dst(%arg15 : memref<8x128xi32, #tpu.memory_space<vmem>>)
      %mul3A_123 = arith.constant 2 : i32
      %mul3A_124 = arith.muli %mul3A_123, %add3A_81 : i32
      %add3A_125 = arith.constant 2 : i32
      %add3A_126 = arith.addi %mul3A_124, %add3A_125 : i32
      %lt3A = arith.constant 10 : i32
      %lt3A_127 = arith.cmpi slt, %add3A_126, %lt3A : i32
      %convert_element_type3A_128 = arith.extui %lt3A_127 : i1 to i32
      %cond3A_129 = arith.constant 0 : i32
      %cond3A_130 = arith.cmpi ne, %convert_element_type3A_128, %cond3A_129 : i32
      scf.if %cond3A_130 {
        %mul3A_152 = arith.constant 2 : i32
        %mul3A_153 = arith.muli %mul3A_152, %add3A_81 : i32
        %add3A_154 = arith.constant 2 : i32
        %add3A_155 = arith.addi %mul3A_153, %add3A_154 : i32
        %mul3A_156 = arith.constant 80 : i32
        %mul3A_157 = arith.muli %add3A, %mul3A_156 : i32
        %mul3A_158 = arith.constant 8 : i32
        %mul3A_159 = arith.muli %add3A_155, %mul3A_158 : i32
        %add3A_160 = arith.addi %mul3A_157, %mul3A_159 : i32
        %dma_start3A_161 = arith.constant 0 : i32
        %dma_start3A_162 = tpu.memref_slice %arg3[%add3A_160, %dma_start3A_161] : memref<2560x128xi32, #tpu.memory_space<hbm>> -> memref<8x128xi32, #tpu.memory_space<hbm>>
        %dma_start3A_163 = arith.constant 0 : i32
        %dma_start3A_164 = tpu.memref_slice %arg3[%add3A_160, %dma_start3A_163] : memref<2560x128xi32, #tpu.memory_space<hbm>> -> memref<8x128xi32, #tpu.memory_space<hbm>>
        tpu.enqueue_dma source(%dma_start3A_164 : memref<8x128xi32, #tpu.memory_space<hbm>>) target(%arg12 : memref<8x128xi32, #tpu.memory_space<vmem>>) target_semaphore(%arg20 : memref<!tpu.dma_semaphore, #tpu.memory_space<semaphore_mem>>)
        %dma_start3A_165 = arith.constant 0 : i32
        %dma_start3A_166 = tpu.memref_slice %arg4[%add3A_160, %dma_start3A_165] : memref<2560x128xi32, #tpu.memory_space<hbm>> -> memref<8x128xi32, #tpu.memory_space<hbm>>
        %dma_start3A_167 = arith.constant 0 : i32
        %dma_start3A_168 = tpu.memref_slice %arg4[%add3A_160, %dma_start3A_167] : memref<2560x128xi32, #tpu.memory_space<hbm>> -> memref<8x128xi32, #tpu.memory_space<hbm>>
        tpu.enqueue_dma source(%dma_start3A_168 : memref<8x128xi32, #tpu.memory_space<hbm>>) target(%arg13 : memref<8x128xi32, #tpu.memory_space<vmem>>) target_semaphore(%arg20 : memref<!tpu.dma_semaphore, #tpu.memory_space<semaphore_mem>>)
      } else {
      }
      %dma_start3A_131 = arith.constant 0 : i32
      %dma_start3A_132 = arith.constant 0 : i32
      %dma_start3A_133 = tpu.memref_slice %arg14[%dma_start3A_131, %dma_start3A_132] : memref<8x128xi32, #tpu.memory_space<vmem>> -> memref<1x128xi32, #tpu.memory_space<vmem>>
      %dma_start3A_134 = tpu.memref_squeeze %dma_start3A_133 : memref<1x128xi32, #tpu.memory_space<vmem>> -> memref<128xi32, #tpu.memory_space<vmem>>
      %dma_start3A_135 = arith.constant 0 : i32
      %dma_start3A_136 = arith.constant 0 : i32
      %dma_start3A_137 = tpu.memref_slice %arg2[%dma_start3A_135, %dma_start3A_136] : memref<10000x128xf32, #tpu.memory_space<hbm>> -> memref<10000x128xf32, #tpu.memory_space<hbm>>
      tpu.enqueue_indirect_dma source(%dma_start3A_137 : memref<10000x128xf32, #tpu.memory_space<hbm>>) target(%arg10 : memref<128x128xf32, #tpu.memory_space<vmem>>) offsets(%dma_start3A_134 : memref<128xi32, #tpu.memory_space<vmem>>) semaphore(%arg18 : memref<!tpu.dma_semaphore, #tpu.memory_space<semaphore_mem>>)
      %scan3A_138 = arith.constant 0 : i32
      %scan3A_139 = arith.constant 4 : i32
      %scan3A_140 = arith.addi %scan3A_138, %scan3A_139 : i32
      %scan3A_141 = arith.constant 1 : i32
      scf.for %scan3A_152 = %scan3A_138 to %scan3A_140 step %scan3A_141  : i32 {
        %mul3A_153 = arith.constant 1 : i32
        %mul3A_154 = arith.muli %scan3A_152, %mul3A_153 : i32
        %add3A_155 = arith.constant 0 : i32
        %add3A_156 = arith.addi %add3A_155, %mul3A_154 : i32
        %mul3A_157 = arith.constant 2 : i32
        %mul3A_158 = arith.muli %mul3A_157, %add3A_156 : i32
        %dma_wait3A_159 = arith.constant 0 : i32
        %dma_wait3A_160 = arith.constant 0 : i32
        %dma_wait3A_161 = tpu.memref_slice %arg14[%dma_wait3A_159, %dma_wait3A_160] : memref<8x128xi32, #tpu.memory_space<vmem>> -> memref<1x128xi32, #tpu.memory_space<vmem>>
        %dma_wait3A_162 = tpu.memref_squeeze %dma_wait3A_161 : memref<1x128xi32, #tpu.memory_space<vmem>> -> memref<128xi32, #tpu.memory_space<vmem>>
        %dma_wait3A_163 = arith.constant 0 : i32
        %dma_wait3A_164 = arith.constant 0 : i32
        %dma_wait3A_165 = tpu.memref_slice %arg2[%dma_wait3A_163, %dma_wait3A_164] : memref<10000x128xf32, #tpu.memory_space<hbm>> -> memref<10000x128xf32, #tpu.memory_space<hbm>>
        tpu.wait_indirect_dma semaphore(%arg18 : memref<!tpu.dma_semaphore, #tpu.memory_space<semaphore_mem>>) src(%dma_wait3A_165 : memref<10000x128xf32, #tpu.memory_space<hbm>>) dst(%arg10 : memref<128x128xf32, #tpu.memory_space<vmem>>)
        %add3A_166 = arith.constant 1 : i32
        %add3A_167 = arith.addi %mul3A_158, %add3A_166 : i32
        %dma_start3A_168 = arith.constant 0 : i32
        %dma_start3A_169 = tpu.memref_slice %arg14[%add3A_167, %dma_start3A_168] : memref<8x128xi32, #tpu.memory_space<vmem>> -> memref<1x128xi32, #tpu.memory_space<vmem>>
        %dma_start3A_170 = tpu.memref_squeeze %dma_start3A_169 : memref<1x128xi32, #tpu.memory_space<vmem>> -> memref<128xi32, #tpu.memory_space<vmem>>
        %dma_start3A_171 = arith.constant 0 : i32
        %dma_start3A_172 = arith.constant 0 : i32
        %dma_start3A_173 = tpu.memref_slice %arg2[%dma_start3A_171, %dma_start3A_172] : memref<10000x128xf32, #tpu.memory_space<hbm>> -> memref<10000x128xf32, #tpu.memory_space<hbm>>
        tpu.enqueue_indirect_dma source(%dma_start3A_173 : memref<10000x128xf32, #tpu.memory_space<hbm>>) target(%arg11 : memref<128x128xf32, #tpu.memory_space<vmem>>) offsets(%dma_start3A_170 : memref<128xi32, #tpu.memory_space<vmem>>) semaphore(%arg19 : memref<!tpu.dma_semaphore, #tpu.memory_space<semaphore_mem>>)
        %dma_start3A_174 = arith.constant 0 : i32
        %dma_start3A_175 = tpu.memref_slice %arg15[%mul3A_158, %dma_start3A_174] : memref<8x128xi32, #tpu.memory_space<vmem>> -> memref<1x128xi32, #tpu.memory_space<vmem>>
        %dma_start3A_176 = tpu.memref_squeeze %dma_start3A_175 : memref<1x128xi32, #tpu.memory_space<vmem>> -> memref<128xi32, #tpu.memory_space<vmem>>
        %dma_start3A_177 = arith.constant 0 : i32
        %dma_start3A_178 = arith.constant 0 : i32
        %dma_start3A_179 = tpu.memref_slice %arg8[%dma_start3A_177, %dma_start3A_178] : memref<10128x128xf32, #tpu.memory_space<vmem_shared>> -> memref<10128x128xf32, #tpu.memory_space<vmem_shared>>
        tpu.enqueue_indirect_dma source(%arg10 : memref<128x128xf32, #tpu.memory_space<vmem>>) target(%dma_start3A_179 : memref<10128x128xf32, #tpu.memory_space<vmem_shared>>) offsets(%dma_start3A_176 : memref<128xi32, #tpu.memory_space<vmem>>) semaphore(%arg21 : memref<!tpu.dma_semaphore, #tpu.memory_space<semaphore_mem>>) {add = true}
        %scan3A_180 = arith.constant 0 : i32
        %scan3A_181 = arith.constant 8 : i32
        %scan3A_182 = arith.addi %scan3A_180, %scan3A_181 : i32
        %scan3A_183 = arith.constant 1 : i32
        scf.for %scan3A_228 = %scan3A_180 to %scan3A_182 step %scan3A_183  : i32 {
          %mul3A_229 = arith.constant 16 : i32
          %mul3A_230 = arith.muli %scan3A_228, %mul3A_229 : i32
          %add3A_231 = arith.constant 0 : i32
          %add3A_232 = arith.addi %add3A_231, %mul3A_230 : i32
          %broadcast_in_dim3A = vector.broadcast %mul3A_158 : i32 to vector<16xi32>
          %iota3A_233 = tpu.iota {dimensions = array<i32: 0>} : vector<16xi32>
          %add3A_234 = vector.broadcast %add3A_232 : i32 to vector<16xi32>
          %add3A_235 = arith.addi %add3A_234, %iota3A_233 : vector<16xi32>
          %gather3A = tpu.vector_load_idx %arg15[%broadcast_in_dim3A, %add3A_235] : memref<8x128xi32, #tpu.memory_space<vmem>>[vector<16xi32>, vector<16xi32>], vector<16xi32>,
          %shift_right_logical3A = arith.constant 7 : i32
          %shift_right_logical3A_236 = vector.broadcast %shift_right_logical3A : i32 to vector<16xi32>
          %shift_right_logical3A_237 = arith.shrui %gather3A, %shift_right_logical3A_236 : vector<16xi32>
          %and3A = arith.constant 127 : i32
          %and3A_238 = vector.broadcast %and3A : i32 to vector<16xi32>
          %and3A_239 = arith.andi %gather3A, %and3A_238 : vector<16xi32>
          %broadcast_in_dim3A_240 = arith.constant 1.000000e+00 : f32
          %broadcast_in_dim3A_241 = vector.broadcast %broadcast_in_dim3A_240 : f32 to vector<16xf32>
          tpu.vector_store_idx %arg16[%shift_right_logical3A_237, %and3A_239], %broadcast_in_dim3A_241 {add = true} : memref<80x128xf32, #tpu.memory_space<vmem>>[vector<16xi32>, vector<16xi32>], vector<16xf32>,
        }
        %scan3A_184 = arith.constant 8 : i32
        %dma_wait3A_185 = arith.constant 0 : i32
        %dma_wait3A_186 = tpu.memref_slice %arg15[%mul3A_158, %dma_wait3A_185] : memref<8x128xi32, #tpu.memory_space<vmem>> -> memref<1x128xi32, #tpu.memory_space<vmem>>
        %dma_wait3A_187 = tpu.memref_squeeze %dma_wait3A_186 : memref<1x128xi32, #tpu.memory_space<vmem>> -> memref<128xi32, #tpu.memory_space<vmem>>
        %dma_wait3A_188 = arith.constant 0 : i32
        %dma_wait3A_189 = arith.constant 0 : i32
        %dma_wait3A_190 = tpu.memref_slice %arg8[%dma_wait3A_188, %dma_wait3A_189] : memref<10128x128xf32, #tpu.memory_space<vmem_shared>> -> memref<10128x128xf32, #tpu.memory_space<vmem_shared>>
        tpu.wait_indirect_dma semaphore(%arg21 : memref<!tpu.dma_semaphore, #tpu.memory_space<semaphore_mem>>) src(%arg10 : memref<128x128xf32, #tpu.memory_space<vmem>>) dst(%dma_wait3A_190 : memref<10128x128xf32, #tpu.memory_space<vmem_shared>>)
        %dma_wait3A_191 = arith.constant 0 : i32
        %dma_wait3A_192 = arith.constant 0 : i32
        %dma_wait3A_193 = tpu.memref_slice %arg14[%dma_wait3A_191, %dma_wait3A_192] : memref<8x128xi32, #tpu.memory_space<vmem>> -> memref<1x128xi32, #tpu.memory_space<vmem>>
        %dma_wait3A_194 = tpu.memref_squeeze %dma_wait3A_193 : memref<1x128xi32, #tpu.memory_space<vmem>> -> memref<128xi32, #tpu.memory_space<vmem>>
        %dma_wait3A_195 = arith.constant 0 : i32
        %dma_wait3A_196 = arith.constant 0 : i32
        %dma_wait3A_197 = tpu.memref_slice %arg2[%dma_wait3A_195, %dma_wait3A_196] : memref<10000x128xf32, #tpu.memory_space<hbm>> -> memref<10000x128xf32, #tpu.memory_space<hbm>>
        tpu.wait_indirect_dma semaphore(%arg19 : memref<!tpu.dma_semaphore, #tpu.memory_space<semaphore_mem>>) src(%dma_wait3A_197 : memref<10000x128xf32, #tpu.memory_space<hbm>>) dst(%arg11 : memref<128x128xf32, #tpu.memory_space<vmem>>)
        %add3A_198 = arith.constant 2 : i32
        %add3A_199 = arith.addi %mul3A_158, %add3A_198 : i32
        %lt3A_200 = arith.constant 8 : i32
        %lt3A_201 = arith.cmpi slt, %add3A_199, %lt3A_200 : i32
        %convert_element_type3A_202 = arith.extui %lt3A_201 : i1 to i32
        %cond3A_203 = arith.constant 0 : i32
        %cond3A_204 = arith.cmpi ne, %convert_element_type3A_202, %cond3A_203 : i32
        scf.if %cond3A_204 {
          %add3A_228 = arith.constant 2 : i32
          %add3A_229 = arith.addi %mul3A_158, %add3A_228 : i32
          %dma_start3A_230 = arith.constant 0 : i32
          %dma_start3A_231 = tpu.memref_slice %arg14[%add3A_229, %dma_start3A_230] : memref<8x128xi32, #tpu.memory_space<vmem>> -> memref<1x128xi32, #tpu.memory_space<vmem>>
          %dma_start3A_232 = tpu.memref_squeeze %dma_start3A_231 : memref<1x128xi32, #tpu.memory_space<vmem>> -> memref<128xi32, #tpu.memory_space<vmem>>
          %dma_start3A_233 = arith.constant 0 : i32
          %dma_start3A_234 = arith.constant 0 : i32
          %dma_start3A_235 = tpu.memref_slice %arg2[%dma_start3A_233, %dma_start3A_234] : memref<10000x128xf32, #tpu.memory_space<hbm>> -> memref<10000x128xf32, #tpu.memory_space<hbm>>
          tpu.enqueue_indirect_dma source(%dma_start3A_235 : memref<10000x128xf32, #tpu.memory_space<hbm>>) target(%arg10 : memref<128x128xf32, #tpu.memory_space<vmem>>) offsets(%dma_start3A_232 : memref<128xi32, #tpu.memory_space<vmem>>) semaphore(%arg18 : memref<!tpu.dma_semaphore, #tpu.memory_space<semaphore_mem>>)
        } else {
        }
        %add3A_205 = arith.constant 1 : i32
        %add3A_206 = arith.addi %mul3A_158, %add3A_205 : i32
        %dma_start3A_207 = arith.constant 0 : i32
        %dma_start3A_208 = tpu.memref_slice %arg15[%add3A_206, %dma_start3A_207] : memref<8x128xi32, #tpu.memory_space<vmem>> -> memref<1x128xi32, #tpu.memory_space<vmem>>
        %dma_start3A_209 = tpu.memref_squeeze %dma_start3A_208 : memref<1x128xi32, #tpu.memory_space<vmem>> -> memref<128xi32, #tpu.memory_space<vmem>>
        %dma_start3A_210 = arith.constant 0 : i32
        %dma_start3A_211 = arith.constant 0 : i32
        %dma_start3A_212 = tpu.memref_slice %arg8[%dma_start3A_210, %dma_start3A_211] : memref<10128x128xf32, #tpu.memory_space<vmem_shared>> -> memref<10128x128xf32, #tpu.memory_space<vmem_shared>>
        tpu.enqueue_indirect_dma source(%arg11 : memref<128x128xf32, #tpu.memory_space<vmem>>) target(%dma_start3A_212 : memref<10128x128xf32, #tpu.memory_space<vmem_shared>>) offsets(%dma_start3A_209 : memref<128xi32, #tpu.memory_space<vmem>>) semaphore(%arg21 : memref<!tpu.dma_semaphore, #tpu.memory_space<semaphore_mem>>) {add = true}
        %add3A_213 = arith.constant 1 : i32
        %add3A_214 = arith.addi %mul3A_158, %add3A_213 : i32
        %scan3A_215 = arith.constant 0 : i32
        %scan3A_216 = arith.constant 8 : i32
        %scan3A_217 = arith.addi %scan3A_215, %scan3A_216 : i32
        %scan3A_218 = arith.constant 1 : i32
        scf.for %scan3A_228 = %scan3A_215 to %scan3A_217 step %scan3A_218  : i32 {
          %mul3A_229 = arith.constant 16 : i32
          %mul3A_230 = arith.muli %scan3A_228, %mul3A_229 : i32
          %add3A_231 = arith.constant 0 : i32
          %add3A_232 = arith.addi %add3A_231, %mul3A_230 : i32
          %broadcast_in_dim3A = vector.broadcast %add3A_214 : i32 to vector<16xi32>
          %iota3A_233 = tpu.iota {dimensions = array<i32: 0>} : vector<16xi32>
          %add3A_234 = vector.broadcast %add3A_232 : i32 to vector<16xi32>
          %add3A_235 = arith.addi %add3A_234, %iota3A_233 : vector<16xi32>
          %gather3A = tpu.vector_load_idx %arg15[%broadcast_in_dim3A, %add3A_235] : memref<8x128xi32, #tpu.memory_space<vmem>>[vector<16xi32>, vector<16xi32>], vector<16xi32>,
          %shift_right_logical3A = arith.constant 7 : i32
          %shift_right_logical3A_236 = vector.broadcast %shift_right_logical3A : i32 to vector<16xi32>
          %shift_right_logical3A_237 = arith.shrui %gather3A, %shift_right_logical3A_236 : vector<16xi32>
          %and3A = arith.constant 127 : i32
          %and3A_238 = vector.broadcast %and3A : i32 to vector<16xi32>
          %and3A_239 = arith.andi %gather3A, %and3A_238 : vector<16xi32>
          %broadcast_in_dim3A_240 = arith.constant 1.000000e+00 : f32
          %broadcast_in_dim3A_241 = vector.broadcast %broadcast_in_dim3A_240 : f32 to vector<16xf32>
          tpu.vector_store_idx %arg16[%shift_right_logical3A_237, %and3A_239], %broadcast_in_dim3A_241 {add = true} : memref<80x128xf32, #tpu.memory_space<vmem>>[vector<16xi32>, vector<16xi32>], vector<16xf32>,
        }
        %scan3A_219 = arith.constant 8 : i32
        %add3A_220 = arith.constant 1 : i32
        %add3A_221 = arith.addi %mul3A_158, %add3A_220 : i32
        %dma_wait3A_222 = arith.constant 0 : i32
        %dma_wait3A_223 = tpu.memref_slice %arg15[%add3A_221, %dma_wait3A_222] : memref<8x128xi32, #tpu.memory_space<vmem>> -> memref<1x128xi32, #tpu.memory_space<vmem>>
        %dma_wait3A_224 = tpu.memref_squeeze %dma_wait3A_223 : memref<1x128xi32, #tpu.memory_space<vmem>> -> memref<128xi32, #tpu.memory_space<vmem>>
        %dma_wait3A_225 = arith.constant 0 : i32
        %dma_wait3A_226 = arith.constant 0 : i32
        %dma_wait3A_227 = tpu.memref_slice %arg8[%dma_wait3A_225, %dma_wait3A_226] : memref<10128x128xf32, #tpu.memory_space<vmem_shared>> -> memref<10128x128xf32, #tpu.memory_space<vmem_shared>>
        tpu.wait_indirect_dma semaphore(%arg21 : memref<!tpu.dma_semaphore, #tpu.memory_space<semaphore_mem>>) src(%arg11 : memref<128x128xf32, #tpu.memory_space<vmem>>) dst(%dma_wait3A_227 : memref<10128x128xf32, #tpu.memory_space<vmem_shared>>)
      }
      %scan3A_142 = arith.constant 4 : i32
      %mul3A_143 = arith.constant 2 : i32
      %mul3A_144 = arith.muli %mul3A_143, %add3A_81 : i32
      %add3A_145 = arith.constant 2 : i32
      %add3A_146 = arith.addi %mul3A_144, %add3A_145 : i32
      %lt3A_147 = arith.constant 10 : i32
      %lt3A_148 = arith.cmpi slt, %add3A_146, %lt3A_147 : i32
      %convert_element_type3A_149 = arith.extui %lt3A_148 : i1 to i32
      %cond3A_150 = arith.constant 0 : i32
      %cond3A_151 = arith.cmpi ne, %convert_element_type3A_149, %cond3A_150 : i32
      scf.if %cond3A_151 {
        %dma_wait3A_152 = arith.constant 0 : i32
        %dma_wait3A_153 = arith.constant 0 : i32
        %dma_wait3A_154 = tpu.memref_slice %arg3[%dma_wait3A_152, %dma_wait3A_153] : memref<2560x128xi32, #tpu.memory_space<hbm>> -> memref<8x128xi32, #tpu.memory_space<hbm>>
        %dma_wait3A_155 = arith.constant 0 : i32
        %dma_wait3A_156 = arith.constant 0 : i32
        %dma_wait3A_157 = tpu.memref_slice %arg3[%dma_wait3A_155, %dma_wait3A_156] : memref<2560x128xi32, #tpu.memory_space<hbm>> -> memref<8x128xi32, #tpu.memory_space<hbm>>
        tpu.wait_dma2 semaphore(%arg20 : memref<!tpu.dma_semaphore, #tpu.memory_space<semaphore_mem>>) src(%dma_wait3A_157 : memref<8x128xi32, #tpu.memory_space<hbm>>) dst(%arg12 : memref<8x128xi32, #tpu.memory_space<vmem>>)
        %dma_wait3A_158 = arith.constant 0 : i32
        %dma_wait3A_159 = arith.constant 0 : i32
        %dma_wait3A_160 = tpu.memref_slice %arg4[%dma_wait3A_158, %dma_wait3A_159] : memref<2560x128xi32, #tpu.memory_space<hbm>> -> memref<8x128xi32, #tpu.memory_space<hbm>>
        %dma_wait3A_161 = arith.constant 0 : i32
        %dma_wait3A_162 = arith.constant 0 : i32
        %dma_wait3A_163 = tpu.memref_slice %arg4[%dma_wait3A_161, %dma_wait3A_162] : memref<2560x128xi32, #tpu.memory_space<hbm>> -> memref<8x128xi32, #tpu.memory_space<hbm>>
        tpu.wait_dma2 semaphore(%arg20 : memref<!tpu.dma_semaphore, #tpu.memory_space<semaphore_mem>>) src(%dma_wait3A_163 : memref<8x128xi32, #tpu.memory_space<hbm>>) dst(%arg13 : memref<8x128xi32, #tpu.memory_space<vmem>>)
      } else {
      }
    }
    %scan3A_35 = arith.constant 5 : i32
    %barrier3A_36 = arith.constant 0 : index
    tpu.barrier barrier_id(%barrier3A_36)
    %iota3A = tpu.iota {dimensions = array<i32: 0>} : vector<16xi32>
    %add3A_37 = arith.constant 0 : i32
    %add3A_38 = vector.broadcast %add3A_37 : i32 to vector<16xi32>
    %add3A_39 = arith.addi %add3A_38, %iota3A : vector<16xi32>
    "tpu.region"() ({
      %run_scoped3A = tpu.sem_alloc : memref<!tpu.dma_semaphore, #tpu.memory_space<semaphore_mem>>
      %dma_start3A_77 = arith.constant 0 : i32
      %dma_start3A_78 = arith.constant 0 : i32
      %dma_start3A_79 = tpu.memref_slice %arg16[%dma_start3A_77, %dma_start3A_78] : memref<80x128xf32, #tpu.memory_space<vmem>> -> memref<16x128xf32, #tpu.memory_space<vmem>>
      %dma_start3A_80 = arith.constant 0 : i32
      %dma_start3A_81 = arith.constant 0 : i32
      %dma_start3A_82 = tpu.memref_slice %arg9[%dma_start3A_80, %dma_start3A_81] : memref<80x128xf32, #tpu.memory_space<vmem_shared>> -> memref<80x128xf32, #tpu.memory_space<vmem_shared>>
      tpu.enqueue_indirect_dma source(%dma_start3A_79 : memref<16x128xf32, #tpu.memory_space<vmem>>) target(%dma_start3A_82 : memref<80x128xf32, #tpu.memory_space<vmem_shared>>) offsets(%add3A_39 : vector<16xi32>) semaphore(%run_scoped3A : memref<!tpu.dma_semaphore, #tpu.memory_space<semaphore_mem>>) {add = true}
      %dma_wait3A_83 = arith.constant 0 : i32
      %dma_wait3A_84 = arith.constant 0 : i32
      %dma_wait3A_85 = tpu.memref_slice %arg16[%dma_wait3A_83, %dma_wait3A_84] : memref<80x128xf32, #tpu.memory_space<vmem>> -> memref<16x128xf32, #tpu.memory_space<vmem>>
      %dma_wait3A_86 = arith.constant 0 : i32
      %dma_wait3A_87 = arith.constant 0 : i32
      %dma_wait3A_88 = tpu.memref_slice %arg9[%dma_wait3A_86, %dma_wait3A_87] : memref<80x128xf32, #tpu.memory_space<vmem_shared>> -> memref<80x128xf32, #tpu.memory_space<vmem_shared>>
      tpu.wait_indirect_dma semaphore(%run_scoped3A : memref<!tpu.dma_semaphore, #tpu.memory_space<semaphore_mem>>) src(%dma_wait3A_85 : memref<16x128xf32, #tpu.memory_space<vmem>>) dst(%dma_wait3A_88 : memref<80x128xf32, #tpu.memory_space<vmem_shared>>)
      tpu.yield
    }) : () -> ()
    %iota3A_40 = tpu.iota {dimensions = array<i32: 0>} : vector<16xi32>
    %add3A_41 = arith.constant 16 : i32
    %add3A_42 = vector.broadcast %add3A_41 : i32 to vector<16xi32>
    %add3A_43 = arith.addi %add3A_42, %iota3A_40 : vector<16xi32>
    "tpu.region"() ({
      %run_scoped3A = tpu.sem_alloc : memref<!tpu.dma_semaphore, #tpu.memory_space<semaphore_mem>>
      %dma_start3A_77 = arith.constant 16 : i32
      %dma_start3A_78 = arith.constant 0 : i32
      %dma_start3A_79 = tpu.memref_slice %arg16[%dma_start3A_77, %dma_start3A_78] : memref<80x128xf32, #tpu.memory_space<vmem>> -> memref<16x128xf32, #tpu.memory_space<vmem>>
      %dma_start3A_80 = arith.constant 0 : i32
      %dma_start3A_81 = arith.constant 0 : i32
      %dma_start3A_82 = tpu.memref_slice %arg9[%dma_start3A_80, %dma_start3A_81] : memref<80x128xf32, #tpu.memory_space<vmem_shared>> -> memref<80x128xf32, #tpu.memory_space<vmem_shared>>
      tpu.enqueue_indirect_dma source(%dma_start3A_79 : memref<16x128xf32, #tpu.memory_space<vmem>>) target(%dma_start3A_82 : memref<80x128xf32, #tpu.memory_space<vmem_shared>>) offsets(%add3A_43 : vector<16xi32>) semaphore(%run_scoped3A : memref<!tpu.dma_semaphore, #tpu.memory_space<semaphore_mem>>) {add = true}
      %dma_wait3A_83 = arith.constant 16 : i32
      %dma_wait3A_84 = arith.constant 0 : i32
      %dma_wait3A_85 = tpu.memref_slice %arg16[%dma_wait3A_83, %dma_wait3A_84] : memref<80x128xf32, #tpu.memory_space<vmem>> -> memref<16x128xf32, #tpu.memory_space<vmem>>
      %dma_wait3A_86 = arith.constant 0 : i32
      %dma_wait3A_87 = arith.constant 0 : i32
      %dma_wait3A_88 = tpu.memref_slice %arg9[%dma_wait3A_86, %dma_wait3A_87] : memref<80x128xf32, #tpu.memory_space<vmem_shared>> -> memref<80x128xf32, #tpu.memory_space<vmem_shared>>
      tpu.wait_indirect_dma semaphore(%run_scoped3A : memref<!tpu.dma_semaphore, #tpu.memory_space<semaphore_mem>>) src(%dma_wait3A_85 : memref<16x128xf32, #tpu.memory_space<vmem>>) dst(%dma_wait3A_88 : memref<80x128xf32, #tpu.memory_space<vmem_shared>>)
      tpu.yield
    }) : () -> ()
    %iota3A_44 = tpu.iota {dimensions = array<i32: 0>} : vector<16xi32>
    %add3A_45 = arith.constant 32 : i32
    %add3A_46 = vector.broadcast %add3A_45 : i32 to vector<16xi32>
    %add3A_47 = arith.addi %add3A_46, %iota3A_44 : vector<16xi32>
    "tpu.region"() ({
      %run_scoped3A = tpu.sem_alloc : memref<!tpu.dma_semaphore, #tpu.memory_space<semaphore_mem>>
      %dma_start3A_77 = arith.constant 32 : i32
      %dma_start3A_78 = arith.constant 0 : i32
      %dma_start3A_79 = tpu.memref_slice %arg16[%dma_start3A_77, %dma_start3A_78] : memref<80x128xf32, #tpu.memory_space<vmem>> -> memref<16x128xf32, #tpu.memory_space<vmem>>
      %dma_start3A_80 = arith.constant 0 : i32
      %dma_start3A_81 = arith.constant 0 : i32
      %dma_start3A_82 = tpu.memref_slice %arg9[%dma_start3A_80, %dma_start3A_81] : memref<80x128xf32, #tpu.memory_space<vmem_shared>> -> memref<80x128xf32, #tpu.memory_space<vmem_shared>>
      tpu.enqueue_indirect_dma source(%dma_start3A_79 : memref<16x128xf32, #tpu.memory_space<vmem>>) target(%dma_start3A_82 : memref<80x128xf32, #tpu.memory_space<vmem_shared>>) offsets(%add3A_47 : vector<16xi32>) semaphore(%run_scoped3A : memref<!tpu.dma_semaphore, #tpu.memory_space<semaphore_mem>>) {add = true}
      %dma_wait3A_83 = arith.constant 32 : i32
      %dma_wait3A_84 = arith.constant 0 : i32
      %dma_wait3A_85 = tpu.memref_slice %arg16[%dma_wait3A_83, %dma_wait3A_84] : memref<80x128xf32, #tpu.memory_space<vmem>> -> memref<16x128xf32, #tpu.memory_space<vmem>>
      %dma_wait3A_86 = arith.constant 0 : i32
      %dma_wait3A_87 = arith.constant 0 : i32
      %dma_wait3A_88 = tpu.memref_slice %arg9[%dma_wait3A_86, %dma_wait3A_87] : memref<80x128xf32, #tpu.memory_space<vmem_shared>> -> memref<80x128xf32, #tpu.memory_space<vmem_shared>>
      tpu.wait_indirect_dma semaphore(%run_scoped3A : memref<!tpu.dma_semaphore, #tpu.memory_space<semaphore_mem>>) src(%dma_wait3A_85 : memref<16x128xf32, #tpu.memory_space<vmem>>) dst(%dma_wait3A_88 : memref<80x128xf32, #tpu.memory_space<vmem_shared>>)
      tpu.yield
    }) : () -> ()
    %iota3A_48 = tpu.iota {dimensions = array<i32: 0>} : vector<16xi32>
    %add3A_49 = arith.constant 48 : i32
    %add3A_50 = vector.broadcast %add3A_49 : i32 to vector<16xi32>
    %add3A_51 = arith.addi %add3A_50, %iota3A_48 : vector<16xi32>
    "tpu.region"() ({
      %run_scoped3A = tpu.sem_alloc : memref<!tpu.dma_semaphore, #tpu.memory_space<semaphore_mem>>
      %dma_start3A_77 = arith.constant 48 : i32
      %dma_start3A_78 = arith.constant 0 : i32
      %dma_start3A_79 = tpu.memref_slice %arg16[%dma_start3A_77, %dma_start3A_78] : memref<80x128xf32, #tpu.memory_space<vmem>> -> memref<16x128xf32, #tpu.memory_space<vmem>>
      %dma_start3A_80 = arith.constant 0 : i32
      %dma_start3A_81 = arith.constant 0 : i32
      %dma_start3A_82 = tpu.memref_slice %arg9[%dma_start3A_80, %dma_start3A_81] : memref<80x128xf32, #tpu.memory_space<vmem_shared>> -> memref<80x128xf32, #tpu.memory_space<vmem_shared>>
      tpu.enqueue_indirect_dma source(%dma_start3A_79 : memref<16x128xf32, #tpu.memory_space<vmem>>) target(%dma_start3A_82 : memref<80x128xf32, #tpu.memory_space<vmem_shared>>) offsets(%add3A_51 : vector<16xi32>) semaphore(%run_scoped3A : memref<!tpu.dma_semaphore, #tpu.memory_space<semaphore_mem>>) {add = true}
      %dma_wait3A_83 = arith.constant 48 : i32
      %dma_wait3A_84 = arith.constant 0 : i32
      %dma_wait3A_85 = tpu.memref_slice %arg16[%dma_wait3A_83, %dma_wait3A_84] : memref<80x128xf32, #tpu.memory_space<vmem>> -> memref<16x128xf32, #tpu.memory_space<vmem>>
      %dma_wait3A_86 = arith.constant 0 : i32
      %dma_wait3A_87 = arith.constant 0 : i32
      %dma_wait3A_88 = tpu.memref_slice %arg9[%dma_wait3A_86, %dma_wait3A_87] : memref<80x128xf32, #tpu.memory_space<vmem_shared>> -> memref<80x128xf32, #tpu.memory_space<vmem_shared>>
      tpu.wait_indirect_dma semaphore(%run_scoped3A : memref<!tpu.dma_semaphore, #tpu.memory_space<semaphore_mem>>) src(%dma_wait3A_85 : memref<16x128xf32, #tpu.memory_space<vmem>>) dst(%dma_wait3A_88 : memref<80x128xf32, #tpu.memory_space<vmem_shared>>)
      tpu.yield
    }) : () -> ()
    %iota3A_52 = tpu.iota {dimensions = array<i32: 0>} : vector<16xi32>
    %add3A_53 = arith.constant 64 : i32
    %add3A_54 = vector.broadcast %add3A_53 : i32 to vector<16xi32>
    %add3A_55 = arith.addi %add3A_54, %iota3A_52 : vector<16xi32>
    "tpu.region"() ({
      %run_scoped3A = tpu.sem_alloc : memref<!tpu.dma_semaphore, #tpu.memory_space<semaphore_mem>>
      %dma_start3A_77 = arith.constant 64 : i32
      %dma_start3A_78 = arith.constant 0 : i32
      %dma_start3A_79 = tpu.memref_slice %arg16[%dma_start3A_77, %dma_start3A_78] : memref<80x128xf32, #tpu.memory_space<vmem>> -> memref<16x128xf32, #tpu.memory_space<vmem>>
      %dma_start3A_80 = arith.constant 0 : i32
      %dma_start3A_81 = arith.constant 0 : i32
      %dma_start3A_82 = tpu.memref_slice %arg9[%dma_start3A_80, %dma_start3A_81] : memref<80x128xf32, #tpu.memory_space<vmem_shared>> -> memref<80x128xf32, #tpu.memory_space<vmem_shared>>
      tpu.enqueue_indirect_dma source(%dma_start3A_79 : memref<16x128xf32, #tpu.memory_space<vmem>>) target(%dma_start3A_82 : memref<80x128xf32, #tpu.memory_space<vmem_shared>>) offsets(%add3A_55 : vector<16xi32>) semaphore(%run_scoped3A : memref<!tpu.dma_semaphore, #tpu.memory_space<semaphore_mem>>) {add = true}
      %dma_wait3A_83 = arith.constant 64 : i32
      %dma_wait3A_84 = arith.constant 0 : i32
      %dma_wait3A_85 = tpu.memref_slice %arg16[%dma_wait3A_83, %dma_wait3A_84] : memref<80x128xf32, #tpu.memory_space<vmem>> -> memref<16x128xf32, #tpu.memory_space<vmem>>
      %dma_wait3A_86 = arith.constant 0 : i32
      %dma_wait3A_87 = arith.constant 0 : i32
      %dma_wait3A_88 = tpu.memref_slice %arg9[%dma_wait3A_86, %dma_wait3A_87] : memref<80x128xf32, #tpu.memory_space<vmem_shared>> -> memref<80x128xf32, #tpu.memory_space<vmem_shared>>
      tpu.wait_indirect_dma semaphore(%run_scoped3A : memref<!tpu.dma_semaphore, #tpu.memory_space<semaphore_mem>>) src(%dma_wait3A_85 : memref<16x128xf32, #tpu.memory_space<vmem>>) dst(%dma_wait3A_88 : memref<80x128xf32, #tpu.memory_space<vmem_shared>>)
      tpu.yield
    }) : () -> ()
    %barrier3A_56 = arith.constant 0 : index
    tpu.barrier barrier_id(%barrier3A_56)
    %mul3A_57 = arith.constant 10000 : i32
    %mul3A_58 = arith.muli %arg0, %mul3A_57 : i32
    %mul3A_59 = arith.constant 624 : i32
    %mul3A_60 = arith.muli %arg1, %mul3A_59 : i32
    %add3A_61 = arith.addi %mul3A_58, %mul3A_60 : i32
    "tpu.region"() ({
      %run_scoped3A = tpu.sem_alloc : memref<!tpu.dma_semaphore, #tpu.memory_space<semaphore_mem>>
      %dma_start3A_77 = arith.constant 0 : i32
      %dma_start3A_78 = arith.constant 0 : i32
      %dma_start3A_79 = tpu.memref_slice %arg11[%dma_start3A_77, %dma_start3A_78] : memref<128x128xf32, #tpu.memory_space<vmem>> -> memref<80x128xf32, #tpu.memory_space<vmem>>
      %dma_start3A_80 = arith.constant 0 : i32
      %dma_start3A_81 = arith.constant 0 : i32
      %dma_start3A_82 = tpu.memref_slice %arg11[%dma_start3A_80, %dma_start3A_81] : memref<128x128xf32, #tpu.memory_space<vmem>> -> memref<80x128xf32, #tpu.memory_space<vmem>>
      tpu.enqueue_dma source(%arg9 : memref<80x128xf32, #tpu.memory_space<vmem_shared>>) target(%dma_start3A_82 : memref<80x128xf32, #tpu.memory_space<vmem>>) target_semaphore(%run_scoped3A : memref<!tpu.dma_semaphore, #tpu.memory_space<semaphore_mem>>)
      %dma_wait3A_83 = arith.constant 0 : i32
      %dma_wait3A_84 = arith.constant 0 : i32
      %dma_wait3A_85 = tpu.memref_slice %arg11[%dma_wait3A_83, %dma_wait3A_84] : memref<128x128xf32, #tpu.memory_space<vmem>> -> memref<80x128xf32, #tpu.memory_space<vmem>>
      %dma_wait3A_86 = arith.constant 0 : i32
      %dma_wait3A_87 = arith.constant 0 : i32
      %dma_wait3A_88 = tpu.memref_slice %arg11[%dma_wait3A_86, %dma_wait3A_87] : memref<128x128xf32, #tpu.memory_space<vmem>> -> memref<80x128xf32, #tpu.memory_space<vmem>>
      tpu.wait_dma2 semaphore(%run_scoped3A : memref<!tpu.dma_semaphore, #tpu.memory_space<semaphore_mem>>) src(%arg9 : memref<80x128xf32, #tpu.memory_space<vmem_shared>>) dst(%dma_wait3A_88 : memref<80x128xf32, #tpu.memory_space<vmem>>)
      tpu.yield
    }) : () -> ()
    %scan3A_62 = arith.constant 0 : i32
    %scan3A_63 = arith.constant 13 : i32
    %scan3A_64 = arith.addi %scan3A_62, %scan3A_63 : i32
    %scan3A_65 = arith.constant 1 : i32
    scf.for %scan3A_77 = %scan3A_62 to %scan3A_64 step %scan3A_65  : i32 {
      %mul3A_78 = arith.constant 1 : i32
      %mul3A_79 = arith.muli %scan3A_77, %mul3A_78 : i32
      %add3A_80 = arith.constant 0 : i32
      %add3A_81 = arith.addi %add3A_80, %mul3A_79 : i32
      %mul3A_82 = arith.constant 48 : i32
      %mul3A_83 = arith.muli %add3A_81, %mul3A_82 : i32
      %add3A_84 = arith.addi %mul3A_2, %mul3A_83 : i32
      %mul3A_85 = arith.constant 48 : i32
      %mul3A_86 = arith.muli %add3A_81, %mul3A_85 : i32
      %add3A_87 = arith.addi %add3A_61, %mul3A_86 : i32
      "tpu.region"() ({
        %run_scoped3A = tpu.sem_alloc : memref<!tpu.dma_semaphore, #tpu.memory_space<semaphore_mem>>
        %dma_start3A_88 = arith.constant 0 : i32
        %dma_start3A_89 = tpu.memref_slice %arg6[%add3A_87, %dma_start3A_88] : memref<20000x128xf32, #tpu.memory_space<hbm>> -> memref<48x128xf32, #tpu.memory_space<hbm>>
        %dma_start3A_90 = arith.constant 0 : i32
        %dma_start3A_91 = tpu.memref_slice %arg8[%add3A_84, %dma_start3A_90] : memref<10128x128xf32, #tpu.memory_space<vmem_shared>> -> memref<48x128xf32, #tpu.memory_space<vmem_shared>>
        tpu.enqueue_dma source(%dma_start3A_91 : memref<48x128xf32, #tpu.memory_space<vmem_shared>>) target(%dma_start3A_89 : memref<48x128xf32, #tpu.memory_space<hbm>>) target_semaphore(%run_scoped3A : memref<!tpu.dma_semaphore, #tpu.memory_space<semaphore_mem>>)
        %dma_wait3A_92 = arith.constant 0 : i32
        %dma_wait3A_93 = tpu.memref_slice %arg6[%add3A_87, %dma_wait3A_92] : memref<20000x128xf32, #tpu.memory_space<hbm>> -> memref<48x128xf32, #tpu.memory_space<hbm>>
        %dma_wait3A_94 = arith.constant 0 : i32
        %dma_wait3A_95 = tpu.memref_slice %arg8[%add3A_84, %dma_wait3A_94] : memref<10128x128xf32, #tpu.memory_space<vmem_shared>> -> memref<48x128xf32, #tpu.memory_space<vmem_shared>>
        tpu.wait_dma2 semaphore(%run_scoped3A : memref<!tpu.dma_semaphore, #tpu.memory_space<semaphore_mem>>) src(%dma_wait3A_95 : memref<48x128xf32, #tpu.memory_space<vmem_shared>>) dst(%dma_wait3A_93 : memref<48x128xf32, #tpu.memory_space<hbm>>)
        tpu.yield
      }) : () -> ()
    }
    %scan3A_66 = arith.constant 13 : i32
    %scan3A_67 = arith.constant 0 : i32
    %scan3A_68 = arith.constant 39 : i32
    %scan3A_69 = arith.addi %scan3A_67, %scan3A_68 : i32
    %scan3A_70 = arith.constant 1 : i32
    scf.for %scan3A_77 = %scan3A_67 to %scan3A_69 step %scan3A_70  : i32 {
      %mul3A_78 = arith.constant 1 : i32
      %mul3A_79 = arith.muli %scan3A_77, %mul3A_78 : i32
      %add3A_80 = arith.constant 0 : i32
      %add3A_81 = arith.addi %add3A_80, %mul3A_79 : i32
      %mul3A_82 = arith.constant 16 : i32
      %mul3A_83 = arith.muli %add3A_81, %mul3A_82 : i32
      %add3A_84 = arith.addi %mul3A_2, %mul3A_83 : i32
      %mul3A_85 = arith.constant 16 : i32
      %mul3A_86 = arith.muli %add3A_81, %mul3A_85 : i32
      %add3A_87 = arith.addi %add3A_61, %mul3A_86 : i32
      %iota3A_88 = tpu.iota {dimensions = array<i32: 0>} : vector<16xi32>
      %add3A_89 = vector.broadcast %add3A_84 : i32 to vector<16xi32>
      %add3A_90 = arith.addi %add3A_89, %iota3A_88 : vector<16xi32>
      %shift_right_logical3A = arith.constant 7 : i32
      %shift_right_logical3A_91 = vector.broadcast %shift_right_logical3A : i32 to vector<16xi32>
      %shift_right_logical3A_92 = arith.shrui %add3A_90, %shift_right_logical3A_91 : vector<16xi32>
      %and3A = arith.constant 127 : i32
      %and3A_93 = vector.broadcast %and3A : i32 to vector<16xi32>
      %and3A_94 = arith.andi %add3A_90, %and3A_93 : vector<16xi32>
      %gather3A = tpu.vector_load_idx %arg11[%shift_right_logical3A_92, %and3A_94] : memref<128x128xf32, #tpu.memory_space<vmem>>[vector<16xi32>, vector<16xi32>], vector<16xf32>,
      %iota3A_95 = tpu.iota {dimensions = array<i32: 0>} : vector<16xi32>
      %broadcast_in_dim3A = arith.constant 0 : i32
      %broadcast_in_dim3A_96 = vector.broadcast %broadcast_in_dim3A : i32 to vector<16xi32>
      tpu.vector_store_idx %arg17[%iota3A_95, %broadcast_in_dim3A_96], %gather3A : memref<16x16xf32, #tpu.memory_space<vmem>>[vector<16xi32>, vector<16xi32>], vector<16xf32>,
      %broadcast_in_dim3A_97 = arith.constant 1 : i32
      %broadcast_in_dim3A_98 = vector.broadcast %broadcast_in_dim3A_97 : i32 to vector<16xi32>
      tpu.vector_store_idx %arg17[%iota3A_95, %broadcast_in_dim3A_98], %gather3A : memref<16x16xf32, #tpu.memory_space<vmem>>[vector<16xi32>, vector<16xi32>], vector<16xf32>,
      %broadcast_in_dim3A_99 = arith.constant 2 : i32
      %broadcast_in_dim3A_100 = vector.broadcast %broadcast_in_dim3A_99 : i32 to vector<16xi32>
      tpu.vector_store_idx %arg17[%iota3A_95, %broadcast_in_dim3A_100], %gather3A : memref<16x16xf32, #tpu.memory_space<vmem>>[vector<16xi32>, vector<16xi32>], vector<16xf32>,
      %broadcast_in_dim3A_101 = arith.constant 3 : i32
      %broadcast_in_dim3A_102 = vector.broadcast %broadcast_in_dim3A_101 : i32 to vector<16xi32>
      tpu.vector_store_idx %arg17[%iota3A_95, %broadcast_in_dim3A_102], %gather3A : memref<16x16xf32, #tpu.memory_space<vmem>>[vector<16xi32>, vector<16xi32>], vector<16xf32>,
      %broadcast_in_dim3A_103 = arith.constant 4 : i32
      %broadcast_in_dim3A_104 = vector.broadcast %broadcast_in_dim3A_103 : i32 to vector<16xi32>
      tpu.vector_store_idx %arg17[%iota3A_95, %broadcast_in_dim3A_104], %gather3A : memref<16x16xf32, #tpu.memory_space<vmem>>[vector<16xi32>, vector<16xi32>], vector<16xf32>,
      %broadcast_in_dim3A_105 = arith.constant 5 : i32
      %broadcast_in_dim3A_106 = vector.broadcast %broadcast_in_dim3A_105 : i32 to vector<16xi32>
      tpu.vector_store_idx %arg17[%iota3A_95, %broadcast_in_dim3A_106], %gather3A : memref<16x16xf32, #tpu.memory_space<vmem>>[vector<16xi32>, vector<16xi32>], vector<16xf32>,
      %broadcast_in_dim3A_107 = arith.constant 6 : i32
      %broadcast_in_dim3A_108 = vector.broadcast %broadcast_in_dim3A_107 : i32 to vector<16xi32>
      tpu.vector_store_idx %arg17[%iota3A_95, %broadcast_in_dim3A_108], %gather3A : memref<16x16xf32, #tpu.memory_space<vmem>>[vector<16xi32>, vector<16xi32>], vector<16xf32>,
      %broadcast_in_dim3A_109 = arith.constant 7 : i32
      %broadcast_in_dim3A_110 = vector.broadcast %broadcast_in_dim3A_109 : i32 to vector<16xi32>
      tpu.vector_store_idx %arg17[%iota3A_95, %broadcast_in_dim3A_110], %gather3A : memref<16x16xf32, #tpu.memory_space<vmem>>[vector<16xi32>, vector<16xi32>], vector<16xf32>,
      %broadcast_in_dim3A_111 = arith.constant 8 : i32
      %broadcast_in_dim3A_112 = vector.broadcast %broadcast_in_dim3A_111 : i32 to vector<16xi32>
      tpu.vector_store_idx %arg17[%iota3A_95, %broadcast_in_dim3A_112], %gather3A : memref<16x16xf32, #tpu.memory_space<vmem>>[vector<16xi32>, vector<16xi32>], vector<16xf32>,
      %broadcast_in_dim3A_113 = arith.constant 9 : i32
      %broadcast_in_dim3A_114 = vector.broadcast %broadcast_in_dim3A_113 : i32 to vector<16xi32>
      tpu.vector_store_idx %arg17[%iota3A_95, %broadcast_in_dim3A_114], %gather3A : memref<16x16xf32, #tpu.memory_space<vmem>>[vector<16xi32>, vector<16xi32>], vector<16xf32>,
      %broadcast_in_dim3A_115 = arith.constant 10 : i32
      %broadcast_in_dim3A_116 = vector.broadcast %broadcast_in_dim3A_115 : i32 to vector<16xi32>
      tpu.vector_store_idx %arg17[%iota3A_95, %broadcast_in_dim3A_116], %gather3A : memref<16x16xf32, #tpu.memory_space<vmem>>[vector<16xi32>, vector<16xi32>], vector<16xf32>,
      %broadcast_in_dim3A_117 = arith.constant 11 : i32
      %broadcast_in_dim3A_118 = vector.broadcast %broadcast_in_dim3A_117 : i32 to vector<16xi32>
      tpu.vector_store_idx %arg17[%iota3A_95, %broadcast_in_dim3A_118], %gather3A : memref<16x16xf32, #tpu.memory_space<vmem>>[vector<16xi32>, vector<16xi32>], vector<16xf32>,
      %broadcast_in_dim3A_119 = arith.constant 12 : i32
      %broadcast_in_dim3A_120 = vector.broadcast %broadcast_in_dim3A_119 : i32 to vector<16xi32>
      tpu.vector_store_idx %arg17[%iota3A_95, %broadcast_in_dim3A_120], %gather3A : memref<16x16xf32, #tpu.memory_space<vmem>>[vector<16xi32>, vector<16xi32>], vector<16xf32>,
      %broadcast_in_dim3A_121 = arith.constant 13 : i32
      %broadcast_in_dim3A_122 = vector.broadcast %broadcast_in_dim3A_121 : i32 to vector<16xi32>
      tpu.vector_store_idx %arg17[%iota3A_95, %broadcast_in_dim3A_122], %gather3A : memref<16x16xf32, #tpu.memory_space<vmem>>[vector<16xi32>, vector<16xi32>], vector<16xf32>,
      %broadcast_in_dim3A_123 = arith.constant 14 : i32
      %broadcast_in_dim3A_124 = vector.broadcast %broadcast_in_dim3A_123 : i32 to vector<16xi32>
      tpu.vector_store_idx %arg17[%iota3A_95, %broadcast_in_dim3A_124], %gather3A : memref<16x16xf32, #tpu.memory_space<vmem>>[vector<16xi32>, vector<16xi32>], vector<16xf32>,
      %broadcast_in_dim3A_125 = arith.constant 15 : i32
      %broadcast_in_dim3A_126 = vector.broadcast %broadcast_in_dim3A_125 : i32 to vector<16xi32>
      tpu.vector_store_idx %arg17[%iota3A_95, %broadcast_in_dim3A_126], %gather3A : memref<16x16xf32, #tpu.memory_space<vmem>>[vector<16xi32>, vector<16xi32>], vector<16xf32>,
      "tpu.region"() ({
        %run_scoped3A = tpu.sem_alloc : memref<!tpu.dma_semaphore, #tpu.memory_space<semaphore_mem>>
        %dma_start3A_127 = arith.constant 0 : i32
        %dma_start3A_128 = tpu.memref_slice %arg7[%add3A_87, %dma_start3A_127] : memref<20000x16xf32, #tpu.memory_space<hbm>> -> memref<16x16xf32, #tpu.memory_space<hbm>>
        %dma_start3A_129 = arith.constant 0 : i32
        %dma_start3A_130 = tpu.memref_slice %arg7[%add3A_87, %dma_start3A_129] : memref<20000x16xf32, #tpu.memory_space<hbm>> -> memref<16x16xf32, #tpu.memory_space<hbm>>
        tpu.enqueue_dma source(%arg17 : memref<16x16xf32, #tpu.memory_space<vmem>>) target(%dma_start3A_130 : memref<16x16xf32, #tpu.memory_space<hbm>>) target_semaphore(%run_scoped3A : memref<!tpu.dma_semaphore, #tpu.memory_space<semaphore_mem>>)
        %dma_wait3A_131 = arith.constant 0 : i32
        %dma_wait3A_132 = tpu.memref_slice %arg7[%add3A_87, %dma_wait3A_131] : memref<20000x16xf32, #tpu.memory_space<hbm>> -> memref<16x16xf32, #tpu.memory_space<hbm>>
        %dma_wait3A_133 = arith.constant 0 : i32
        %dma_wait3A_134 = tpu.memref_slice %arg7[%add3A_87, %dma_wait3A_133] : memref<20000x16xf32, #tpu.memory_space<hbm>> -> memref<16x16xf32, #tpu.memory_space<hbm>>
        tpu.wait_dma2 semaphore(%run_scoped3A : memref<!tpu.dma_semaphore, #tpu.memory_space<semaphore_mem>>) src(%arg17 : memref<16x16xf32, #tpu.memory_space<vmem>>) dst(%dma_wait3A_134 : memref<16x16xf32, #tpu.memory_space<hbm>>)
        tpu.yield
      }) : () -> ()
    }
    %scan3A_71 = arith.constant 39 : i32
    %eq3A_72 = arith.constant 15 : i32
    %eq3A_73 = arith.cmpi eq, %arg1, %eq3A_72 : i32
    %convert_element_type3A_74 = arith.extui %eq3A_73 : i1 to i32
    %cond3A_75 = arith.constant 0 : i32
    %cond3A_76 = arith.cmpi ne, %convert_element_type3A_74, %cond3A_75 : i32
    scf.if %cond3A_76 {
      %mul3A_77 = arith.constant 10000 : i32
      %mul3A_78 = arith.muli %arg0, %mul3A_77 : i32
      %add3A_79 = arith.constant 9984 : i32
      %add3A_80 = arith.addi %mul3A_78, %add3A_79 : i32
      "tpu.region"() ({
        %run_scoped3A = tpu.sem_alloc : memref<!tpu.dma_semaphore, #tpu.memory_space<semaphore_mem>>
        %dma_start3A_125 = arith.constant 0 : i32
        %dma_start3A_126 = tpu.memref_slice %arg6[%add3A_80, %dma_start3A_125] : memref<20000x128xf32, #tpu.memory_space<hbm>> -> memref<16x128xf32, #tpu.memory_space<hbm>>
        %dma_start3A_127 = arith.constant 9984 : i32
        %dma_start3A_128 = arith.constant 0 : i32
        %dma_start3A_129 = tpu.memref_slice %arg8[%dma_start3A_127, %dma_start3A_128] : memref<10128x128xf32, #tpu.memory_space<vmem_shared>> -> memref<16x128xf32, #tpu.memory_space<vmem_shared>>
        tpu.enqueue_dma source(%dma_start3A_129 : memref<16x128xf32, #tpu.memory_space<vmem_shared>>) target(%dma_start3A_126 : memref<16x128xf32, #tpu.memory_space<hbm>>) target_semaphore(%run_scoped3A : memref<!tpu.dma_semaphore, #tpu.memory_space<semaphore_mem>>)
        %dma_wait3A_130 = arith.constant 0 : i32
        %dma_wait3A_131 = tpu.memref_slice %arg6[%add3A_80, %dma_wait3A_130] : memref<20000x128xf32, #tpu.memory_space<hbm>> -> memref<16x128xf32, #tpu.memory_space<hbm>>
        %dma_wait3A_132 = arith.constant 9984 : i32
        %dma_wait3A_133 = arith.constant 0 : i32
        %dma_wait3A_134 = tpu.memref_slice %arg8[%dma_wait3A_132, %dma_wait3A_133] : memref<10128x128xf32, #tpu.memory_space<vmem_shared>> -> memref<16x128xf32, #tpu.memory_space<vmem_shared>>
        tpu.wait_dma2 semaphore(%run_scoped3A : memref<!tpu.dma_semaphore, #tpu.memory_space<semaphore_mem>>) src(%dma_wait3A_134 : memref<16x128xf32, #tpu.memory_space<vmem_shared>>) dst(%dma_wait3A_131 : memref<16x128xf32, #tpu.memory_space<hbm>>)
        tpu.yield
      }) : () -> ()
      %mul3A_81 = arith.constant 10000 : i32
      %mul3A_82 = arith.muli %arg0, %mul3A_81 : i32
      %add3A_83 = arith.constant 9984 : i32
      %add3A_84 = arith.addi %mul3A_82, %add3A_83 : i32
      %iota3A_85 = tpu.iota {dimensions = array<i32: 0>} : vector<16xi32>
      %add3A_86 = arith.constant 9984 : i32
      %add3A_87 = vector.broadcast %add3A_86 : i32 to vector<16xi32>
      %add3A_88 = arith.addi %add3A_87, %iota3A_85 : vector<16xi32>
      %shift_right_logical3A = arith.constant 7 : i32
      %shift_right_logical3A_89 = vector.broadcast %shift_right_logical3A : i32 to vector<16xi32>
      %shift_right_logical3A_90 = arith.shrui %add3A_88, %shift_right_logical3A_89 : vector<16xi32>
      %and3A = arith.constant 127 : i32
      %and3A_91 = vector.broadcast %and3A : i32 to vector<16xi32>
      %and3A_92 = arith.andi %add3A_88, %and3A_91 : vector<16xi32>
      %gather3A = tpu.vector_load_idx %arg11[%shift_right_logical3A_90, %and3A_92] : memref<128x128xf32, #tpu.memory_space<vmem>>[vector<16xi32>, vector<16xi32>], vector<16xf32>,
      %iota3A_93 = tpu.iota {dimensions = array<i32: 0>} : vector<16xi32>
      %broadcast_in_dim3A = arith.constant 0 : i32
      %broadcast_in_dim3A_94 = vector.broadcast %broadcast_in_dim3A : i32 to vector<16xi32>
      tpu.vector_store_idx %arg17[%iota3A_93, %broadcast_in_dim3A_94], %gather3A : memref<16x16xf32, #tpu.memory_space<vmem>>[vector<16xi32>, vector<16xi32>], vector<16xf32>,
      %broadcast_in_dim3A_95 = arith.constant 1 : i32
      %broadcast_in_dim3A_96 = vector.broadcast %broadcast_in_dim3A_95 : i32 to vector<16xi32>
      tpu.vector_store_idx %arg17[%iota3A_93, %broadcast_in_dim3A_96], %gather3A : memref<16x16xf32, #tpu.memory_space<vmem>>[vector<16xi32>, vector<16xi32>], vector<16xf32>,
      %broadcast_in_dim3A_97 = arith.constant 2 : i32
      %broadcast_in_dim3A_98 = vector.broadcast %broadcast_in_dim3A_97 : i32 to vector<16xi32>
      tpu.vector_store_idx %arg17[%iota3A_93, %broadcast_in_dim3A_98], %gather3A : memref<16x16xf32, #tpu.memory_space<vmem>>[vector<16xi32>, vector<16xi32>], vector<16xf32>,
      %broadcast_in_dim3A_99 = arith.constant 3 : i32
      %broadcast_in_dim3A_100 = vector.broadcast %broadcast_in_dim3A_99 : i32 to vector<16xi32>
      tpu.vector_store_idx %arg17[%iota3A_93, %broadcast_in_dim3A_100], %gather3A : memref<16x16xf32, #tpu.memory_space<vmem>>[vector<16xi32>, vector<16xi32>], vector<16xf32>,
      %broadcast_in_dim3A_101 = arith.constant 4 : i32
      %broadcast_in_dim3A_102 = vector.broadcast %broadcast_in_dim3A_101 : i32 to vector<16xi32>
      tpu.vector_store_idx %arg17[%iota3A_93, %broadcast_in_dim3A_102], %gather3A : memref<16x16xf32, #tpu.memory_space<vmem>>[vector<16xi32>, vector<16xi32>], vector<16xf32>,
      %broadcast_in_dim3A_103 = arith.constant 5 : i32
      %broadcast_in_dim3A_104 = vector.broadcast %broadcast_in_dim3A_103 : i32 to vector<16xi32>
      tpu.vector_store_idx %arg17[%iota3A_93, %broadcast_in_dim3A_104], %gather3A : memref<16x16xf32, #tpu.memory_space<vmem>>[vector<16xi32>, vector<16xi32>], vector<16xf32>,
      %broadcast_in_dim3A_105 = arith.constant 6 : i32
      %broadcast_in_dim3A_106 = vector.broadcast %broadcast_in_dim3A_105 : i32 to vector<16xi32>
      tpu.vector_store_idx %arg17[%iota3A_93, %broadcast_in_dim3A_106], %gather3A : memref<16x16xf32, #tpu.memory_space<vmem>>[vector<16xi32>, vector<16xi32>], vector<16xf32>,
      %broadcast_in_dim3A_107 = arith.constant 7 : i32
      %broadcast_in_dim3A_108 = vector.broadcast %broadcast_in_dim3A_107 : i32 to vector<16xi32>
      tpu.vector_store_idx %arg17[%iota3A_93, %broadcast_in_dim3A_108], %gather3A : memref<16x16xf32, #tpu.memory_space<vmem>>[vector<16xi32>, vector<16xi32>], vector<16xf32>,
      %broadcast_in_dim3A_109 = arith.constant 8 : i32
      %broadcast_in_dim3A_110 = vector.broadcast %broadcast_in_dim3A_109 : i32 to vector<16xi32>
      tpu.vector_store_idx %arg17[%iota3A_93, %broadcast_in_dim3A_110], %gather3A : memref<16x16xf32, #tpu.memory_space<vmem>>[vector<16xi32>, vector<16xi32>], vector<16xf32>,
      %broadcast_in_dim3A_111 = arith.constant 9 : i32
      %broadcast_in_dim3A_112 = vector.broadcast %broadcast_in_dim3A_111 : i32 to vector<16xi32>
      tpu.vector_store_idx %arg17[%iota3A_93, %broadcast_in_dim3A_112], %gather3A : memref<16x16xf32, #tpu.memory_space<vmem>>[vector<16xi32>, vector<16xi32>], vector<16xf32>,
      %broadcast_in_dim3A_113 = arith.constant 10 : i32
      %broadcast_in_dim3A_114 = vector.broadcast %broadcast_in_dim3A_113 : i32 to vector<16xi32>
      tpu.vector_store_idx %arg17[%iota3A_93, %broadcast_in_dim3A_114], %gather3A : memref<16x16xf32, #tpu.memory_space<vmem>>[vector<16xi32>, vector<16xi32>], vector<16xf32>,
      %broadcast_in_dim3A_115 = arith.constant 11 : i32
      %broadcast_in_dim3A_116 = vector.broadcast %broadcast_in_dim3A_115 : i32 to vector<16xi32>
      tpu.vector_store_idx %arg17[%iota3A_93, %broadcast_in_dim3A_116], %gather3A : memref<16x16xf32, #tpu.memory_space<vmem>>[vector<16xi32>, vector<16xi32>], vector<16xf32>,
      %broadcast_in_dim3A_117 = arith.constant 12 : i32
      %broadcast_in_dim3A_118 = vector.broadcast %broadcast_in_dim3A_117 : i32 to vector<16xi32>
      tpu.vector_store_idx %arg17[%iota3A_93, %broadcast_in_dim3A_118], %gather3A : memref<16x16xf32, #tpu.memory_space<vmem>>[vector<16xi32>, vector<16xi32>], vector<16xf32>,
      %broadcast_in_dim3A_119 = arith.constant 13 : i32
      %broadcast_in_dim3A_120 = vector.broadcast %broadcast_in_dim3A_119 : i32 to vector<16xi32>
      tpu.vector_store_idx %arg17[%iota3A_93, %broadcast_in_dim3A_120], %gather3A : memref<16x16xf32, #tpu.memory_space<vmem>>[vector<16xi32>, vector<16xi32>], vector<16xf32>,
      %broadcast_in_dim3A_121 = arith.constant 14 : i32
      %broadcast_in_dim3A_122 = vector.broadcast %broadcast_in_dim3A_121 : i32 to vector<16xi32>
      tpu.vector_store_idx %arg17[%iota3A_93, %broadcast_in_dim3A_122], %gather3A : memref<16x16xf32, #tpu.memory_space<vmem>>[vector<16xi32>, vector<16xi32>], vector<16xf32>,
      %broadcast_in_dim3A_123 = arith.constant 15 : i32
      %broadcast_in_dim3A_124 = vector.broadcast %broadcast_in_dim3A_123 : i32 to vector<16xi32>
      tpu.vector_store_idx %arg17[%iota3A_93, %broadcast_in_dim3A_124], %gather3A : memref<16x16xf32, #tpu.memory_space<vmem>>[vector<16xi32>, vector<16xi32>], vector<16xf32>,
      "tpu.region"() ({
        %run_scoped3A = tpu.sem_alloc : memref<!tpu.dma_semaphore, #tpu.memory_space<semaphore_mem>>
        %dma_start3A_125 = arith.constant 0 : i32
        %dma_start3A_126 = tpu.memref_slice %arg7[%add3A_84, %dma_start3A_125] : memref<20000x16xf32, #tpu.memory_space<hbm>> -> memref<16x16xf32, #tpu.memory_space<hbm>>
        %dma_start3A_127 = arith.constant 0 : i32
        %dma_start3A_128 = tpu.memref_slice %arg7[%add3A_84, %dma_start3A_127] : memref<20000x16xf32, #tpu.memory_space<hbm>> -> memref<16x16xf32, #tpu.memory_space<hbm>>
        tpu.enqueue_dma source(%arg17 : memref<16x16xf32, #tpu.memory_space<vmem>>) target(%dma_start3A_128 : memref<16x16xf32, #tpu.memory_space<hbm>>) target_semaphore(%run_scoped3A : memref<!tpu.dma_semaphore, #tpu.memory_space<semaphore_mem>>)
        %dma_wait3A_129 = arith.constant 0 : i32
        %dma_wait3A_130 = tpu.memref_slice %arg7[%add3A_84, %dma_wait3A_129] : memref<20000x16xf32, #tpu.memory_space<hbm>> -> memref<16x16xf32, #tpu.memory_space<hbm>>
        %dma_wait3A_131 = arith.constant 0 : i32
        %dma_wait3A_132 = tpu.memref_slice %arg7[%add3A_84, %dma_wait3A_131] : memref<20000x16xf32, #tpu.memory_space<hbm>> -> memref<16x16xf32, #tpu.memory_space<hbm>>
        tpu.wait_dma2 semaphore(%run_scoped3A : memref<!tpu.dma_semaphore, #tpu.memory_space<semaphore_mem>>) src(%arg17 : memref<16x16xf32, #tpu.memory_space<vmem>>) dst(%dma_wait3A_132 : memref<16x16xf32, #tpu.memory_space<hbm>>)
        tpu.yield
      }) : () -> ()
    } else {
    }
    return
  }
}

module attributes {stable_mosaic.version = 14 : i64} {
  func.func @_ffn_body(%arg0: i32, %arg1: memref<2000x128xf32, #tpu.memory_space<vmem>>, %arg2: memref<128x128xf32, #tpu.memory_space<vmem>>, %arg3: memref<1x128xf32, #tpu.memory_space<vmem>>, %arg4: memref<128x128xf32, #tpu.memory_space<vmem>>, %arg5: memref<1x128xf32, #tpu.memory_space<vmem>>, %arg6: memref<1x128xf32, #tpu.memory_space<vmem>>, %arg7: memref<1x128xf32, #tpu.memory_space<vmem>>, %arg8: memref<2000x128xf32, #tpu.memory_space<vmem>>) attributes {dimension_semantics = [#tpu.dimension_semantics<parallel>], iteration_bounds = array<i64: 5>, scalar_prefetch = 0 : i64, scratch_operands = 0 : i64, tpu.core_type = #tpu.core_type<tc>, window_params = [{transform_indices = @transform_0, window_bounds = array<i64: 2000, 128>}, {pipeline_mode = #tpu.pipeline_mode<synchronous>, transform_indices = @transform_1, window_bounds = array<i64: 128, 128>}, {pipeline_mode = #tpu.pipeline_mode<synchronous>, transform_indices = @transform_2, window_bounds = array<i64: 1, 128>}, {pipeline_mode = #tpu.pipeline_mode<synchronous>, transform_indices = @transform_3, window_bounds = array<i64: 128, 128>}, {pipeline_mode = #tpu.pipeline_mode<synchronous>, transform_indices = @transform_4, window_bounds = array<i64: 1, 128>}, {pipeline_mode = #tpu.pipeline_mode<synchronous>, transform_indices = @transform_5, window_bounds = array<i64: 1, 128>}, {pipeline_mode = #tpu.pipeline_mode<synchronous>, transform_indices = @transform_6, window_bounds = array<i64: 1, 128>}, {transform_indices = @transform_7, window_bounds = array<i64: 2000, 128>}]} {
    %get3A = arith.constant 0 : index
    %get3A_0 = arith.constant 0 : index
    %get3A_1 = vector.load %arg1[%get3A, %get3A_0] : memref<2000x128xf32, #tpu.memory_space<vmem>>, vector<2000x128xf32>
    %get3A_2 = arith.constant 0 : index
    %get3A_3 = arith.constant 0 : index
    %get3A_4 = vector.load %arg2[%get3A_2, %get3A_3] : memref<128x128xf32, #tpu.memory_space<vmem>>, vector<128x128xf32>
    %dot_general3A = arith.constant dense<0.000000e+00> : vector<2000x128xf32>
    %dot_general3A_5 = tpu.matmul %get3A_1, %get3A_4, %dot_general3A {dimension_numbers = #tpu.dot_dimension_numbers<[1], [0], [0], [1], [0, 0, 1, 1], [], []>, transpose_lhs_hint = false} : vector<2000x128xf32>, vector<128x128xf32>, vector<2000x128xf32> -> vector<2000x128xf32>
    %get3A_6 = arith.constant 0 : index
    %get3A_7 = arith.constant 0 : index
    %get3A_8 = vector.load %arg3[%get3A_6, %get3A_7] : memref<1x128xf32, #tpu.memory_space<vmem>>, vector<1x128xf32>
    %add3A = vector.broadcast %get3A_8 : vector<1x128xf32> to vector<2000x128xf32>
    %add3A_9 = arith.addf %dot_general3A_5, %add3A : vector<2000x128xf32>
    %max3A = arith.constant 0.000000e+00 : f32
    %max3A_10 = vector.broadcast %max3A : f32 to vector<2000x128xf32>
    %max3A_11 = arith.maximumf %add3A_9, %max3A_10 : vector<2000x128xf32>
    %get3A_12 = arith.constant 0 : index
    %get3A_13 = arith.constant 0 : index
    %get3A_14 = vector.load %arg4[%get3A_12, %get3A_13] : memref<128x128xf32, #tpu.memory_space<vmem>>, vector<128x128xf32>
    %dot_general3A_15 = arith.constant dense<0.000000e+00> : vector<2000x128xf32>
    %dot_general3A_16 = tpu.matmul %max3A_11, %get3A_14, %dot_general3A_15 {dimension_numbers = #tpu.dot_dimension_numbers<[1], [0], [0], [1], [0, 0, 1, 1], [], []>, transpose_lhs_hint = false} : vector<2000x128xf32>, vector<128x128xf32>, vector<2000x128xf32> -> vector<2000x128xf32>
    %get3A_17 = arith.constant 0 : index
    %get3A_18 = arith.constant 0 : index
    %get3A_19 = vector.load %arg5[%get3A_17, %get3A_18] : memref<1x128xf32, #tpu.memory_space<vmem>>, vector<1x128xf32>
    %add3A_20 = vector.broadcast %get3A_19 : vector<1x128xf32> to vector<2000x128xf32>
    %add3A_21 = arith.addf %dot_general3A_16, %add3A_20 : vector<2000x128xf32>
    %add3A_22 = arith.addf %add3A_21, %get3A_1 : vector<2000x128xf32>
    %get3A_23 = arith.constant 0 : index
    %get3A_24 = arith.constant 0 : index
    %get3A_25 = vector.load %arg6[%get3A_23, %get3A_24] : memref<1x128xf32, #tpu.memory_space<vmem>>, vector<1x128xf32>
    %get3A_26 = arith.constant 0 : index
    %get3A_27 = arith.constant 0 : index
    %get3A_28 = vector.load %arg7[%get3A_26, %get3A_27] : memref<1x128xf32, #tpu.memory_space<vmem>>, vector<1x128xf32>
    %reduce_sum3A = arith.constant dense<0.000000e+00> : vector<2000xf32>
    %reduce_sum3A_29 = vector.multi_reduction <add>, %add3A_22, %reduce_sum3A [1] : vector<2000x128xf32> to vector<2000xf32>
    %broadcast_in_dim3A = vector.shape_cast %reduce_sum3A_29 : vector<2000xf32> to vector<2000x1xf32>
    %div3A = arith.constant 1.280000e+02 : f32
    %div3A_30 = vector.broadcast %div3A : f32 to vector<2000x1xf32>
    %div3A_31 = arith.divf %broadcast_in_dim3A, %div3A_30 : vector<2000x1xf32>
    %jit3A = arith.constant 0 : i32
    %reduce_sum3A_32 = arith.constant dense<0.000000e+00> : vector<2000xf32>
    %reduce_sum3A_33 = vector.multi_reduction <add>, %add3A_22, %reduce_sum3A_32 [1] : vector<2000x128xf32> to vector<2000xf32>
    %broadcast_in_dim3A_34 = vector.shape_cast %reduce_sum3A_33 : vector<2000xf32> to vector<2000x1xf32>
    %div3A_35 = arith.constant 1.280000e+02 : f32
    %div3A_36 = vector.broadcast %div3A_35 : f32 to vector<2000x1xf32>
    %div3A_37 = arith.divf %broadcast_in_dim3A_34, %div3A_36 : vector<2000x1xf32>
    %sub3A = vector.broadcast %div3A_37 : vector<2000x1xf32> to vector<2000x128xf32>
    %sub3A_38 = arith.subf %add3A_22, %sub3A : vector<2000x128xf32>
    %square3A = arith.mulf %sub3A_38, %sub3A_38 : vector<2000x128xf32>
    %convert_element_type3A = arith.sitofp %jit3A : i32 to f32
    %sub3A_39 = arith.constant 1.280000e+02 : f32
    %sub3A_40 = arith.subf %sub3A_39, %convert_element_type3A : f32
    %reduce_sum3A_41 = arith.constant dense<0.000000e+00> : vector<2000xf32>
    %reduce_sum3A_42 = vector.multi_reduction <add>, %square3A, %reduce_sum3A_41 [1] : vector<2000x128xf32> to vector<2000xf32>
    %broadcast_in_dim3A_43 = vector.shape_cast %reduce_sum3A_42 : vector<2000xf32> to vector<2000x1xf32>
    %div3A_44 = vector.broadcast %sub3A_40 : f32 to vector<2000x1xf32>
    %div3A_45 = arith.divf %broadcast_in_dim3A_43, %div3A_44 : vector<2000x1xf32>
    %gt3A = arith.constant 0.000000e+00 : f32
    %gt3A_46 = arith.cmpf ogt, %sub3A_40, %gt3A : f32
    %jit3A_47 = arith.constant 0x7FC00000 : f32
    %broadcast_in_dim3A_48 = vector.broadcast %jit3A_47 : f32 to vector<2000x1xf32>
    %select_n3A = arith.select %gt3A_46, %div3A_45, %broadcast_in_dim3A_48 : vector<2000x1xf32>
    %sub3A_49 = vector.broadcast %div3A_31 : vector<2000x1xf32> to vector<2000x128xf32>
    %sub3A_50 = arith.subf %add3A_22, %sub3A_49 : vector<2000x128xf32>
    %add3A_51 = arith.constant 9.99999974E-6 : f32
    %add3A_52 = vector.broadcast %add3A_51 : f32 to vector<2000x1xf32>
    %add3A_53 = arith.addf %select_n3A, %add3A_52 : vector<2000x1xf32>
    %sqrt3A = math.sqrt %add3A_53 : vector<2000x1xf32>
    %div3A_54 = vector.broadcast %sqrt3A : vector<2000x1xf32> to vector<2000x128xf32>
    %div3A_55 = arith.divf %sub3A_50, %div3A_54 : vector<2000x128xf32>
    %mul3A = vector.broadcast %get3A_25 : vector<1x128xf32> to vector<2000x128xf32>
    %mul3A_56 = arith.mulf %div3A_55, %mul3A : vector<2000x128xf32>
    %add3A_57 = vector.broadcast %get3A_28 : vector<1x128xf32> to vector<2000x128xf32>
    %add3A_58 = arith.addf %mul3A_56, %add3A_57 : vector<2000x128xf32>
    %swap3A = arith.constant 0 : index
    %swap3A_59 = arith.constant 0 : index
    %swap3A_60 = vector.load %arg8[%swap3A, %swap3A_59] : memref<2000x128xf32, #tpu.memory_space<vmem>>, vector<2000x128xf32>
    tpu.vector_store %arg8[%swap3A, %swap3A_59], %add3A_58 {strides = array<i32>} : memref<2000x128xf32, #tpu.memory_space<vmem>>, vector<2000x128xf32>,
    return
  }
  func.func @transform_0(%arg0: i32) -> (i32, i32) {
    %c0_i32 = arith.constant 0 : i32
    %c0_i32_0 = arith.constant 0 : i32
    return %arg0, %c0_i32 : i32, i32
  }
  func.func @transform_1(%arg0: i32) -> (i32, i32) {
    %c0_i32 = arith.constant 0 : i32
    %c0_i32_0 = arith.constant 0 : i32
    %c0_i32_1 = arith.constant 0 : i32
    return %c0_i32, %c0_i32_0 : i32, i32
  }
  func.func @transform_2(%arg0: i32) -> (i32, i32) {
    %c0_i32 = arith.constant 0 : i32
    %c0_i32_0 = arith.constant 0 : i32
    %c0_i32_1 = arith.constant 0 : i32
    return %c0_i32, %c0_i32_0 : i32, i32
  }
  func.func @transform_3(%arg0: i32) -> (i32, i32) {
    %c0_i32 = arith.constant 0 : i32
    %c0_i32_0 = arith.constant 0 : i32
    %c0_i32_1 = arith.constant 0 : i32
    return %c0_i32, %c0_i32_0 : i32, i32
  }
  func.func @transform_4(%arg0: i32) -> (i32, i32) {
    %c0_i32 = arith.constant 0 : i32
    %c0_i32_0 = arith.constant 0 : i32
    %c0_i32_1 = arith.constant 0 : i32
    return %c0_i32, %c0_i32_0 : i32, i32
  }
  func.func @transform_5(%arg0: i32) -> (i32, i32) {
    %c0_i32 = arith.constant 0 : i32
    %c0_i32_0 = arith.constant 0 : i32
    %c0_i32_1 = arith.constant 0 : i32
    return %c0_i32, %c0_i32_0 : i32, i32
  }
  func.func @transform_6(%arg0: i32) -> (i32, i32) {
    %c0_i32 = arith.constant 0 : i32
    %c0_i32_0 = arith.constant 0 : i32
    %c0_i32_1 = arith.constant 0 : i32
    return %c0_i32, %c0_i32_0 : i32, i32
  }
  func.func @transform_7(%arg0: i32) -> (i32, i32) {
    %c0_i32 = arith.constant 0 : i32
    %c0_i32_0 = arith.constant 0 : i32
    return %arg0, %c0_i32 : i32, i32
  }
}

module attributes {stable_mosaic.version = 14 : i64} {
  func.func @_agg_ffn_body(%arg0: i32, %arg1: memref<2x2000x128xf32, #tpu.memory_space<vmem>>, %arg2: memref<2x2000x16xf32, #tpu.memory_space<vmem>>, %arg3: memref<2000x128xf32, #tpu.memory_space<vmem>>, %arg4: memref<128x128xf32, #tpu.memory_space<vmem>>, %arg5: memref<1x128xf32, #tpu.memory_space<vmem>>, %arg6: memref<1x128xf32, #tpu.memory_space<vmem>>, %arg7: memref<1x128xf32, #tpu.memory_space<vmem>>, %arg8: memref<128x128xf32, #tpu.memory_space<vmem>>, %arg9: memref<1x128xf32, #tpu.memory_space<vmem>>, %arg10: memref<128x128xf32, #tpu.memory_space<vmem>>, %arg11: memref<1x128xf32, #tpu.memory_space<vmem>>, %arg12: memref<1x128xf32, #tpu.memory_space<vmem>>, %arg13: memref<1x128xf32, #tpu.memory_space<vmem>>, %arg14: memref<2000x128xf32, #tpu.memory_space<vmem>>) attributes {dimension_semantics = [#tpu.dimension_semantics<parallel>], iteration_bounds = array<i64: 5>, scalar_prefetch = 0 : i64, scratch_operands = 0 : i64, tpu.core_type = #tpu.core_type<tc>, window_params = [{transform_indices = @transform_0, window_bounds = array<i64: 2, 2000, 128>}, {transform_indices = @transform_1, window_bounds = array<i64: 2, 2000, 16>}, {transform_indices = @transform_2, window_bounds = array<i64: 2000, 128>}, {pipeline_mode = #tpu.pipeline_mode<synchronous>, transform_indices = @transform_3, window_bounds = array<i64: 128, 128>}, {pipeline_mode = #tpu.pipeline_mode<synchronous>, transform_indices = @transform_4, window_bounds = array<i64: 1, 128>}, {pipeline_mode = #tpu.pipeline_mode<synchronous>, transform_indices = @transform_5, window_bounds = array<i64: 1, 128>}, {pipeline_mode = #tpu.pipeline_mode<synchronous>, transform_indices = @transform_6, window_bounds = array<i64: 1, 128>}, {pipeline_mode = #tpu.pipeline_mode<synchronous>, transform_indices = @transform_7, window_bounds = array<i64: 128, 128>}, {pipeline_mode = #tpu.pipeline_mode<synchronous>, transform_indices = @transform_8, window_bounds = array<i64: 1, 128>}, {pipeline_mode = #tpu.pipeline_mode<synchronous>, transform_indices = @transform_9, window_bounds = array<i64: 128, 128>}, {pipeline_mode = #tpu.pipeline_mode<synchronous>, transform_indices = @transform_10, window_bounds = array<i64: 1, 128>}, {pipeline_mode = #tpu.pipeline_mode<synchronous>, transform_indices = @transform_11, window_bounds = array<i64: 1, 128>}, {pipeline_mode = #tpu.pipeline_mode<synchronous>, transform_indices = @transform_12, window_bounds = array<i64: 1, 128>}, {transform_indices = @transform_13, window_bounds = array<i64: 2000, 128>}]} {
    %get3A = arith.constant 0 : index
    %get3A_0 = arith.constant 0 : index
    %get3A_1 = arith.constant 0 : index
    %get3A_2 = vector.load %arg1[%get3A, %get3A_0, %get3A_1] : memref<2x2000x128xf32, #tpu.memory_space<vmem>>, vector<1x2000x128xf32>
    %get3A_3 = vector.shape_cast %get3A_2 : vector<1x2000x128xf32> to vector<2000x128xf32>
    %get3A_4 = arith.constant 1 : index
    %get3A_5 = arith.constant 0 : index
    %get3A_6 = arith.constant 0 : index
    %get3A_7 = vector.load %arg1[%get3A_4, %get3A_5, %get3A_6] : memref<2x2000x128xf32, #tpu.memory_space<vmem>>, vector<1x2000x128xf32>
    %get3A_8 = vector.shape_cast %get3A_7 : vector<1x2000x128xf32> to vector<2000x128xf32>
    %add3A = arith.addf %get3A_3, %get3A_8 : vector<2000x128xf32>
    %get3A_9 = arith.constant 0 : index
    %get3A_10 = arith.constant 0 : index
    %get3A_11 = arith.constant 0 : index
    %get3A_12 = vector.load %arg2[%get3A_9, %get3A_10, %get3A_11] : memref<2x2000x16xf32, #tpu.memory_space<vmem>>, vector<1x2000x1xf32>
    %get3A_13 = vector.shape_cast %get3A_12 : vector<1x2000x1xf32> to vector<2000x1xf32>
    %get3A_14 = arith.constant 1 : index
    %get3A_15 = arith.constant 0 : index
    %get3A_16 = arith.constant 0 : index
    %get3A_17 = vector.load %arg2[%get3A_14, %get3A_15, %get3A_16] : memref<2x2000x16xf32, #tpu.memory_space<vmem>>, vector<1x2000x1xf32>
    %get3A_18 = vector.shape_cast %get3A_17 : vector<1x2000x1xf32> to vector<2000x1xf32>
    %add3A_19 = arith.addf %get3A_13, %get3A_18 : vector<2000x1xf32>
    %max3A = arith.constant 1.000000e+00 : f32
    %max3A_20 = vector.broadcast %max3A : f32 to vector<2000x1xf32>
    %max3A_21 = arith.maximumf %add3A_19, %max3A_20 : vector<2000x1xf32>
    %div3A = vector.broadcast %max3A_21 : vector<2000x1xf32> to vector<2000x128xf32>
    %div3A_22 = arith.divf %add3A, %div3A : vector<2000x128xf32>
    %get3A_23 = arith.constant 0 : index
    %get3A_24 = arith.constant 0 : index
    %get3A_25 = vector.load %arg4[%get3A_23, %get3A_24] : memref<128x128xf32, #tpu.memory_space<vmem>>, vector<128x128xf32>
    %dot_general3A = arith.constant dense<0.000000e+00> : vector<2000x128xf32>
    %dot_general3A_26 = tpu.matmul %div3A_22, %get3A_25, %dot_general3A {dimension_numbers = #tpu.dot_dimension_numbers<[1], [0], [0], [1], [0, 0, 1, 1], [], []>, transpose_lhs_hint = false} : vector<2000x128xf32>, vector<128x128xf32>, vector<2000x128xf32> -> vector<2000x128xf32>
    %get3A_27 = arith.constant 0 : index
    %get3A_28 = arith.constant 0 : index
    %get3A_29 = vector.load %arg5[%get3A_27, %get3A_28] : memref<1x128xf32, #tpu.memory_space<vmem>>, vector<1x128xf32>
    %add3A_30 = vector.broadcast %get3A_29 : vector<1x128xf32> to vector<2000x128xf32>
    %add3A_31 = arith.addf %dot_general3A_26, %add3A_30 : vector<2000x128xf32>
    %max3A_32 = arith.constant 0.000000e+00 : f32
    %max3A_33 = vector.broadcast %max3A_32 : f32 to vector<2000x128xf32>
    %max3A_34 = arith.maximumf %add3A_31, %max3A_33 : vector<2000x128xf32>
    %get3A_35 = arith.constant 0 : index
    %get3A_36 = arith.constant 0 : index
    %get3A_37 = vector.load %arg3[%get3A_35, %get3A_36] : memref<2000x128xf32, #tpu.memory_space<vmem>>, vector<2000x128xf32>
    %add3A_38 = arith.addf %max3A_34, %get3A_37 : vector<2000x128xf32>
    %get3A_39 = arith.constant 0 : index
    %get3A_40 = arith.constant 0 : index
    %get3A_41 = vector.load %arg6[%get3A_39, %get3A_40] : memref<1x128xf32, #tpu.memory_space<vmem>>, vector<1x128xf32>
    %get3A_42 = arith.constant 0 : index
    %get3A_43 = arith.constant 0 : index
    %get3A_44 = vector.load %arg7[%get3A_42, %get3A_43] : memref<1x128xf32, #tpu.memory_space<vmem>>, vector<1x128xf32>
    %reduce_sum3A = arith.constant dense<0.000000e+00> : vector<2000xf32>
    %reduce_sum3A_45 = vector.multi_reduction <add>, %add3A_38, %reduce_sum3A [1] : vector<2000x128xf32> to vector<2000xf32>
    %broadcast_in_dim3A = vector.shape_cast %reduce_sum3A_45 : vector<2000xf32> to vector<2000x1xf32>
    %div3A_46 = arith.constant 1.280000e+02 : f32
    %div3A_47 = vector.broadcast %div3A_46 : f32 to vector<2000x1xf32>
    %div3A_48 = arith.divf %broadcast_in_dim3A, %div3A_47 : vector<2000x1xf32>
    %jit3A = arith.constant 0 : i32
    %reduce_sum3A_49 = arith.constant dense<0.000000e+00> : vector<2000xf32>
    %reduce_sum3A_50 = vector.multi_reduction <add>, %add3A_38, %reduce_sum3A_49 [1] : vector<2000x128xf32> to vector<2000xf32>
    %broadcast_in_dim3A_51 = vector.shape_cast %reduce_sum3A_50 : vector<2000xf32> to vector<2000x1xf32>
    %div3A_52 = arith.constant 1.280000e+02 : f32
    %div3A_53 = vector.broadcast %div3A_52 : f32 to vector<2000x1xf32>
    %div3A_54 = arith.divf %broadcast_in_dim3A_51, %div3A_53 : vector<2000x1xf32>
    %sub3A = vector.broadcast %div3A_54 : vector<2000x1xf32> to vector<2000x128xf32>
    %sub3A_55 = arith.subf %add3A_38, %sub3A : vector<2000x128xf32>
    %square3A = arith.mulf %sub3A_55, %sub3A_55 : vector<2000x128xf32>
    %convert_element_type3A = arith.sitofp %jit3A : i32 to f32
    %sub3A_56 = arith.constant 1.280000e+02 : f32
    %sub3A_57 = arith.subf %sub3A_56, %convert_element_type3A : f32
    %reduce_sum3A_58 = arith.constant dense<0.000000e+00> : vector<2000xf32>
    %reduce_sum3A_59 = vector.multi_reduction <add>, %square3A, %reduce_sum3A_58 [1] : vector<2000x128xf32> to vector<2000xf32>
    %broadcast_in_dim3A_60 = vector.shape_cast %reduce_sum3A_59 : vector<2000xf32> to vector<2000x1xf32>
    %div3A_61 = vector.broadcast %sub3A_57 : f32 to vector<2000x1xf32>
    %div3A_62 = arith.divf %broadcast_in_dim3A_60, %div3A_61 : vector<2000x1xf32>
    %gt3A = arith.constant 0.000000e+00 : f32
    %gt3A_63 = arith.cmpf ogt, %sub3A_57, %gt3A : f32
    %jit3A_64 = arith.constant 0x7FC00000 : f32
    %broadcast_in_dim3A_65 = vector.broadcast %jit3A_64 : f32 to vector<2000x1xf32>
    %select_n3A = arith.select %gt3A_63, %div3A_62, %broadcast_in_dim3A_65 : vector<2000x1xf32>
    %sub3A_66 = vector.broadcast %div3A_48 : vector<2000x1xf32> to vector<2000x128xf32>
    %sub3A_67 = arith.subf %add3A_38, %sub3A_66 : vector<2000x128xf32>
    %add3A_68 = arith.constant 9.99999974E-6 : f32
    %add3A_69 = vector.broadcast %add3A_68 : f32 to vector<2000x1xf32>
    %add3A_70 = arith.addf %select_n3A, %add3A_69 : vector<2000x1xf32>
    %sqrt3A = math.sqrt %add3A_70 : vector<2000x1xf32>
    %div3A_71 = vector.broadcast %sqrt3A : vector<2000x1xf32> to vector<2000x128xf32>
    %div3A_72 = arith.divf %sub3A_67, %div3A_71 : vector<2000x128xf32>
    %mul3A = vector.broadcast %get3A_41 : vector<1x128xf32> to vector<2000x128xf32>
    %mul3A_73 = arith.mulf %div3A_72, %mul3A : vector<2000x128xf32>
    %add3A_74 = vector.broadcast %get3A_44 : vector<1x128xf32> to vector<2000x128xf32>
    %add3A_75 = arith.addf %mul3A_73, %add3A_74 : vector<2000x128xf32>
    %get3A_76 = arith.constant 0 : index
    %get3A_77 = arith.constant 0 : index
    %get3A_78 = vector.load %arg8[%get3A_76, %get3A_77] : memref<128x128xf32, #tpu.memory_space<vmem>>, vector<128x128xf32>
    %dot_general3A_79 = arith.constant dense<0.000000e+00> : vector<2000x128xf32>
    %dot_general3A_80 = tpu.matmul %add3A_75, %get3A_78, %dot_general3A_79 {dimension_numbers = #tpu.dot_dimension_numbers<[1], [0], [0], [1], [0, 0, 1, 1], [], []>, transpose_lhs_hint = false} : vector<2000x128xf32>, vector<128x128xf32>, vector<2000x128xf32> -> vector<2000x128xf32>
    %get3A_81 = arith.constant 0 : index
    %get3A_82 = arith.constant 0 : index
    %get3A_83 = vector.load %arg9[%get3A_81, %get3A_82] : memref<1x128xf32, #tpu.memory_space<vmem>>, vector<1x128xf32>
    %add3A_84 = vector.broadcast %get3A_83 : vector<1x128xf32> to vector<2000x128xf32>
    %add3A_85 = arith.addf %dot_general3A_80, %add3A_84 : vector<2000x128xf32>
    %max3A_86 = arith.constant 0.000000e+00 : f32
    %max3A_87 = vector.broadcast %max3A_86 : f32 to vector<2000x128xf32>
    %max3A_88 = arith.maximumf %add3A_85, %max3A_87 : vector<2000x128xf32>
    %get3A_89 = arith.constant 0 : index
    %get3A_90 = arith.constant 0 : index
    %get3A_91 = vector.load %arg10[%get3A_89, %get3A_90] : memref<128x128xf32, #tpu.memory_space<vmem>>, vector<128x128xf32>
    %dot_general3A_92 = arith.constant dense<0.000000e+00> : vector<2000x128xf32>
    %dot_general3A_93 = tpu.matmul %max3A_88, %get3A_91, %dot_general3A_92 {dimension_numbers = #tpu.dot_dimension_numbers<[1], [0], [0], [1], [0, 0, 1, 1], [], []>, transpose_lhs_hint = false} : vector<2000x128xf32>, vector<128x128xf32>, vector<2000x128xf32> -> vector<2000x128xf32>
    %get3A_94 = arith.constant 0 : index
    %get3A_95 = arith.constant 0 : index
    %get3A_96 = vector.load %arg11[%get3A_94, %get3A_95] : memref<1x128xf32, #tpu.memory_space<vmem>>, vector<1x128xf32>
    %add3A_97 = vector.broadcast %get3A_96 : vector<1x128xf32> to vector<2000x128xf32>
    %add3A_98 = arith.addf %dot_general3A_93, %add3A_97 : vector<2000x128xf32>
    %add3A_99 = arith.addf %add3A_98, %add3A_75 : vector<2000x128xf32>
    %get3A_100 = arith.constant 0 : index
    %get3A_101 = arith.constant 0 : index
    %get3A_102 = vector.load %arg12[%get3A_100, %get3A_101] : memref<1x128xf32, #tpu.memory_space<vmem>>, vector<1x128xf32>
    %get3A_103 = arith.constant 0 : index
    %get3A_104 = arith.constant 0 : index
    %get3A_105 = vector.load %arg13[%get3A_103, %get3A_104] : memref<1x128xf32, #tpu.memory_space<vmem>>, vector<1x128xf32>
    %reduce_sum3A_106 = arith.constant dense<0.000000e+00> : vector<2000xf32>
    %reduce_sum3A_107 = vector.multi_reduction <add>, %add3A_99, %reduce_sum3A_106 [1] : vector<2000x128xf32> to vector<2000xf32>
    %broadcast_in_dim3A_108 = vector.shape_cast %reduce_sum3A_107 : vector<2000xf32> to vector<2000x1xf32>
    %div3A_109 = arith.constant 1.280000e+02 : f32
    %div3A_110 = vector.broadcast %div3A_109 : f32 to vector<2000x1xf32>
    %div3A_111 = arith.divf %broadcast_in_dim3A_108, %div3A_110 : vector<2000x1xf32>
    %jit3A_112 = arith.constant 0 : i32
    %reduce_sum3A_113 = arith.constant dense<0.000000e+00> : vector<2000xf32>
    %reduce_sum3A_114 = vector.multi_reduction <add>, %add3A_99, %reduce_sum3A_113 [1] : vector<2000x128xf32> to vector<2000xf32>
    %broadcast_in_dim3A_115 = vector.shape_cast %reduce_sum3A_114 : vector<2000xf32> to vector<2000x1xf32>
    %div3A_116 = arith.constant 1.280000e+02 : f32
    %div3A_117 = vector.broadcast %div3A_116 : f32 to vector<2000x1xf32>
    %div3A_118 = arith.divf %broadcast_in_dim3A_115, %div3A_117 : vector<2000x1xf32>
    %sub3A_119 = vector.broadcast %div3A_118 : vector<2000x1xf32> to vector<2000x128xf32>
    %sub3A_120 = arith.subf %add3A_99, %sub3A_119 : vector<2000x128xf32>
    %square3A_121 = arith.mulf %sub3A_120, %sub3A_120 : vector<2000x128xf32>
    %convert_element_type3A_122 = arith.sitofp %jit3A_112 : i32 to f32
    %sub3A_123 = arith.constant 1.280000e+02 : f32
    %sub3A_124 = arith.subf %sub3A_123, %convert_element_type3A_122 : f32
    %reduce_sum3A_125 = arith.constant dense<0.000000e+00> : vector<2000xf32>
    %reduce_sum3A_126 = vector.multi_reduction <add>, %square3A_121, %reduce_sum3A_125 [1] : vector<2000x128xf32> to vector<2000xf32>
    %broadcast_in_dim3A_127 = vector.shape_cast %reduce_sum3A_126 : vector<2000xf32> to vector<2000x1xf32>
    %div3A_128 = vector.broadcast %sub3A_124 : f32 to vector<2000x1xf32>
    %div3A_129 = arith.divf %broadcast_in_dim3A_127, %div3A_128 : vector<2000x1xf32>
    %gt3A_130 = arith.constant 0.000000e+00 : f32
    %gt3A_131 = arith.cmpf ogt, %sub3A_124, %gt3A_130 : f32
    %jit3A_132 = arith.constant 0x7FC00000 : f32
    %broadcast_in_dim3A_133 = vector.broadcast %jit3A_132 : f32 to vector<2000x1xf32>
    %select_n3A_134 = arith.select %gt3A_131, %div3A_129, %broadcast_in_dim3A_133 : vector<2000x1xf32>
    %sub3A_135 = vector.broadcast %div3A_111 : vector<2000x1xf32> to vector<2000x128xf32>
    %sub3A_136 = arith.subf %add3A_99, %sub3A_135 : vector<2000x128xf32>
    %add3A_137 = arith.constant 9.99999974E-6 : f32
    %add3A_138 = vector.broadcast %add3A_137 : f32 to vector<2000x1xf32>
    %add3A_139 = arith.addf %select_n3A_134, %add3A_138 : vector<2000x1xf32>
    %sqrt3A_140 = math.sqrt %add3A_139 : vector<2000x1xf32>
    %div3A_141 = vector.broadcast %sqrt3A_140 : vector<2000x1xf32> to vector<2000x128xf32>
    %div3A_142 = arith.divf %sub3A_136, %div3A_141 : vector<2000x128xf32>
    %mul3A_143 = vector.broadcast %get3A_102 : vector<1x128xf32> to vector<2000x128xf32>
    %mul3A_144 = arith.mulf %div3A_142, %mul3A_143 : vector<2000x128xf32>
    %add3A_145 = vector.broadcast %get3A_105 : vector<1x128xf32> to vector<2000x128xf32>
    %add3A_146 = arith.addf %mul3A_144, %add3A_145 : vector<2000x128xf32>
    %swap3A = arith.constant 0 : index
    %swap3A_147 = arith.constant 0 : index
    %swap3A_148 = vector.load %arg14[%swap3A, %swap3A_147] : memref<2000x128xf32, #tpu.memory_space<vmem>>, vector<2000x128xf32>
    tpu.vector_store %arg14[%swap3A, %swap3A_147], %add3A_146 {strides = array<i32>} : memref<2000x128xf32, #tpu.memory_space<vmem>>, vector<2000x128xf32>,
    return
  }
  func.func @transform_0(%arg0: i32) -> (i32, i32, i32) {
    %c0_i32 = arith.constant 0 : i32
    %c0_i32_0 = arith.constant 0 : i32
    %c0_i32_1 = arith.constant 0 : i32
    return %c0_i32, %arg0, %c0_i32_0 : i32, i32, i32
  }
  func.func @transform_1(%arg0: i32) -> (i32, i32, i32) {
    %c0_i32 = arith.constant 0 : i32
    %c0_i32_0 = arith.constant 0 : i32
    %c0_i32_1 = arith.constant 0 : i32
    return %c0_i32, %arg0, %c0_i32_0 : i32, i32, i32
  }
  func.func @transform_2(%arg0: i32) -> (i32, i32) {
    %c0_i32 = arith.constant 0 : i32
    %c0_i32_0 = arith.constant 0 : i32
    return %arg0, %c0_i32 : i32, i32
  }
  func.func @transform_3(%arg0: i32) -> (i32, i32) {
    %c0_i32 = arith.constant 0 : i32
    %c0_i32_0 = arith.constant 0 : i32
    %c0_i32_1 = arith.constant 0 : i32
    return %c0_i32, %c0_i32_0 : i32, i32
  }
  func.func @transform_4(%arg0: i32) -> (i32, i32) {
    %c0_i32 = arith.constant 0 : i32
    %c0_i32_0 = arith.constant 0 : i32
    %c0_i32_1 = arith.constant 0 : i32
    return %c0_i32, %c0_i32_0 : i32, i32
  }
  func.func @transform_5(%arg0: i32) -> (i32, i32) {
    %c0_i32 = arith.constant 0 : i32
    %c0_i32_0 = arith.constant 0 : i32
    %c0_i32_1 = arith.constant 0 : i32
    return %c0_i32, %c0_i32_0 : i32, i32
  }
  func.func @transform_6(%arg0: i32) -> (i32, i32) {
    %c0_i32 = arith.constant 0 : i32
    %c0_i32_0 = arith.constant 0 : i32
    %c0_i32_1 = arith.constant 0 : i32
    return %c0_i32, %c0_i32_0 : i32, i32
  }
  func.func @transform_7(%arg0: i32) -> (i32, i32) {
    %c0_i32 = arith.constant 0 : i32
    %c0_i32_0 = arith.constant 0 : i32
    %c0_i32_1 = arith.constant 0 : i32
    return %c0_i32, %c0_i32_0 : i32, i32
  }
  func.func @transform_8(%arg0: i32) -> (i32, i32) {
    %c0_i32 = arith.constant 0 : i32
    %c0_i32_0 = arith.constant 0 : i32
    %c0_i32_1 = arith.constant 0 : i32
    return %c0_i32, %c0_i32_0 : i32, i32
  }
  func.func @transform_9(%arg0: i32) -> (i32, i32) {
    %c0_i32 = arith.constant 0 : i32
    %c0_i32_0 = arith.constant 0 : i32
    %c0_i32_1 = arith.constant 0 : i32
    return %c0_i32, %c0_i32_0 : i32, i32
  }
  func.func @transform_10(%arg0: i32) -> (i32, i32) {
    %c0_i32 = arith.constant 0 : i32
    %c0_i32_0 = arith.constant 0 : i32
    %c0_i32_1 = arith.constant 0 : i32
    return %c0_i32, %c0_i32_0 : i32, i32
  }
  func.func @transform_11(%arg0: i32) -> (i32, i32) {
    %c0_i32 = arith.constant 0 : i32
    %c0_i32_0 = arith.constant 0 : i32
    %c0_i32_1 = arith.constant 0 : i32
    return %c0_i32, %c0_i32_0 : i32, i32
  }
  func.func @transform_12(%arg0: i32) -> (i32, i32) {
    %c0_i32 = arith.constant 0 : i32
    %c0_i32_0 = arith.constant 0 : i32
    %c0_i32_1 = arith.constant 0 : i32
    return %c0_i32, %c0_i32_0 : i32, i32
  }
  func.func @transform_13(%arg0: i32) -> (i32, i32) {
    %c0_i32 = arith.constant 0 : i32
    %c0_i32_0 = arith.constant 0 : i32
    return %arg0, %c0_i32 : i32, i32
  }
}

module attributes {stable_mosaic.version = 14 : i64} {
  func.func @_agg_body(%arg0: i32, %arg1: memref<2x2000x128xf32, #tpu.memory_space<vmem>>, %arg2: memref<2x2000x16xf32, #tpu.memory_space<vmem>>, %arg3: memref<2000x128xf32, #tpu.memory_space<vmem>>, %arg4: memref<128x128xf32, #tpu.memory_space<vmem>>, %arg5: memref<1x128xf32, #tpu.memory_space<vmem>>, %arg6: memref<1x128xf32, #tpu.memory_space<vmem>>, %arg7: memref<1x128xf32, #tpu.memory_space<vmem>>, %arg8: memref<2000x128xf32, #tpu.memory_space<vmem>>) attributes {dimension_semantics = [#tpu.dimension_semantics<parallel>], iteration_bounds = array<i64: 5>, scalar_prefetch = 0 : i64, scratch_operands = 0 : i64, tpu.core_type = #tpu.core_type<tc>, window_params = [{transform_indices = @transform_0, window_bounds = array<i64: 2, 2000, 128>}, {transform_indices = @transform_1, window_bounds = array<i64: 2, 2000, 16>}, {transform_indices = @transform_2, window_bounds = array<i64: 2000, 128>}, {pipeline_mode = #tpu.pipeline_mode<synchronous>, transform_indices = @transform_3, window_bounds = array<i64: 128, 128>}, {pipeline_mode = #tpu.pipeline_mode<synchronous>, transform_indices = @transform_4, window_bounds = array<i64: 1, 128>}, {pipeline_mode = #tpu.pipeline_mode<synchronous>, transform_indices = @transform_5, window_bounds = array<i64: 1, 128>}, {pipeline_mode = #tpu.pipeline_mode<synchronous>, transform_indices = @transform_6, window_bounds = array<i64: 1, 128>}, {transform_indices = @transform_7, window_bounds = array<i64: 2000, 128>}]} {
    %get3A = arith.constant 0 : index
    %get3A_0 = arith.constant 0 : index
    %get3A_1 = arith.constant 0 : index
    %get3A_2 = vector.load %arg1[%get3A, %get3A_0, %get3A_1] : memref<2x2000x128xf32, #tpu.memory_space<vmem>>, vector<1x2000x128xf32>
    %get3A_3 = vector.shape_cast %get3A_2 : vector<1x2000x128xf32> to vector<2000x128xf32>
    %get3A_4 = arith.constant 1 : index
    %get3A_5 = arith.constant 0 : index
    %get3A_6 = arith.constant 0 : index
    %get3A_7 = vector.load %arg1[%get3A_4, %get3A_5, %get3A_6] : memref<2x2000x128xf32, #tpu.memory_space<vmem>>, vector<1x2000x128xf32>
    %get3A_8 = vector.shape_cast %get3A_7 : vector<1x2000x128xf32> to vector<2000x128xf32>
    %add3A = arith.addf %get3A_3, %get3A_8 : vector<2000x128xf32>
    %get3A_9 = arith.constant 0 : index
    %get3A_10 = arith.constant 0 : index
    %get3A_11 = arith.constant 0 : index
    %get3A_12 = vector.load %arg2[%get3A_9, %get3A_10, %get3A_11] : memref<2x2000x16xf32, #tpu.memory_space<vmem>>, vector<1x2000x1xf32>
    %get3A_13 = vector.shape_cast %get3A_12 : vector<1x2000x1xf32> to vector<2000x1xf32>
    %get3A_14 = arith.constant 1 : index
    %get3A_15 = arith.constant 0 : index
    %get3A_16 = arith.constant 0 : index
    %get3A_17 = vector.load %arg2[%get3A_14, %get3A_15, %get3A_16] : memref<2x2000x16xf32, #tpu.memory_space<vmem>>, vector<1x2000x1xf32>
    %get3A_18 = vector.shape_cast %get3A_17 : vector<1x2000x1xf32> to vector<2000x1xf32>
    %add3A_19 = arith.addf %get3A_13, %get3A_18 : vector<2000x1xf32>
    %max3A = arith.constant 1.000000e+00 : f32
    %max3A_20 = vector.broadcast %max3A : f32 to vector<2000x1xf32>
    %max3A_21 = arith.maximumf %add3A_19, %max3A_20 : vector<2000x1xf32>
    %div3A = vector.broadcast %max3A_21 : vector<2000x1xf32> to vector<2000x128xf32>
    %div3A_22 = arith.divf %add3A, %div3A : vector<2000x128xf32>
    %get3A_23 = arith.constant 0 : index
    %get3A_24 = arith.constant 0 : index
    %get3A_25 = vector.load %arg4[%get3A_23, %get3A_24] : memref<128x128xf32, #tpu.memory_space<vmem>>, vector<128x128xf32>
    %dot_general3A = arith.constant dense<0.000000e+00> : vector<2000x128xf32>
    %dot_general3A_26 = tpu.matmul %div3A_22, %get3A_25, %dot_general3A {dimension_numbers = #tpu.dot_dimension_numbers<[1], [0], [0], [1], [0, 0, 1, 1], [], []>, transpose_lhs_hint = false} : vector<2000x128xf32>, vector<128x128xf32>, vector<2000x128xf32> -> vector<2000x128xf32>
    %get3A_27 = arith.constant 0 : index
    %get3A_28 = arith.constant 0 : index
    %get3A_29 = vector.load %arg5[%get3A_27, %get3A_28] : memref<1x128xf32, #tpu.memory_space<vmem>>, vector<1x128xf32>
    %add3A_30 = vector.broadcast %get3A_29 : vector<1x128xf32> to vector<2000x128xf32>
    %add3A_31 = arith.addf %dot_general3A_26, %add3A_30 : vector<2000x128xf32>
    %max3A_32 = arith.constant 0.000000e+00 : f32
    %max3A_33 = vector.broadcast %max3A_32 : f32 to vector<2000x128xf32>
    %max3A_34 = arith.maximumf %add3A_31, %max3A_33 : vector<2000x128xf32>
    %get3A_35 = arith.constant 0 : index
    %get3A_36 = arith.constant 0 : index
    %get3A_37 = vector.load %arg3[%get3A_35, %get3A_36] : memref<2000x128xf32, #tpu.memory_space<vmem>>, vector<2000x128xf32>
    %add3A_38 = arith.addf %max3A_34, %get3A_37 : vector<2000x128xf32>
    %get3A_39 = arith.constant 0 : index
    %get3A_40 = arith.constant 0 : index
    %get3A_41 = vector.load %arg6[%get3A_39, %get3A_40] : memref<1x128xf32, #tpu.memory_space<vmem>>, vector<1x128xf32>
    %get3A_42 = arith.constant 0 : index
    %get3A_43 = arith.constant 0 : index
    %get3A_44 = vector.load %arg7[%get3A_42, %get3A_43] : memref<1x128xf32, #tpu.memory_space<vmem>>, vector<1x128xf32>
    %reduce_sum3A = arith.constant dense<0.000000e+00> : vector<2000xf32>
    %reduce_sum3A_45 = vector.multi_reduction <add>, %add3A_38, %reduce_sum3A [1] : vector<2000x128xf32> to vector<2000xf32>
    %broadcast_in_dim3A = vector.shape_cast %reduce_sum3A_45 : vector<2000xf32> to vector<2000x1xf32>
    %div3A_46 = arith.constant 1.280000e+02 : f32
    %div3A_47 = vector.broadcast %div3A_46 : f32 to vector<2000x1xf32>
    %div3A_48 = arith.divf %broadcast_in_dim3A, %div3A_47 : vector<2000x1xf32>
    %jit3A = arith.constant 0 : i32
    %reduce_sum3A_49 = arith.constant dense<0.000000e+00> : vector<2000xf32>
    %reduce_sum3A_50 = vector.multi_reduction <add>, %add3A_38, %reduce_sum3A_49 [1] : vector<2000x128xf32> to vector<2000xf32>
    %broadcast_in_dim3A_51 = vector.shape_cast %reduce_sum3A_50 : vector<2000xf32> to vector<2000x1xf32>
    %div3A_52 = arith.constant 1.280000e+02 : f32
    %div3A_53 = vector.broadcast %div3A_52 : f32 to vector<2000x1xf32>
    %div3A_54 = arith.divf %broadcast_in_dim3A_51, %div3A_53 : vector<2000x1xf32>
    %sub3A = vector.broadcast %div3A_54 : vector<2000x1xf32> to vector<2000x128xf32>
    %sub3A_55 = arith.subf %add3A_38, %sub3A : vector<2000x128xf32>
    %square3A = arith.mulf %sub3A_55, %sub3A_55 : vector<2000x128xf32>
    %convert_element_type3A = arith.sitofp %jit3A : i32 to f32
    %sub3A_56 = arith.constant 1.280000e+02 : f32
    %sub3A_57 = arith.subf %sub3A_56, %convert_element_type3A : f32
    %reduce_sum3A_58 = arith.constant dense<0.000000e+00> : vector<2000xf32>
    %reduce_sum3A_59 = vector.multi_reduction <add>, %square3A, %reduce_sum3A_58 [1] : vector<2000x128xf32> to vector<2000xf32>
    %broadcast_in_dim3A_60 = vector.shape_cast %reduce_sum3A_59 : vector<2000xf32> to vector<2000x1xf32>
    %div3A_61 = vector.broadcast %sub3A_57 : f32 to vector<2000x1xf32>
    %div3A_62 = arith.divf %broadcast_in_dim3A_60, %div3A_61 : vector<2000x1xf32>
    %gt3A = arith.constant 0.000000e+00 : f32
    %gt3A_63 = arith.cmpf ogt, %sub3A_57, %gt3A : f32
    %jit3A_64 = arith.constant 0x7FC00000 : f32
    %broadcast_in_dim3A_65 = vector.broadcast %jit3A_64 : f32 to vector<2000x1xf32>
    %select_n3A = arith.select %gt3A_63, %div3A_62, %broadcast_in_dim3A_65 : vector<2000x1xf32>
    %sub3A_66 = vector.broadcast %div3A_48 : vector<2000x1xf32> to vector<2000x128xf32>
    %sub3A_67 = arith.subf %add3A_38, %sub3A_66 : vector<2000x128xf32>
    %add3A_68 = arith.constant 9.99999974E-6 : f32
    %add3A_69 = vector.broadcast %add3A_68 : f32 to vector<2000x1xf32>
    %add3A_70 = arith.addf %select_n3A, %add3A_69 : vector<2000x1xf32>
    %sqrt3A = math.sqrt %add3A_70 : vector<2000x1xf32>
    %div3A_71 = vector.broadcast %sqrt3A : vector<2000x1xf32> to vector<2000x128xf32>
    %div3A_72 = arith.divf %sub3A_67, %div3A_71 : vector<2000x128xf32>
    %mul3A = vector.broadcast %get3A_41 : vector<1x128xf32> to vector<2000x128xf32>
    %mul3A_73 = arith.mulf %div3A_72, %mul3A : vector<2000x128xf32>
    %add3A_74 = vector.broadcast %get3A_44 : vector<1x128xf32> to vector<2000x128xf32>
    %add3A_75 = arith.addf %mul3A_73, %add3A_74 : vector<2000x128xf32>
    %swap3A = arith.constant 0 : index
    %swap3A_76 = arith.constant 0 : index
    %swap3A_77 = vector.load %arg8[%swap3A, %swap3A_76] : memref<2000x128xf32, #tpu.memory_space<vmem>>, vector<2000x128xf32>
    tpu.vector_store %arg8[%swap3A, %swap3A_76], %add3A_75 {strides = array<i32>} : memref<2000x128xf32, #tpu.memory_space<vmem>>, vector<2000x128xf32>,
    return
  }
  func.func @transform_0(%arg0: i32) -> (i32, i32, i32) {
    %c0_i32 = arith.constant 0 : i32
    %c0_i32_0 = arith.constant 0 : i32
    %c0_i32_1 = arith.constant 0 : i32
    return %c0_i32, %arg0, %c0_i32_0 : i32, i32, i32
  }
  func.func @transform_1(%arg0: i32) -> (i32, i32, i32) {
    %c0_i32 = arith.constant 0 : i32
    %c0_i32_0 = arith.constant 0 : i32
    %c0_i32_1 = arith.constant 0 : i32
    return %c0_i32, %arg0, %c0_i32_0 : i32, i32, i32
  }
  func.func @transform_2(%arg0: i32) -> (i32, i32) {
    %c0_i32 = arith.constant 0 : i32
    %c0_i32_0 = arith.constant 0 : i32
    return %arg0, %c0_i32 : i32, i32
  }
  func.func @transform_3(%arg0: i32) -> (i32, i32) {
    %c0_i32 = arith.constant 0 : i32
    %c0_i32_0 = arith.constant 0 : i32
    %c0_i32_1 = arith.constant 0 : i32
    return %c0_i32, %c0_i32_0 : i32, i32
  }
  func.func @transform_4(%arg0: i32) -> (i32, i32) {
    %c0_i32 = arith.constant 0 : i32
    %c0_i32_0 = arith.constant 0 : i32
    %c0_i32_1 = arith.constant 0 : i32
    return %c0_i32, %c0_i32_0 : i32, i32
  }
  func.func @transform_5(%arg0: i32) -> (i32, i32) {
    %c0_i32 = arith.constant 0 : i32
    %c0_i32_0 = arith.constant 0 : i32
    %c0_i32_1 = arith.constant 0 : i32
    return %c0_i32, %c0_i32_0 : i32, i32
  }
  func.func @transform_6(%arg0: i32) -> (i32, i32) {
    %c0_i32 = arith.constant 0 : i32
    %c0_i32_0 = arith.constant 0 : i32
    %c0_i32_1 = arith.constant 0 : i32
    return %c0_i32, %c0_i32_0 : i32, i32
  }
  func.func @transform_7(%arg0: i32) -> (i32, i32) {
    %c0_i32 = arith.constant 0 : i32
    %c0_i32_0 = arith.constant 0 : i32
    return %arg0, %c0_i32 : i32, i32
  }
}

</mosaic_0001>

<sc_bundles>
// kernel: kernel.10.cloned.1.call-start
scs
__scs_entry_jumppad:
0x0: {  	(pc) =	sbr.rel $0x88, $3  }
0x1: {  	(tag) =	ssettag $0x0;
	lr =	simm.s32 $0x1  }
0x2: {  	[smem:$0x3F8B] =	sst lr;
	_ =	strace $0xD0000000  }
0x3: {  	_ = 	snop  }
0x4: {  	_ = 	snop  }
0x5: {  	_ = 	snop  }
0x6: {  	_ = 	snop  }
0x7: {  	_ = 	snop  }
__scs_overlays_trampoline_lowered:
0x8: {  	[smem:$0x3F9A] =	sst s0  }
0x9: {  	[smem:$0x3F9B] =	sst s1  }
0xa: {  	[smem:$0x3F9C] =	sst s2  }
0xb: {  	[smem:$0x3F9D] =	sst s3  }
0xc: {  	[smem:$0x3F9E] =	sst s4  }
0xd: {  	[smem:$0x3F9F] =	sst s5  }
0xe: {  	[smem:$0x3FA0] =	sst s6  }
0xf: {  	[smem:$0x3FA1] =	sst s7  }
0x10: {  	[smem:$0x3FA2] =	sst s8  }
0x11: {  	[smem:$0x3FA3] =	sst s9;
	s0 =	simm.s32 @!p0 $0x0  }
0x12: {  	s1 =	sld [smem:$0x3F89];
	s0 =	simm.s32 @p0 $0x1  }
0x13: {  	[smem:$0x3FA4] =	sst s0;
	s0 =	simm.s32 @!p1 $0x0  }
0x14: {  	s2 =	sld [smem:$0x3F88];
	s0 =	simm.s32 @p1 $0x1  }
0x15: {  	[smem:$0x3FA5] =	sst s0;
	s0 =	simm.s32 @!p2 $0x0  }
0x16: {  	s3 =	sld [smem:$0x3FDB];
	s0 =	simm.s32 @p2 $0x1  }
0x17: {  	s4 =	simm.s32 $0x1BF5;
	[smem:$0x3FA7] =	sst s0  }
0x18: {  	s0 =	sld [smem:$0x3F8A];
	_ =	swait.ge [sflag:s4], $0x0  }
0x19: {  	s7 =	sld [smem:$0x3F8B]  }
0x1a: {  	s8 =	sadd.s32 $0xFFFFE003, lr  }
0x1b: {  	s9 =	sadd.s32 $0xFFFFFEF7, lr;
	s5 =	simm.s32 $0xFFFFFFFF;
	p2 =	slt.u32 s8, $0xFFFFF086  }
0x1c: {  	p1 =	slt.u32 s9, $0xF7A;
	s5 =	simm.s32 @!p2 $0x0  }
0x1d: {  	s5 =	simm.s32 @p1 $0x1;
	p0 =	seq.s32 s7, s2  }
0x1e: {  	s7 =	smul.u32 @!p0 $0xF7A, s2;
	p2 =	seq.s32 @!p0 s5, $0x0  }
0x1f: {  	s9 =	smul.u32 $0xF7A, s1;
	s8 =	simm.s32 @!p0 $0x1BF5;
	p2 =	por !p2, p0  }
0x20: {  	[sflag:s8] =	ssyncset.s32 @!p0 $0xFFFFF086;
	s6 =	sadd.s32 @!p0 s3, s7;
	s7 =	simm.s32 @!p0 $0x108  }
0x21: {  	s3 =	sadd.s32 s3, s9;
	s6 =	sadd.s32 @!p0 $0x88, s6;
	s7 =	simm.s32 @p2 $0x1082  }
0x22: {  	[simem:s7], [sflag:s8] =	dma.local @!p0 [hbm:s6], $0xF7A  }
0x23: {  	s9 =	sor.u32 $0xD0000000, s2;
	s6 =	simm.s32 $0x108;
	_ =	swait.ge @!p0 [sflag:s8], $0x0  }
0x24: {  	s3 =	sadd.s32 $0x88, s3;
	s6 =	simm.s32 @!p1 $0x1082;
	[sflag:s4] =	ssyncset.s32 $0xFFFFF086  }
0x25: {  	[simem:s6], [sflag:s4] =	dma.local [hbm:s3], $0xF7A  }
0x26: {  	[smem:$0x3F8B] =	sst s1;
	(tag) =	ssettag s2;
	_ =	strace s9  }
0x27: {  	s1 =	sld [smem:$0x3F9B]  }
0x28: {  	s2 =	sld [smem:$0x3F9C]  }
0x29: {  	s4 =	sld [smem:$0x3F9E]  }
0x2a: {  	p0 =	seq.s32 s5, $0x0;
	s5 =	sld [smem:$0x3F9F]  }
0x2b: {  	s6 =	sld [smem:$0x3FA0]  }
0x2c: {  	s7 =	sld [smem:$0x3FA1]  }
0x2d: {  	s3 =	simm.s32 $0x108;
	s8 =	sld [smem:$0x3FA2]  }
0x2e: {  	s3 =	simm.s32 @!p0 $0x1082;
	s9 =	sld [smem:$0x3FA3]  }
0x2f: {  	lr =	sadd.s32 s0, s3;
	s0 =	sld [smem:$0x3F9A]  }
0x30: {  	s3 =	sld [smem:$0x3F9D]  }
0x31: {  	[smem:$0x3FA6] =	sst s10  }
0x32: {  	s10 =	sld [smem:$0x3FA4];
	_ =	sdelay $0x3  }
0x33: {  	p0 =	seq.s32 s10, $0x1;
	s10 =	sld [smem:$0x3FA6];
	_ =	sdelay $0x3  }
0x34: {  	[smem:$0x3FA6] =	sst s10  }
0x35: {  	s10 =	sld [smem:$0x3FA5];
	_ =	sdelay $0x3  }
0x36: {  	p1 =	seq.s32 s10, $0x1;
	s10 =	sld [smem:$0x3FA6];
	_ =	sdelay $0x3  }
0x37: {  	[smem:$0x3FA6] =	sst s10  }
0x38: {  	s10 =	sld [smem:$0x3FA7]  }
0x39: {  	_ = 	snop;
	(pc) =	sbr.ind lr, $3  }
0x3a: {  	_ = 	snop  }
0x3b: {  	_ = 	snop  }
0x3c: {  	p2 =	seq.s32 s10, $0x1;
	s10 =	sld [smem:$0x3FA6]  }
0x3d: {  	_ =	shalt  }
0x3e: {  	_ =	shalt  }
0x3f: {  	_ =	shalt  }
0x40: {  	_ =	shalt  }
0x41: {  	_ =	shalt  }
0x42: {  	_ =	shalt  }
0x43: {  	_ =	shalt  }
0x44: {  	_ =	shalt  }
0x45: {  	_ =	shalt  }
0x46: {  	_ =	shalt  }
0x47: {  	_ =	shalt  }
0x48: {  	_ =	shalt  }
0x49: {  	_ =	shalt  }
0x4a: {  	_ =	shalt  }
0x4b: {  	_ =	shalt  }
0x4c: {  	_ =	shalt  }
0x4d: {  	_ =	shalt  }
0x4e: {  	_ =	shalt  }
0x4f: {  	_ =	shalt  }
0x50: {  	_ =	shalt  }
0x51: {  	_ =	shalt  }
0x52: {  	_ =	shalt  }
0x53: {  	_ =	shalt  }
0x54: {  	_ =	shalt  }
0x55: {  	_ =	shalt  }
0x56: {  	_ =	shalt  }
0x57: {  	_ =	shalt  }
0x58: {  	_ =	shalt  }
0x59: {  	_ =	shalt  }
0x5a: {  	_ =	shalt  }
0x5b: {  	_ =	shalt  }
0x5c: {  	_ =	shalt  }
0x5d: {  	_ =	shalt  }
0x5e: {  	_ =	shalt  }
0x5f: {  	_ =	shalt  }
0x60: {  	_ =	shalt  }
0x61: {  	_ =	shalt  }
0x62: {  	_ =	shalt  }
0x63: {  	_ =	shalt  }
0x64: {  	_ =	shalt  }
0x65: {  	_ =	shalt  }
0x66: {  	_ =	shalt  }
0x67: {  	_ =	shalt  }
0x68: {  	_ =	shalt  }
0x69: {  	_ =	shalt  }
0x6a: {  	_ =	shalt  }
0x6b: {  	_ =	shalt  }
0x6c: {  	_ =	shalt  }
0x6d: {  	_ =	shalt  }
0x6e: {  	_ =	shalt  }
0x6f: {  	_ =	shalt  }
0x70: {  	_ =	shalt  }
0x71: {  	_ =	shalt  }
0x72: {  	_ =	shalt  }
0x73: {  	_ =	shalt  }
0x74: {  	_ =	shalt  }
0x75: {  	_ =	shalt  }
0x76: {  	_ =	shalt  }
0x77: {  	_ =	shalt  }
0x78: {  	_ =	shalt  }
0x79: {  	_ =	shalt  }
0x7a: {  	_ =	shalt  }
0x7b: {  	_ =	shalt  }
0x7c: {  	_ =	shalt  }
0x7d: {  	_ =	shalt  }
0x7e: {  	_ =	shalt  }
0x7f: {  	_ =	shalt  }
0x80: {  	_ =	shalt  }
0x81: {  	_ =	shalt  }
0x82: {  	_ =	shalt  }
0x83: {  	_ =	shalt  }
0x84: {  	_ =	shalt  }
0x85: {  	_ =	shalt  }
0x86: {  	_ =	shalt  }
0x87: {  	_ =	shalt  }
.Lfunc_end0:
.L_simem_size_0:
called_computation.1_lowered:
.L_overlay_start_0:
0x88: {  	s2 =	sld [smem:$0x3FD9]  }
0x89: {  	s3 =	sld [smem:$0x3FFE];
	_ =	sdelay $0x1  }
0x8a: {  	s1 =	srdreg.scid  }
0x8b: {  	s0 =	sand.u32 $0x1, s1  }
0x8c: {  	s17 =	sshll.u32 s0, $0xA;
	s2 =	sadd.s32 s3, s2  }
0x8d: {  	s2 =	sadd.s32 s2, s17  }
0x8e: {  	[smem:$0x3FB2] =	sst s2  }
0x8f: {  	_ = 	snop  }
0x90: {  	s2 =	sld [smem:$0x3FD0];
	(tm) =	ssettm $0x1  }
0x91: {  	s18 =	sld [smem:$0x3FFB];
	_ =	sdelay $0x3  }
0x92: {  	_ =	strace s18  }
0x93: {  	s3 =	sld [smem:$0x3FFC];
	_ =	sdelay $0x3  }
0x94: {  	_ =	strace s3  }
0x95: {  	s3 =	sld [smem:$0x3FFD];
	_ =	sdelay $0x3  }
0x96: {  	_ =	strace s3  }
0x97: {  	_ =	strace $0x8FFFFFFF  }
0x98: {  	s19 =	sld [smem:$0x3FDB];
	_ =	sdelay $0x1  }
0x99: {  	s4 =	simm.s32 $_scs_section_size  }
0x9a: {  	s5 =	simm.s32 $_size__tile_overlayer_lowered;
	s6 =	simm.s32 $_tile_overlayer_lowered  }
0x9b: {  	s22 =	simm.s32 $0x1BFF;
	s21 =	sshll.u32 s6, $0x1;
	s3 =	sadd.s32 s4, s19  }
0x9c: {  	s7 =	simm.s32 $0x0;
	s20 =	sshll.u32 s5, $0x1;
	s5 =	sadd.s32 s21, s3  }
0x9d: {  	[timem:s7], [sflag:s22] =	dma.local [hbm:s5], s20  }
0x9e: {  	_ =	swait.ge [sflag:s22], s20  }
0x9f: {  	s4 =	ssub.s32 $0x0, s20;
	[sflag:s22] =	ssyncset.done $0x0  }
0xa0: {  	[sflag:s22] =	ssyncadd.s32 s4;
	_ =	sdelay $0x1  }
0xa1: {  	s23 =	simm.s32 $0x1B8B  }
0xa2: {  	_ =	swait.ge [sflag:s23], $0x1  }
0xa3: {  	[sflag:s23] =	ssyncset.done $0x0  }
0xa4: {  	s25 =	simm.s32 $0x1B8E;
	s24 =	sld [smem:$0x3FFE];
	[sflag:s23] =	ssyncadd.s32 $0xFFFFFFFF  }
0xa5: {  	s26 =	simm.s32 $execute0_lowered;
	[smem:$0x3FD2] =	sst s25  }
0xa6: {  	s5 =	sshll.u32 s26, $0x1;
	_ =	strace $0x80000049;
	[dreg:$0x1] =	wrdreg $0xFFFFFFFF  }
0xa7: {  	s28 =	simm.s32 $_size_execute0_lowered;
	s3 =	sadd.s32 s3, s5;
	[dreg:$0x0] =	wrdreg $0x0  }
0xa8: {  	s5 =	sshll.u32 s28, $0x1;
	[dreg:$0x2] =	wrdreg s3  }
0xa9: {  	[dreg:$0x3] =	wrdreg s5  }
0xaa: {  	[dreg:$0x4] =	wrdreg $0xC0  }
0xab: {  	_ =	task [dreg:s7], $0x5FFFF  }
0xac: {  	[dreg:$0x1] =	wrdreg $0xFFFFFFFF  }
0xad: {  	[dreg:$0x0] =	wrdreg $0x60  }
0xae: {  	[dreg:$0x2] =	wrdreg s2  }
0xaf: {  	[dreg:$0x3] =	wrdreg s24  }
0xb0: {  	[dreg:$0x4] =	wrdreg $0x0  }
0xb1: {  	[dreg:$0x5] =	wrdreg $0x9  }
0xb2: {  	_ =	task.clear_ibuf [dreg:s7], $0x6FFFF;
	_ =	strace $0x90000049  }
0xb3: {  	s29 =	simm.s32 $0x9;
	_ =	strace $0x8000004B  }
0xb4: {  	_ =	swait.ge [sflag:s29], $0x1  }
0xb5: {  	[sflag:s29] =	ssyncadd.s32 $0xFFFFFFFF  }
0xb6: {  	_ =	strace $0x9000004B  }
0xb7: {  	_ =	sfence  }
0xb8: {  	s30 =	sld [smem:$0x0];
	_ =	sdelay $0x2  }
0xb9: {  	s31 =	sshll.u32 s1, $0xD;
	s1 =	sshrl.u32 s1, $0x2  }
0xba: {  	s3 =	sand.u32 $0x4000, s31;
	s1 =	sadd.s32 s1, s30  }
0xbb: {  	s0 =	sor.u32 s3, s0;
	s1 =	sshll.u32 s1, $0x11  }
0xbc: {  	s0 =	sor.u32 s1, s0  }
0xbd: {  	s0 =	sadd.s32 $0x8F2B, s0  }
0xbe: {  	[sflag:s0] =	ssyncadd.remote.s32 $0x1  }
0xbf: {  	_ =	sfence.sel $0xFFFF  }
0xc0: {  	[dreg:$0x0] =	wrdreg $0xFFFFFFFF;
	(pc) =	sbr.abs _section_cstart, $3  }
0xc1: {  	[dreg:$0x1] =	wrdreg $0xFFFFFFFF  }
0xc2: {  	_ =	task.clear_ibuf [dreg:s7], $0x2FFFF;
	_ =	strace $0x9FFFFFFF  }
0xc3: {  	(tm) =	ssettm $0x7FFFFFFF  }
tec
execute0_lowered:
.L_overlay_start_1:
0x0: {  	(tag) =	ssettag $0x1  }
0x1: {  	s1 =	rddreg [dreg:$0x0]  }
0x2: {  	s6 =	rddreg [dreg:$0x1]  }
0x3: {  	s2 =	rddreg [dreg:$0x2]  }
0x4: {  	s3 =	simm.s32 $0x0;
	s7 =	srdreg.scid;
	s0 =	stileid.u32  }
0x5: {  	s19 =	simm.s32 $0x1D080;
	s20 =	simm.s32 $0x80;
	s21 =	simm.s32 $0x13C80  }
0x6: {  	s28 =	simm.s32 $0x1E400;
	s29 =	simm.s32 $0x0;
	[smem:$0x7FF] =	sst s3  }
0x7: {  	s12 =	sadd.s32 $0x4200, s6;
	s13 =	sadd.s32 $0xE200, s6;
	s5 =	sadd.s32 $0x18200, s6  }
0x8: {  	s9 =	sand.u32 $0x1, s7;
	s14 =	sadd.s32 $0x1AA00, s6;
	s23 =	smul.u32 $0x4E000, s0  }
0x9: {  	s26 =	sshll.u32 s0, $0x6;
	s17 =	sadd.s32 $0x138000, s2;
	s31 =	smul.u32 $0x2700, s0  }
0xa: {  	p0 =	sne.s32 s0, $0xF;
	_ =	strace $0x8000004A;
	s22 =	ssub.s32 $0x2, s9  }
0xb: {  	s10 =	sshll.u32 s9, $0x4;
	s11 =	smul.u32 $0x138800, s9;
	s7 =	sor.u32 $0x1C03, s26  }
0xc: {  	s18 =	smul.u32 $0x27100, s9;
	s17 =	sshrl.u32 @!p0 s17, $0x3;
	s26 =	simm.s32 $0x1E380  }
0xd: {  	s8 =	sshrl.u32 s22, $0x1;
	s24 =	sor.u32 s0, s10;
	s25 =	sshrl.u32 s23, $0x2  }
0xe: {  	s23 =	simm.s32 $0x17C80;
	s15 =	ssub.s32 s22, s8;
	s6 =	sadd.s32 s25, s2  }
0xf: {  	s30 =	sshrl.u32 s11, $0x3;
	s16 =	smul.u32 $0x500, s24;
	s22 =	simm.s32 $0x1  }
0x10: {  	s24 =	simm.s32 $0x2;
	s25 =	simm.s32 $0x1D000;
	s10 =	sadd.s32 s14, s30  }
0x11: {  	s9 =	smax.u32 s15, $0x1;
	s14 =	sadd.s32 s18, s14;
	s15 =	sshrl.u32 s6, $0x3  }
0x12: {  	s18 =	simm.s32 $0x1BC80;
	s8 =	sadd.s32 $0x27000, s10;
	s10 =	sadd.s32 s12, s16  }
0x13: {  	s11 =	sadd.s32 s13, s16;
	s16 =	sadd.s32 $0x280, s16;
	s14 =	sadd.s32 s31, s14  }
0x14: {  	s12 =	sadd.s32 s12, s16;
	s13 =	sadd.s32 s13, s16;
	s16 =	simm.s32 $0x3  }
.LBB2_1:
0x15: {  	[spmem:s15], [sflag:s7] =	dma.local [hbm:s5], $0x2700  }
0x16: {  	_ =	swait.ge [sflag:s16], $0x2700  }
0x17: {  	[sflag:s16] =	ssyncset.done $0x0  }
0x18: {  	s30 =	simm.s32 @!p0 $0x3;
	[sflag:s16] =	ssyncadd.s32 $0xFFFFD900  }
0x19: {  	[spmem:s17], [sflag:s7] =	dma.local @!p0 [hbm:s5], $0x100  }
0x1a: {  	_ =	swait.ge @!p0 [sflag:s30], $0x100  }
0x1b: {  	[sflag:s30] =	ssyncset.done @!p0 $0x0  }
0x1c: {  	[sflag:s30] =	ssyncadd.s32 @!p0 $0xFFFFFF00  }
0x1d: {  	[bflag:$0x0] =	sbarrier.arrive $0xFFFF  }
0x1e: {  	[tilespmem:s18], [sflag:$0x3] =	stream.linear.gather [hbm4b:s10+s3], $0x1400, $0x38;
	[tilespmem:$0x1E480] =	vst v63  }
0x1f: {  	_ =	swait.ge [sflag:s16], $0x1400  }
0x20: {  	[sflag:s16] =	ssyncset.done $0x0  }
0x21: {  	[sflag:s16] =	ssyncadd.s32 $0xFFFFEC00  }
0x22: {  	[tilespmem:s19], [sflag:$0x3] =	stream.linear.gather [hbm4b:s11+s3], $0x1400, $0x38;
	[tilespmem:$0x1E480] =	vst v63  }
0x23: {  	_ =	swait.ge [sflag:s16], $0x1400  }
0x24: {  	[sflag:s16] =	ssyncset.done $0x0  }
0x25: {  	[sflag:s16] =	ssyncadd.s32 $0xFFFFEC00  }
0x26: {  	[tilespmem:s21], [sflag:$0x1] =	stream.indirect.gather [hbm4b:s1+s20], $0x80, s18, s20, $0xb8;
	[tilespmem:$0x1E480] =	vst v63  }
0x27: {  	_ =	swait.ge [sflag:s22], $0x4000  }
0x28: {  	[sflag:s22] =	ssyncset.done $0x0  }
0x29: {  	s30 =	simm.s32 $0x1BD00;
	[sflag:s22] =	ssyncadd.s32 $0xFFFFC000  }
0x2a: {  	[tilespmem:s23], [sflag:$0x2] =	stream.indirect.gather [hbm4b:s1+s20], $0x80, s30, s20, $0xb8;
	[tilespmem:$0x1E480] =	vst v63  }
0x2b: {  	s30 =	simm.s32 $0x1D080  }
0x2c: {  	[spmem:s2] =	stream.indirect.scatter.add.f32 [tilespmem:s21], [sflag:$0x3], $0x80, s30, s20, $0xb8;
	[tilespmem:$0x1E480] =	vst v63  }
0x2d: {  	_ =	swait.ge [sflag:s16], $0x4000  }
0x2e: {  	[sflag:s16] =	ssyncset.done $0x0  }
0x2f: {  	[sflag:s16] =	ssyncadd.s32 $0xFFFFC000  }
0x30: {  	_ =	swait.ge [sflag:s24], $0x4000  }
0x31: {  	[sflag:s24] =	ssyncset.done $0x0  }
0x32: {  	s30 =	simm.s32 $0x1BD80;
	[sflag:s24] =	ssyncadd.s32 $0xFFFFC000  }
0x33: {  	[tilespmem:s21], [sflag:$0x1] =	stream.indirect.gather [hbm4b:s1+s20], $0x80, s30, s20, $0xb8;
	[tilespmem:$0x1E480] =	vst v63  }
0x34: {  	s30 =	simm.s32 $0x1D100  }
0x35: {  	[spmem:s2] =	stream.indirect.scatter.add.f32 [tilespmem:s23], [sflag:$0x3], $0x80, s30, s20, $0xb8;
	[tilespmem:$0x1E480] =	vst v63  }
0x36: {  	_ =	swait.ge [sflag:s16], $0x4000  }
0x37: {  	s30 =	simm.s32 $0x400;
	[sflag:s16] =	ssyncset.done $0x0  }
.LBB2_2:
0x38: {  	p1 =	sne.s32 s30, $0x4800  }
0x39: {  	[sflag:s16] =	ssyncadd.s32 $0xFFFFC000;
	s31 =	smov.u32 s30;
	s30 =	sadd.s32 $0x400, s30  }
0x3a: {  	_ = 	snop  }
0x3b: {  	_ =	swait.ge [sflag:s22], $0x4000  }
0x3c: {  	s31 =	sshra.s32 s31, $0x2;
	[sflag:s22] =	ssyncset.done $0x0  }
0x3d: {  	s0 =	sadd.s32 $0x1BD00, s31;
	[sflag:s22] =	ssyncadd.s32 $0xFFFFC000  }
0x3e: {  	[tilespmem:s23], [sflag:$0x2] =	stream.indirect.gather [hbm4b:s1+s20], $0x80, s0, s20, $0xb8;
	[tilespmem:$0x1E480] =	vst v63  }
0x3f: {  	s0 =	sadd.s32 $0x1D080, s31  }
0x40: {  	[spmem:s2] =	stream.indirect.scatter.add.f32 [tilespmem:s21], [sflag:$0x3], $0x80, s0, s20, $0xb8;
	[tilespmem:$0x1E480] =	vst v63  }
0x41: {  	_ =	swait.ge [sflag:s16], $0x4000  }
0x42: {  	[sflag:s16] =	ssyncset.done $0x0  }
0x43: {  	[sflag:s16] =	ssyncadd.s32 $0xFFFFC000  }
0x44: {  	_ =	swait.ge [sflag:s24], $0x4000  }
0x45: {  	[sflag:s24] =	ssyncset.done $0x0  }
0x46: {  	s0 =	sadd.s32 $0x1BD80, s31;
	[sflag:s24] =	ssyncadd.s32 $0xFFFFC000  }
0x47: {  	[tilespmem:s21], [sflag:$0x1] =	stream.indirect.gather [hbm4b:s1+s20], $0x80, s0, s20, $0xb8;
	[tilespmem:$0x1E480] =	vst v63  }
.Ltmp0:
0x48: {  	_ = 	snop;
	(pc) =	sbr.rel @p1 .LBB2_2-.Ltmp0, $4  }
0x49: {  	s0 =	sadd.s32 $0x1D100, s31  }
0x4a: {  	[spmem:s2] =	stream.indirect.scatter.add.f32 [tilespmem:s23], [sflag:$0x3], $0x80, s0, s20, $0xb8;
	[tilespmem:$0x1E480] =	vst v63  }
0x4b: {  	_ =	swait.ge [sflag:s16], $0x4000  }
0x4c: {  	[sflag:s16] =	ssyncset.done $0x0  }
0x4d: {  	[sflag:s16] =	ssyncadd.s32 $0xFFFFC000  }
0x4e: {  	_ =	swait.ge [sflag:s22], $0x4000  }
0x4f: {  	[sflag:s22] =	ssyncset.done $0x0  }
0x50: {  	[sflag:s22] =	ssyncadd.s32 $0xFFFFC000  }
0x51: {  	[tilespmem:s23], [sflag:$0x2] =	stream.indirect.gather [hbm4b:s1+s20], $0x80, s25, s20, $0xb8;
	[tilespmem:$0x1E480] =	vst v63  }
0x52: {  	_ = 	snop  }
0x53: {  	[spmem:s2] =	stream.indirect.scatter.add.f32 [tilespmem:s21], [sflag:$0x3], $0x80, s26, s20, $0xb8;
	[tilespmem:$0x1E480] =	vst v63  }
0x54: {  	_ =	swait.ge [sflag:s16], $0x4000  }
0x55: {  	[sflag:s16] =	ssyncset.done $0x0  }
0x56: {  	[sflag:s16] =	ssyncadd.s32 $0xFFFFC000  }
0x57: {  	_ =	swait.ge [sflag:s24], $0x4000  }
0x58: {  	[sflag:s24] =	ssyncset.done $0x0  }
0x59: {  	[sflag:s24] =	ssyncadd.s32 $0xFFFFC000  }
0x5a: {  	[spmem:s2] =	stream.indirect.scatter.add.f32 [tilespmem:s23], [sflag:$0x3], $0x80, s28, s20, $0xb8;
	[tilespmem:$0x1E480] =	vst v63  }
0x5b: {  	_ =	swait.ge [sflag:s16], $0x4000  }
0x5c: {  	[sflag:s16] =	ssyncset.done $0x0  }
0x5d: {  	s0 =	simm.s32 $0x0;
	[sflag:s16] =	ssyncadd.s32 $0xFFFFC000  }
0x5e: {  	[tilespmem:s18], [sflag:$0x3] =	stream.linear.gather [hbm4b:s12+s0], $0x1400, $0x38;
	[tilespmem:$0x1E480] =	vst v63  }
0x5f: {  	_ =	swait.ge [sflag:s16], $0x1400  }
0x60: {  	[sflag:s16] =	ssyncset.done $0x0  }
0x61: {  	[sflag:s16] =	ssyncadd.s32 $0xFFFFEC00  }
0x62: {  	[tilespmem:s19], [sflag:$0x3] =	stream.linear.gather [hbm4b:s13+s0], $0x1400, $0x38;
	[tilespmem:$0x1E480] =	vst v63  }
0x63: {  	_ =	swait.ge [sflag:s16], $0x1400  }
0x64: {  	[sflag:s16] =	ssyncset.done $0x0  }
0x65: {  	[sflag:s16] =	ssyncadd.s32 $0xFFFFEC00  }
0x66: {  	[tilespmem:s21], [sflag:$0x1] =	stream.indirect.gather [hbm4b:s1+s20], $0x80, s18, s20, $0xb8;
	[tilespmem:$0x1E480] =	vst v63  }
0x67: {  	_ =	swait.ge [sflag:s22], $0x4000  }
0x68: {  	[sflag:s22] =	ssyncset.done $0x0  }
0x69: {  	s4 =	simm.s32 $0x1BD00;
	[sflag:s22] =	ssyncadd.s32 $0xFFFFC000  }
0x6a: {  	[tilespmem:s23], [sflag:$0x2] =	stream.indirect.gather [hbm4b:s1+s20], $0x80, s4, s20, $0xb8;
	[tilespmem:$0x1E480] =	vst v63  }
0x6b: {  	s31 =	simm.s32 $0x1D080  }
0x6c: {  	[spmem:s2] =	stream.indirect.scatter.add.f32 [tilespmem:s21], [sflag:$0x3], $0x80, s31, s20, $0xb8;
	[tilespmem:$0x1E480] =	vst v63  }
0x6d: {  	_ =	swait.ge [sflag:s16], $0x4000  }
0x6e: {  	[sflag:s16] =	ssyncset.done $0x0  }
0x6f: {  	[sflag:s16] =	ssyncadd.s32 $0xFFFFC000  }
0x70: {  	_ =	swait.ge [sflag:s24], $0x4000  }
0x71: {  	[sflag:s24] =	ssyncset.done $0x0  }
0x72: {  	s4 =	simm.s32 $0x1BD80;
	[sflag:s24] =	ssyncadd.s32 $0xFFFFC000  }
0x73: {  	[tilespmem:s21], [sflag:$0x1] =	stream.indirect.gather [hbm4b:s1+s20], $0x80, s4, s20, $0xb8;
	[tilespmem:$0x1E480] =	vst v63  }
0x74: {  	s31 =	simm.s32 $0x1D100  }
0x75: {  	[spmem:s2] =	stream.indirect.scatter.add.f32 [tilespmem:s23], [sflag:$0x3], $0x80, s31, s20, $0xb8;
	[tilespmem:$0x1E480] =	vst v63  }
0x76: {  	_ =	swait.ge [sflag:s16], $0x4000  }
0x77: {  	s30 =	simm.s32 $0x400;
	[sflag:s16] =	ssyncset.done $0x0  }
.LBB2_4:
0x78: {  	p1 =	sne.s32 s30, $0x4800  }
0x79: {  	[sflag:s16] =	ssyncadd.s32 $0xFFFFC000;
	s0 =	smov.u32 s30;
	s30 =	sadd.s32 $0x400, s30  }
0x7a: {  	_ = 	snop  }
0x7b: {  	_ =	swait.ge [sflag:s22], $0x4000  }
0x7c: {  	s0 =	sshra.s32 s0, $0x2;
	[sflag:s22] =	ssyncset.done $0x0  }
0x7d: {  	s31 =	sadd.s32 $0x1BD00, s0;
	[sflag:s22] =	ssyncadd.s32 $0xFFFFC000  }
0x7e: {  	[tilespmem:s23], [sflag:$0x2] =	stream.indirect.gather [hbm4b:s1+s20], $0x80, s31, s20, $0xb8;
	[tilespmem:$0x1E480] =	vst v63  }
0x7f: {  	s31 =	sadd.s32 $0x1D080, s0  }
0x80: {  	[spmem:s2] =	stream.indirect.scatter.add.f32 [tilespmem:s21], [sflag:$0x3], $0x80, s31, s20, $0xb8;
	[tilespmem:$0x1E480] =	vst v63  }
0x81: {  	_ =	swait.ge [sflag:s16], $0x4000  }
0x82: {  	[sflag:s16] =	ssyncset.done $0x0  }
0x83: {  	[sflag:s16] =	ssyncadd.s32 $0xFFFFC000  }
0x84: {  	_ =	swait.ge [sflag:s24], $0x4000  }
0x85: {  	[sflag:s24] =	ssyncset.done $0x0  }
0x86: {  	s31 =	sadd.s32 $0x1BD80, s0;
	[sflag:s24] =	ssyncadd.s32 $0xFFFFC000  }
0x87: {  	[tilespmem:s21], [sflag:$0x1] =	stream.indirect.gather [hbm4b:s1+s20], $0x80, s31, s20, $0xb8;
	[tilespmem:$0x1E480] =	vst v63  }
.Ltmp1:
0x88: {  	_ = 	snop;
	(pc) =	sbr.rel @p1 .LBB2_4-.Ltmp1, $4  }
0x89: {  	s0 =	sadd.s32 $0x1D100, s0  }
0x8a: {  	[spmem:s2] =	stream.indirect.scatter.add.f32 [tilespmem:s23], [sflag:$0x3], $0x80, s0, s20, $0xb8;
	[tilespmem:$0x1E480] =	vst v63  }
0x8b: {  	_ =	swait.ge [sflag:s16], $0x4000  }
0x8c: {  	[sflag:s16] =	ssyncset.done $0x0  }
0x8d: {  	[sflag:s16] =	ssyncadd.s32 $0xFFFFC000  }
0x8e: {  	_ =	swait.ge [sflag:s22], $0x4000  }
0x8f: {  	[sflag:s22] =	ssyncset.done $0x0  }
0x90: {  	[sflag:s22] =	ssyncadd.s32 $0xFFFFC000  }
0x91: {  	[tilespmem:s23], [sflag:$0x2] =	stream.indirect.gather [hbm4b:s1+s20], $0x80, s25, s20, $0xb8;
	[tilespmem:$0x1E480] =	vst v63  }
0x92: {  	_ = 	snop  }
0x93: {  	[spmem:s2] =	stream.indirect.scatter.add.f32 [tilespmem:s21], [sflag:$0x3], $0x80, s26, s20, $0xb8;
	[tilespmem:$0x1E480] =	vst v63  }
0x94: {  	_ =	swait.ge [sflag:s16], $0x4000  }
0x95: {  	[sflag:s16] =	ssyncset.done $0x0  }
0x96: {  	[sflag:s16] =	ssyncadd.s32 $0xFFFFC000  }
0x97: {  	_ =	swait.ge [sflag:s24], $0x4000  }
0x98: {  	[sflag:s24] =	ssyncset.done $0x0  }
0x99: {  	[sflag:s24] =	ssyncadd.s32 $0xFFFFC000  }
0x9a: {  	[spmem:s2] =	stream.indirect.scatter.add.f32 [tilespmem:s23], [sflag:$0x3], $0x80, s28, s20, $0xb8;
	[tilespmem:$0x1E480] =	vst v63  }
0x9b: {  	_ =	swait.ge [sflag:s16], $0x4000  }
0x9c: {  	[sflag:s16] =	ssyncset.done $0x0  }
0x9d: {  	[sflag:s16] =	ssyncadd.s32 $0xFFFFC000  }
0x9e: {  	s0 =	sadd.s32 $0x0, s14;
	[bflag:$0x0] =	sbarrier.arrive $0xFFFF  }
0x9f: {  	[hbm:s0], [sflag:s7] =	dma.local [spmem:s15], $0x300  }
0xa0: {  	_ =	swait.ge [sflag:s16], $0x300  }
0xa1: {  	s30 =	simm.s32 $0x300;
	s31 =	sadd.s32 $0x1800, s6;
	[sflag:s16] =	ssyncset.done $0x0  }
.LBB2_6:
0xa2: {  	s0 =	sadd.s32 s30, s14  }
0xa3: {  	s4 =	sshrl.u32 s31, $0x3;
	[sflag:s16] =	ssyncadd.s32 $0xFFFFFD00;
	p1 =	sne.s32 s30, $0x2400  }
0xa4: {  	[hbm:s0], [sflag:s7] =	dma.local [spmem:s4], $0x300  }
.Ltmp2:
0xa5: {  	_ = 	snop;
	(pc) =	sbr.rel @p1 .LBB2_6-.Ltmp2, $4  }
0xa6: {  	_ = 	snop  }
0xa7: {  	s30 =	sadd.s32 $0x300, s30  }
0xa8: {  	_ =	swait.ge [sflag:s16], $0x300  }
0xa9: {  	s31 =	sadd.s32 $0x1800, s31;
	[sflag:s16] =	ssyncset.done $0x0  }
0xaa: {  	s29 =	sadd.s32 $0x1, s29  }
0xab: {  	p1 =	sne.s32 s29, s9  }
.Ltmp3:
0xac: {  	[sflag:s16] =	ssyncadd.s32 $0xFFFFFD00;
	s0 =	simm.s32 @!p0 $0x3;
	(pc) =	sbr.rel @p1 .LBB2_1-.Ltmp3, $4  }
0xad: {  	[hbm:s8], [sflag:s7] =	dma.local @!p0 [spmem:s17], $0x100  }
0xae: {  	_ =	swait.ge @!p0 [sflag:s0], $0x100  }
0xaf: {  	[sflag:s0] =	ssyncset.done @!p0 $0x0  }
0xb0: {  	[sflag:s0] =	ssyncadd.s32 @!p0 $0xFFFFFF00  }
0xb1: {  	_ =	sfence.sel $0x180000  }
0xb2: {  	[bflag:$0x0] =	sbarrier.arrive $0xFFFF  }
0xb3: {  	_ =	strace $0x9000004A  }
0xb4: {  	s0 =	stileid.u32;
	[bflag:$0x2] =	sbarrier.arrive $0xFFFF  }
0xb5: {  	p0 =	sne.s32 s0, $0x0;
	s0 =	rddreg [dreg:$0x3]  }
0xb6: {  	s0 =	sadd.s32 @!p0 $0x100000, s0  }
0xb7: {  	[sflag:s0] =	ssyncadd.tile.s32 @!p0 $0x1;
	_ =	shalt  }
.Lfunc_end2:
_tile_overlayer_lowered:
.L_overlay_start_2:
0xb8: {  	(tag) =	ssettag $0x2  }
0xb9: {  	s0 =	rddreg [dreg:$0x0];
	s2 =	stileid.u32  }
0xba: {  	s1 =	rddreg [dreg:$0x1];
	p0 =	sne.s32 s2, $0x0  }
0xbb: {  	s3 =	rddreg [dreg:$0x2];
	[bflag:$0x3] =	sbarrier.arrive $0xFFFF;
	s2 =	simm.s32 @!p0 $0x1C03  }
0xbc: {  	[timem:s3], [sflag:s2] =	dma.local @!p0 [hbm:s0], s1  }
0xbd: {  	s0 =	simm.s32 @!p0 $0x3  }
0xbe: {  	_ =	swait.ge @!p0 [sflag:s0], s1  }
0xbf: {  	s1 =	ssub.s32 @!p0 $0x0, s1;
	[sflag:s0] =	ssyncset.done @!p0 $0x0  }
0xc0: {  	[sflag:s0] =	ssyncadd.s32 @!p0 s1  }
0xc1: {  	[bflag:$0x3] =	sbarrier.arrive $0xFFFF  }
0xc2: {  	_ =	shalt  }

// kernel: kernel.7.cloned.1.call-start
scs
__scs_entry_jumppad:
0x0: {  	(pc) =	sbr.rel $0x88, $3  }
0x1: {  	(tag) =	ssettag $0x0;
	lr =	simm.s32 $0x1  }
0x2: {  	[smem:$0x3F8B] =	sst lr;
	_ =	strace $0xD0000000  }
0x3: {  	_ = 	snop  }
0x4: {  	_ = 	snop  }
0x5: {  	_ = 	snop  }
0x6: {  	_ = 	snop  }
0x7: {  	_ = 	snop  }
__scs_overlays_trampoline_lowered:
0x8: {  	[smem:$0x3F9A] =	sst s0  }
0x9: {  	[smem:$0x3F9B] =	sst s1  }
0xa: {  	[smem:$0x3F9C] =	sst s2  }
0xb: {  	[smem:$0x3F9D] =	sst s3  }
0xc: {  	[smem:$0x3F9E] =	sst s4  }
0xd: {  	[smem:$0x3F9F] =	sst s5  }
0xe: {  	[smem:$0x3FA0] =	sst s6  }
0xf: {  	[smem:$0x3FA1] =	sst s7  }
0x10: {  	[smem:$0x3FA2] =	sst s8  }
0x11: {  	[smem:$0x3FA3] =	sst s9;
	s0 =	simm.s32 @!p0 $0x0  }
0x12: {  	s1 =	sld [smem:$0x3F89];
	s0 =	simm.s32 @p0 $0x1  }
0x13: {  	[smem:$0x3FA4] =	sst s0;
	s0 =	simm.s32 @!p1 $0x0  }
0x14: {  	s2 =	sld [smem:$0x3F88];
	s0 =	simm.s32 @p1 $0x1  }
0x15: {  	[smem:$0x3FA5] =	sst s0;
	s0 =	simm.s32 @!p2 $0x0  }
0x16: {  	s3 =	sld [smem:$0x3FDB];
	s0 =	simm.s32 @p2 $0x1  }
0x17: {  	s4 =	simm.s32 $0x1BF5;
	[smem:$0x3FA7] =	sst s0  }
0x18: {  	s0 =	sld [smem:$0x3F8A];
	_ =	swait.ge [sflag:s4], $0x0  }
0x19: {  	s7 =	sld [smem:$0x3F8B]  }
0x1a: {  	s8 =	sadd.s32 $0xFFFFE003, lr  }
0x1b: {  	s9 =	sadd.s32 $0xFFFFFEF7, lr;
	s5 =	simm.s32 $0xFFFFFFFF;
	p2 =	slt.u32 s8, $0xFFFFF086  }
0x1c: {  	p1 =	slt.u32 s9, $0xF7A;
	s5 =	simm.s32 @!p2 $0x0  }
0x1d: {  	s5 =	simm.s32 @p1 $0x1;
	p0 =	seq.s32 s7, s2  }
0x1e: {  	s7 =	smul.u32 @!p0 $0xF7A, s2;
	p2 =	seq.s32 @!p0 s5, $0x0  }
0x1f: {  	s9 =	smul.u32 $0xF7A, s1;
	s8 =	simm.s32 @!p0 $0x1BF5;
	p2 =	por !p2, p0  }
0x20: {  	[sflag:s8] =	ssyncset.s32 @!p0 $0xFFFFF086;
	s6 =	sadd.s32 @!p0 s3, s7;
	s7 =	simm.s32 @!p0 $0x108  }
0x21: {  	s3 =	sadd.s32 s3, s9;
	s6 =	sadd.s32 @!p0 $0x88, s6;
	s7 =	simm.s32 @p2 $0x1082  }
0x22: {  	[simem:s7], [sflag:s8] =	dma.local @!p0 [hbm:s6], $0xF7A  }
0x23: {  	s9 =	sor.u32 $0xD0000000, s2;
	s6 =	simm.s32 $0x108;
	_ =	swait.ge @!p0 [sflag:s8], $0x0  }
0x24: {  	s3 =	sadd.s32 $0x88, s3;
	s6 =	simm.s32 @!p1 $0x1082;
	[sflag:s4] =	ssyncset.s32 $0xFFFFF086  }
0x25: {  	[simem:s6], [sflag:s4] =	dma.local [hbm:s3], $0xF7A  }
0x26: {  	[smem:$0x3F8B] =	sst s1;
	(tag) =	ssettag s2;
	_ =	strace s9  }
0x27: {  	s1 =	sld [smem:$0x3F9B]  }
0x28: {  	s2 =	sld [smem:$0x3F9C]  }
0x29: {  	s4 =	sld [smem:$0x3F9E]  }
0x2a: {  	p0 =	seq.s32 s5, $0x0;
	s5 =	sld [smem:$0x3F9F]  }
0x2b: {  	s6 =	sld [smem:$0x3FA0]  }
0x2c: {  	s7 =	sld [smem:$0x3FA1]  }
0x2d: {  	s3 =	simm.s32 $0x108;
	s8 =	sld [smem:$0x3FA2]  }
0x2e: {  	s3 =	simm.s32 @!p0 $0x1082;
	s9 =	sld [smem:$0x3FA3]  }
0x2f: {  	lr =	sadd.s32 s0, s3;
	s0 =	sld [smem:$0x3F9A]  }
0x30: {  	s3 =	sld [smem:$0x3F9D]  }
0x31: {  	[smem:$0x3FA6] =	sst s10  }
0x32: {  	s10 =	sld [smem:$0x3FA4];
	_ =	sdelay $0x3  }
0x33: {  	p0 =	seq.s32 s10, $0x1;
	s10 =	sld [smem:$0x3FA6];
	_ =	sdelay $0x3  }
0x34: {  	[smem:$0x3FA6] =	sst s10  }
0x35: {  	s10 =	sld [smem:$0x3FA5];
	_ =	sdelay $0x3  }
0x36: {  	p1 =	seq.s32 s10, $0x1;
	s10 =	sld [smem:$0x3FA6];
	_ =	sdelay $0x3  }
0x37: {  	[smem:$0x3FA6] =	sst s10  }
0x38: {  	s10 =	sld [smem:$0x3FA7]  }
0x39: {  	_ = 	snop;
	(pc) =	sbr.ind lr, $3  }
0x3a: {  	_ = 	snop  }
0x3b: {  	_ = 	snop  }
0x3c: {  	p2 =	seq.s32 s10, $0x1;
	s10 =	sld [smem:$0x3FA6]  }
0x3d: {  	_ =	shalt  }
0x3e: {  	_ =	shalt  }
0x3f: {  	_ =	shalt  }
0x40: {  	_ =	shalt  }
0x41: {  	_ =	shalt  }
0x42: {  	_ =	shalt  }
0x43: {  	_ =	shalt  }
0x44: {  	_ =	shalt  }
0x45: {  	_ =	shalt  }
0x46: {  	_ =	shalt  }
0x47: {  	_ =	shalt  }
0x48: {  	_ =	shalt  }
0x49: {  	_ =	shalt  }
0x4a: {  	_ =	shalt  }
0x4b: {  	_ =	shalt  }
0x4c: {  	_ =	shalt  }
0x4d: {  	_ =	shalt  }
0x4e: {  	_ =	shalt  }
0x4f: {  	_ =	shalt  }
0x50: {  	_ =	shalt  }
0x51: {  	_ =	shalt  }
0x52: {  	_ =	shalt  }
0x53: {  	_ =	shalt  }
0x54: {  	_ =	shalt  }
0x55: {  	_ =	shalt  }
0x56: {  	_ =	shalt  }
0x57: {  	_ =	shalt  }
0x58: {  	_ =	shalt  }
0x59: {  	_ =	shalt  }
0x5a: {  	_ =	shalt  }
0x5b: {  	_ =	shalt  }
0x5c: {  	_ =	shalt  }
0x5d: {  	_ =	shalt  }
0x5e: {  	_ =	shalt  }
0x5f: {  	_ =	shalt  }
0x60: {  	_ =	shalt  }
0x61: {  	_ =	shalt  }
0x62: {  	_ =	shalt  }
0x63: {  	_ =	shalt  }
0x64: {  	_ =	shalt  }
0x65: {  	_ =	shalt  }
0x66: {  	_ =	shalt  }
0x67: {  	_ =	shalt  }
0x68: {  	_ =	shalt  }
0x69: {  	_ =	shalt  }
0x6a: {  	_ =	shalt  }
0x6b: {  	_ =	shalt  }
0x6c: {  	_ =	shalt  }
0x6d: {  	_ =	shalt  }
0x6e: {  	_ =	shalt  }
0x6f: {  	_ =	shalt  }
0x70: {  	_ =	shalt  }
0x71: {  	_ =	shalt  }
0x72: {  	_ =	shalt  }
0x73: {  	_ =	shalt  }
0x74: {  	_ =	shalt  }
0x75: {  	_ =	shalt  }
0x76: {  	_ =	shalt  }
0x77: {  	_ =	shalt  }
0x78: {  	_ =	shalt  }
0x79: {  	_ =	shalt  }
0x7a: {  	_ =	shalt  }
0x7b: {  	_ =	shalt  }
0x7c: {  	_ =	shalt  }
0x7d: {  	_ =	shalt  }
0x7e: {  	_ =	shalt  }
0x7f: {  	_ =	shalt  }
0x80: {  	_ =	shalt  }
0x81: {  	_ =	shalt  }
0x82: {  	_ =	shalt  }
0x83: {  	_ =	shalt  }
0x84: {  	_ =	shalt  }
0x85: {  	_ =	shalt  }
0x86: {  	_ =	shalt  }
0x87: {  	_ =	shalt  }
.Lfunc_end0:
.L_simem_size_0:
called_computation_lowered:
.L_overlay_start_0:
0x88: {  	s2 =	sld [smem:$0x3FD9]  }
0x89: {  	s3 =	sld [smem:$0x3FFE];
	_ =	sdelay $0x1  }
0x8a: {  	s1 =	srdreg.scid  }
0x8b: {  	s0 =	sand.u32 $0x1, s1  }
0x8c: {  	s17 =	sshll.u32 s0, $0xA;
	s2 =	sadd.s32 s3, s2  }
0x8d: {  	s2 =	sadd.s32 s2, s17  }
0x8e: {  	[smem:$0x3FB2] =	sst s2  }
0x8f: {  	_ = 	snop  }
0x90: {  	s2 =	sld [smem:$0x3FD0];
	(tm) =	ssettm $0x1  }
0x91: {  	s18 =	sld [smem:$0x3FFB];
	_ =	sdelay $0x3  }
0x92: {  	_ =	strace s18  }
0x93: {  	s3 =	sld [smem:$0x3FFC];
	_ =	sdelay $0x3  }
0x94: {  	_ =	strace s3  }
0x95: {  	s3 =	sld [smem:$0x3FFD];
	_ =	sdelay $0x3  }
0x96: {  	_ =	strace s3  }
0x97: {  	_ =	strace $0x8FFFFFFF  }
0x98: {  	s19 =	sld [smem:$0x3FDB];
	_ =	sdelay $0x1  }
0x99: {  	s4 =	simm.s32 $_scs_section_size  }
0x9a: {  	s5 =	simm.s32 $_size__tile_overlayer_lowered;
	s6 =	simm.s32 $_tile_overlayer_lowered  }
0x9b: {  	s22 =	simm.s32 $0x1BFF;
	s21 =	sshll.u32 s6, $0x1;
	s3 =	sadd.s32 s4, s19  }
0x9c: {  	s7 =	simm.s32 $0x0;
	s20 =	sshll.u32 s5, $0x1;
	s5 =	sadd.s32 s21, s3  }
0x9d: {  	[timem:s7], [sflag:s22] =	dma.local [hbm:s5], s20  }
0x9e: {  	_ =	swait.ge [sflag:s22], s20  }
0x9f: {  	s4 =	ssub.s32 $0x0, s20;
	[sflag:s22] =	ssyncset.done $0x0  }
0xa0: {  	[sflag:s22] =	ssyncadd.s32 s4;
	_ =	sdelay $0x1  }
0xa1: {  	s23 =	simm.s32 $0x1B8B  }
0xa2: {  	_ =	swait.ge [sflag:s23], $0x1  }
0xa3: {  	[sflag:s23] =	ssyncset.done $0x0  }
0xa4: {  	s25 =	simm.s32 $0x1B8E;
	s24 =	sld [smem:$0x3FFE];
	[sflag:s23] =	ssyncadd.s32 $0xFFFFFFFF  }
0xa5: {  	s26 =	simm.s32 $execute0_lowered;
	[smem:$0x3FD2] =	sst s25  }
0xa6: {  	s5 =	sshll.u32 s26, $0x1;
	_ =	strace $0x80000046;
	[dreg:$0x1] =	wrdreg $0xFFFFFFFF  }
0xa7: {  	s28 =	simm.s32 $_size_execute0_lowered;
	s3 =	sadd.s32 s3, s5;
	[dreg:$0x0] =	wrdreg $0x0  }
0xa8: {  	s5 =	sshll.u32 s28, $0x1;
	[dreg:$0x2] =	wrdreg s3  }
0xa9: {  	[dreg:$0x3] =	wrdreg s5  }
0xaa: {  	[dreg:$0x4] =	wrdreg $0xC0  }
0xab: {  	_ =	task [dreg:s7], $0x5FFFF  }
0xac: {  	[dreg:$0x1] =	wrdreg $0xFFFFFFFF  }
0xad: {  	[dreg:$0x0] =	wrdreg $0x60  }
0xae: {  	[dreg:$0x2] =	wrdreg s2  }
0xaf: {  	[dreg:$0x3] =	wrdreg s24  }
0xb0: {  	[dreg:$0x4] =	wrdreg $0x0  }
0xb1: {  	[dreg:$0x5] =	wrdreg $0x13C800  }
0xb2: {  	[dreg:$0x6] =	wrdreg $0x9  }
0xb3: {  	_ =	task.clear_ibuf [dreg:s7], $0x7FFFF;
	_ =	strace $0x90000046  }
0xb4: {  	s29 =	simm.s32 $0x9;
	_ =	strace $0x80000048  }
0xb5: {  	_ =	swait.ge [sflag:s29], $0x1  }
0xb6: {  	[sflag:s29] =	ssyncadd.s32 $0xFFFFFFFF  }
0xb7: {  	_ =	strace $0x90000048  }
0xb8: {  	_ =	sfence  }
0xb9: {  	s30 =	sld [smem:$0x0];
	_ =	sdelay $0x2  }
0xba: {  	s31 =	sshll.u32 s1, $0xD;
	s1 =	sshrl.u32 s1, $0x2  }
0xbb: {  	s3 =	sand.u32 $0x4000, s31;
	s1 =	sadd.s32 s1, s30  }
0xbc: {  	s0 =	sor.u32 s3, s0;
	s1 =	sshll.u32 s1, $0x11  }
0xbd: {  	s0 =	sor.u32 s1, s0  }
0xbe: {  	s0 =	sadd.s32 $0x8F2B, s0  }
0xbf: {  	[sflag:s0] =	ssyncadd.remote.s32 $0x1  }
0xc0: {  	_ =	sfence.sel $0xFFFF  }
0xc1: {  	[dreg:$0x0] =	wrdreg $0xFFFFFFFF;
	(pc) =	sbr.abs _section_cstart, $3  }
0xc2: {  	[dreg:$0x1] =	wrdreg $0xFFFFFFFF  }
0xc3: {  	_ =	task.clear_ibuf [dreg:s7], $0x2FFFF;
	_ =	strace $0x9FFFFFFF  }
0xc4: {  	(tm) =	ssettm $0x7FFFFFFF  }
0xc5: {  	_ =	shalt  }
tec
execute0_lowered:
.L_overlay_start_1:
0x0: {  	(tag) =	ssettag $0x1  }
0x1: {  	s1 =	rddreg [dreg:$0x0]  }
0x2: {  	s0 =	rddreg [dreg:$0x1]  }
0x3: {  	s2 =	rddreg [dreg:$0x2]  }
0x4: {  	s16 =	rddreg [dreg:$0x3];
	s4 =	simm.s32 $0x0;
	s3 =	srdreg.scid  }
0x5: {  	s13 =	stileid.u32;
	s28 =	simm.s32 $0x1C700;
	s29 =	simm.s32 $0x1CB00  }
0x6: {  	s30 =	simm.s32 $0x80;
	s31 =	simm.s32 $0x13F00;
	s15 =	simm.s32 $0x1F700  }
0x7: {  	[smem:$0x7FF] =	sst s4;
	s6 =	sadd.s32 $0x4200, s0;
	s3 =	sand.u32 $0x1, s3  }
0x8: {  	s7 =	sadd.s32 $0xE200, s0;
	s8 =	sadd.s32 $0x18200, s0;
	s9 =	smul.u32 $0x4E000, s13  }
0x9: {  	s10 =	sadd.s32 $0x1AA00, s0;
	s0 =	sadd.s32 $0x68C00, s0;
	s21 =	sshll.u32 s13, $0x6  }
0xa: {  	s18 =	sadd.s32 $0x138000, s2;
	s25 =	smul.u32 $0x2700, s13;
	p0 =	seq.s32 s13, $0x0  }
0xb: {  	p2 =	sne.s32 s13, $0xF;
	_ =	strace $0x80000047;
	s5 =	ssub.s32 $0x2, s3  }
0xc: {  	[dreg:$0x5] =	wrdreg s8;
	s20 =	sshll.u32 s3, $0x4;
	s12 =	smul.u32 $0x138800, s3  }
0xd: {  	s3 =	smul.u32 $0x27100, s3;
	p1 =	sne.s32 @!p0 s13, $0xF;
	[dreg:$0x7] =	wrdreg s18  }
0xe: {  	s19 =	sshrl.u32 s5, $0x1;
	s11 =	sshrl.u32 s9, $0x2;
	s8 =	sor.u32 s13, s20  }
0xf: {  	s9 =	smul.u32 $0x270, s13;
	p1 =	por p1, p0;
	s13 =	simm.s32 $0x4  }
0x10: {  	s5 =	ssub.s32 s5, s19;
	s17 =	sadd.s32 s11, s2;
	s8 =	smul.u32 $0x500, s8  }
0x11: {  	s12 =	sshrl.u32 s12, $0x3;
	s11 =	sor.u32 $0x1C05, s21;
	s26 =	sadd.s32 s3, s10  }
0x12: {  	s12 =	sadd.s32 $0x27000, s12;
	s5 =	smax.u32 s5, $0x1;
	[dreg:$0x6] =	wrdreg s17  }
0x13: {  	v0 =	vlaneseq.u32;
	v1 =	vimm.f32 $1.000000000e+00;
	s20 =	sadd.s32 s25, s26;
	s14 =	sadd.s32 s6, s8;
	[dreg:$0xc] =	wrdreg s5  }
0x14: {  	vm0 =	vmmov $0xffff;
	v2 =	vor.u32 $0x10, v0;
	v3 =	vmul.u32 $0x80, v0;
	s26 =	simm.s32 $0x3;
	s22 =	sadd.s32 s7, s8;
	[dreg:$0x8] =	wrdreg s14  }
0x15: {  	v4 =	vor.u32 $0x20, v0;
	v5 =	vor.u32 $0x30, v0;
	v6 =	vor.u32 $0x40, v0;
	s23 =	sadd.s32 s10, s12;
	s12 =	sadd.s32 s0, s12;
	[dreg:$0x9] =	wrdreg s22  }
0x16: {  	v7 =	vor.u32 $0x1, v3;
	v8 =	vor.u32 $0x2, v3;
	v9 =	vor.u32 $0x3, v3;
	s24 =	sor.u32 $0x80, s8;
	s19 =	sadd.s32 $0x100, s8;
	[dreg:$0xa] =	wrdreg s23  }
0x17: {  	v10 =	vor.u32 $0x4, v3;
	v11 =	vor.u32 $0x5, v3;
	v12 =	vor.u32 $0x6, v3;
	s0 =	sadd.s32 s3, s0;
	s5 =	simm.s32 $0x17F00;
	[dreg:$0xb] =	wrdreg s12  }
0x18: {  	v13 =	vor.u32 $0x7, v3;
	v14 =	vor.u32 $0x8, v3;
	v15 =	vor.u32 $0x9, v3;
	s10 =	simm.s32 $0x0;
	[dreg:$0xd] =	wrdreg s24;
	s0 =	sadd.s32 s25, s0  }
0x19: {  	v16 =	vor.u32 $0xA, v3;
	v17 =	vor.u32 $0xB, v3;
	v18 =	vor.u32 $0xC, v3;
	s22 =	simm.s32 $0x5;
	s23 =	simm.s32 $0x1CF00;
	s25 =	simm.s32 $0x1C300  }
0x1a: {  	v19 =	vor.u32 $0xD, v3;
	v20 =	vor.u32 $0xE, v3;
	v21 =	vor.u32 $0xF, v3;
	s14 =	simm.s32 $0x2;
	[dreg:$0xe] =	wrdreg s0;
	s0 =	simm.s32 $0x1  }
.LBB2_1:
0x1b: {  	[dreg:$0xf] =	wrdreg s10  }
0x1c: {  	s3 =	sshrl.u32 s17, $0x3;
	s8 =	rddreg [dreg:$0x5]  }
0x1d: {  	[dreg:$0x10] =	wrdreg s3  }
0x1e: {  	[spmem:s3], [sflag:s11] =	dma.local [hbm:s8], $0x2700  }
0x1f: {  	_ =	swait.ge [sflag:s22], $0x2700  }
0x20: {  	[sflag:s22] =	ssyncset.done $0x0  }
0x21: {  	s3 =	sshrl.u32 @p0 s16, $0x3;
	[sflag:s22] =	ssyncadd.s32 $0xFFFFD900  }
0x22: {  	[spmem:s3], [sflag:s11] =	dma.local @p0 [hbm:s8], $0x500  }
0x23: {  	s3 =	simm.s32 @p0 $0x5  }
0x24: {  	_ =	swait.ge @p0 [sflag:s3], $0x500  }
0x25: {  	[sflag:s3] =	ssyncset.done @p0 $0x0  }
0x26: {  	[sflag:s3] =	ssyncadd.s32 @p0 $0xFFFFFB00;
	s3 =	sshrl.u32 @!p1 s18, $0x3  }
0x27: {  	[spmem:s3], [sflag:s11] =	dma.local @!p1 [hbm:s8], $0x100  }
0x28: {  	s3 =	simm.s32 @!p1 $0x5  }
0x29: {  	_ =	swait.ge @!p1 [sflag:s3], $0x100  }
0x2a: {  	[sflag:s3] =	ssyncset.done @!p1 $0x0  }
0x2b: {  	[sflag:s3] =	ssyncadd.s32 @!p1 $0xFFFFFF00  }
0x2c: {  	[tilespmem:s23], [sflag:$0x5] =	stream.linear.gather [hbm4b:s8+s4], $0x2800, $0x38;
	[tilespmem:$0x1FF00] =	vst v63  }
0x2d: {  	_ =	swait.ge [sflag:s22], $0x2800  }
0x2e: {  	[sflag:s22] =	ssyncset.done $0x0  }
0x2f: {  	[sflag:s22] =	ssyncadd.s32 $0xFFFFD800  }
0x30: {  	[bflag:$0x0] =	sbarrier.arrive $0xFFFF  }
0x31: {  	s21 =	simm.s32 $0x1BF00;
	s18 =	rddreg [dreg:$0x8]  }
0x32: {  	[tilespmem:s21], [sflag:$0x3] =	stream.linear.gather [hbm4b:s18+s4], $0x400, $0x38;
	[tilespmem:$0x1FF00] =	vst v63  }
0x33: {  	s24 =	rddreg [dreg:$0x9]  }
0x34: {  	[tilespmem:s25], [sflag:$0x3] =	stream.linear.gather [hbm4b:s24+s4], $0x400, $0x38;
	[tilespmem:$0x1FF00] =	vst v63  }
0x35: {  	_ =	swait.ge [sflag:s26], $0x400  }
0x36: {  	[sflag:s26] =	ssyncset.done $0x0  }
0x37: {  	[sflag:s26] =	ssyncadd.s32 $0xFFFFFC00  }
0x38: {  	_ =	swait.ge [sflag:s26], $0x400  }
0x39: {  	[sflag:s26] =	ssyncset.done $0x0  }
0x3a: {  	s10 =	simm.s32 $0x0;
	[sflag:s26] =	ssyncadd.s32 $0xFFFFFC00  }
.LBB2_2:
0x3b: {  	s12 =	sshll.u32 s10, $0x8;
	s3 =	rddreg [dreg:$0xd]  }
0x3c: {  	s3 =	sadd.s32 s3, s12  }
0x3d: {  	s21 =	simm.s32 $0x0;
	s8 =	sadd.s32 s6, s3  }
0x3e: {  	[tilespmem:s28], [sflag:$0x3] =	stream.linear.gather [hbm4b:s8+s21], $0x400, $0x38;
	[tilespmem:$0x1FF00] =	vst v63  }
0x3f: {  	s3 =	sadd.s32 s7, s3  }
0x40: {  	[tilespmem:s29], [sflag:$0x3] =	stream.linear.gather [hbm4b:s3+s21], $0x400, $0x38;
	[tilespmem:$0x1FF00] =	vst v63  }
0x41: {  	s24 =	simm.s32 $0x1BF00;
	s3 =	simm.s32 $0x1  }
0x42: {  	[tilespmem:s31], [sflag:$0x1] =	stream.indirect.gather [hbm4b:s1+s30], $0x80, s24, s30, $0xb8;
	[tilespmem:$0x1FF00] =	vst v63  }
.LBB2_3:
0x43: {  	s8 =	sshll.u32 s3, $0x7  }
0x44: {  	_ =	swait.ge [sflag:s0], $0x4000;
	s17 =	sadd.s32 $0xFFFFFF80, s8  }
0x45: {  	s16 =	sshra.s32 s21, $0x2;
	[sflag:s0] =	ssyncset.done $0x0;
	v22 =	vor.u32 s17, v0  }
0x46: {  	s24 =	sadd.s32 $0x1BF80, s16;
	[sflag:s0] =	ssyncadd.s32 $0xFFFFC000  }
0x47: {  	[tilespmem:s5], [sflag:$0x2] =	stream.indirect.gather [hbm4b:s1+s30], $0x80, s24, s30, $0xb8;
	[tilespmem:$0x1FF00] =	vst v63  }
0x48: {  	s18 =	sadd.s32 $0x1C300, s16  }
0x49: {  	[spmem:s2] =	stream.indirect.scatter.add.f32 [tilespmem:s31], [sflag:$0x4], $0x80, s18, s30, $0xb8;
	[tilespmem:$0x1FF00] =	vst v63  }
0x4a: {  	v23 =	vmov s17;
	v22 =	vld.idx.msk [tilespmem:v22+s25+$0x0], $0xffff  }
0x4b: {  	v24 =	vor.u32 $0x10, v23  }
0x4c: {  	v24 =	vbroadcast v24, $0x0;
	_ =	sdelay $0x1  }
0x4d: {  	v24 =	vor.u32 v0, v24;
	_ =	sdelay $0x3  }
0x4e: {  	[tilespmem:v22+s23+$0x0] =	vst.idx.add.f32.msk $0xffff, v1  }
0x4f: {  	v22 =	vld.idx.msk [tilespmem:v24+s25+$0x0], $0xffff  }
0x50: {  	v53 =	vor.u32 $0x20, v23  }
0x51: {  	v24 =	vbroadcast v53, $0x0;
	_ =	sdelay $0x1  }
0x52: {  	v24 =	vor.u32 v0, v24;
	_ =	sdelay $0x3  }
0x53: {  	[tilespmem:v22+s23+$0x0] =	vst.idx.add.f32.msk $0xffff, v1  }
0x54: {  	v22 =	vld.idx.msk [tilespmem:v24+s25+$0x0], $0xffff  }
0x55: {  	v54 =	vor.u32 $0x30, v23  }
0x56: {  	v24 =	vbroadcast v54, $0x0;
	_ =	sdelay $0x1  }
0x57: {  	v24 =	vor.u32 v0, v24;
	_ =	sdelay $0x3  }
0x58: {  	[tilespmem:v22+s23+$0x0] =	vst.idx.add.f32.msk $0xffff, v1  }
0x59: {  	v22 =	vld.idx.msk [tilespmem:v24+s25+$0x0], $0xffff  }
0x5a: {  	v55 =	vor.u32 $0x40, v23  }
0x5b: {  	v24 =	vbroadcast v55, $0x0;
	_ =	sdelay $0x1  }
0x5c: {  	v24 =	vor.u32 v0, v24;
	_ =	sdelay $0x3  }
0x5d: {  	[tilespmem:v22+s23+$0x0] =	vst.idx.add.f32.msk $0xffff, v1  }
0x5e: {  	v22 =	vld.idx.msk [tilespmem:v24+s25+$0x0], $0xffff  }
0x5f: {  	v56 =	vor.u32 $0x50, v23  }
0x60: {  	v24 =	vbroadcast v56, $0x0;
	_ =	sdelay $0x1  }
0x61: {  	v24 =	vor.u32 v0, v24;
	_ =	sdelay $0x3  }
0x62: {  	[tilespmem:v22+s23+$0x0] =	vst.idx.add.f32.msk $0xffff, v1  }
0x63: {  	v22 =	vld.idx.msk [tilespmem:v24+s25+$0x0], $0xffff  }
0x64: {  	v57 =	vor.u32 $0x60, v23  }
0x65: {  	v24 =	vbroadcast v57, $0x0;
	_ =	sdelay $0x1  }
0x66: {  	v24 =	vor.u32 v0, v24;
	_ =	sdelay $0x3  }
0x67: {  	[tilespmem:v22+s23+$0x0] =	vst.idx.add.f32.msk $0xffff, v1  }
0x68: {  	v22 =	vld.idx.msk [tilespmem:v24+s25+$0x0], $0xffff  }
0x69: {  	v23 =	vor.u32 $0x70, v23  }
0x6a: {  	v23 =	vbroadcast v23, $0x0;
	_ =	sdelay $0x1  }
0x6b: {  	v23 =	vor.u32 v0, v23;
	_ =	sdelay $0x3  }
0x6c: {  	[tilespmem:v22+s23+$0x0] =	vst.idx.add.f32.msk $0xffff, v1  }
0x6d: {  	v22 =	vld.idx.msk [tilespmem:v23+s25+$0x0], $0xffff;
	_ =	sdelay $0x7  }
0x6e: {  	[tilespmem:v22+s23+$0x0] =	vst.idx.add.f32.msk $0xffff, v1  }
0x6f: {  	_ =	swait.ge [sflag:s13], $0x4000  }
0x70: {  	[sflag:s13] =	ssyncset.done $0x0  }
0x71: {  	p3 =	seq.s32 s21, $0xC00;
	[sflag:s13] =	ssyncadd.s32 $0xFFFFC000  }
0x72: {  	s17 =	sshra.s32 @!p3 s21, $0x2;
	_ =	swait.ge [sflag:s14], $0x4000  }
0x73: {  	s17 =	sadd.s32 @!p3 $0x1C000, s17;
	v22 =	vor.u32 s8, v0;
	[sflag:s14] =	ssyncset.done $0x0  }
0x74: {  	s24 =	simm.s32 @!p3 $0x80;
	s18 =	simm.s32 @!p3 $0x13F00;
	[sflag:s14] =	ssyncadd.s32 $0xFFFFC000  }
0x75: {  	[tilespmem:s18], [sflag:$0x1] =	stream.indirect.gather @!p3 [hbm4b:s1+s24], $0x80, s17, s24, $0xb8;
	[tilespmem:$0x1FF00] =	vst v63  }
0x76: {  	s16 =	sadd.s32 $0x1C380, s16  }
0x77: {  	[spmem:s2] =	stream.indirect.scatter.add.f32 [tilespmem:s5], [sflag:$0x4], $0x80, s16, s30, $0xb8;
	[tilespmem:$0x1FF00] =	vst v63  }
0x78: {  	v23 =	vmov s8;
	v22 =	vld.idx.msk [tilespmem:v22+s25+$0x0], $0xffff  }
0x79: {  	v58 =	vor.u32 $0x10, v23  }
0x7a: {  	v24 =	vbroadcast v58, $0x0;
	_ =	sdelay $0x1  }
0x7b: {  	v24 =	vor.u32 v0, v24;
	_ =	sdelay $0x3  }
0x7c: {  	[tilespmem:v22+s23+$0x0] =	vst.idx.add.f32.msk $0xffff, v1  }
0x7d: {  	v22 =	vld.idx.msk [tilespmem:v24+s25+$0x0], $0xffff  }
0x7e: {  	v59 =	vor.u32 $0x20, v23  }
0x7f: {  	v24 =	vbroadcast v59, $0x0;
	_ =	sdelay $0x1  }
0x80: {  	v24 =	vor.u32 v0, v24;
	_ =	sdelay $0x3  }
0x81: {  	[tilespmem:v22+s23+$0x0] =	vst.idx.add.f32.msk $0xffff, v1  }
0x82: {  	v22 =	vld.idx.msk [tilespmem:v24+s25+$0x0], $0xffff  }
0x83: {  	v60 =	vor.u32 $0x30, v23  }
0x84: {  	v24 =	vbroadcast v60, $0x0;
	_ =	sdelay $0x1  }
0x85: {  	v24 =	vor.u32 v0, v24;
	_ =	sdelay $0x3  }
0x86: {  	[tilespmem:v22+s23+$0x0] =	vst.idx.add.f32.msk $0xffff, v1  }
0x87: {  	v22 =	vld.idx.msk [tilespmem:v24+s25+$0x0], $0xffff  }
0x88: {  	v61 =	vor.u32 $0x40, v23  }
0x89: {  	v24 =	vbroadcast v61, $0x0;
	_ =	sdelay $0x1  }
0x8a: {  	v24 =	vor.u32 v0, v24;
	_ =	sdelay $0x3  }
0x8b: {  	[tilespmem:v22+s23+$0x0] =	vst.idx.add.f32.msk $0xffff, v1  }
0x8c: {  	v22 =	vld.idx.msk [tilespmem:v24+s25+$0x0], $0xffff  }
0x8d: {  	v62 =	vor.u32 $0x50, v23  }
0x8e: {  	v24 =	vbroadcast v62, $0x0;
	_ =	sdelay $0x1  }
0x8f: {  	v24 =	vor.u32 v0, v24;
	_ =	sdelay $0x3  }
0x90: {  	[tilespmem:v22+s23+$0x0] =	vst.idx.add.f32.msk $0xffff, v1  }
0x91: {  	v22 =	vld.idx.msk [tilespmem:v24+s25+$0x0], $0xffff  }
0x92: {  	v63 =	vor.u32 $0x60, v23  }
0x93: {  	v24 =	vbroadcast v63, $0x0;
	_ =	sdelay $0x1  }
0x94: {  	v24 =	vor.u32 v0, v24;
	_ =	sdelay $0x3  }
0x95: {  	[tilespmem:v22+s23+$0x0] =	vst.idx.add.f32.msk $0xffff, v1  }
0x96: {  	v22 =	vld.idx.msk [tilespmem:v24+s25+$0x0], $0xffff  }
0x97: {  	v23 =	vor.u32 $0x70, v23  }
0x98: {  	v23 =	vbroadcast v23, $0x0;
	_ =	sdelay $0x1  }
0x99: {  	v23 =	vor.u32 v0, v23;
	_ =	sdelay $0x3  }
0x9a: {  	[tilespmem:v22+s23+$0x0] =	vst.idx.add.f32.msk $0xffff, v1  }
0x9b: {  	v22 =	vld.idx.msk [tilespmem:v23+s25+$0x0], $0xffff;
	_ =	sdelay $0x4  }
0x9c: {  	s21 =	sadd.s32 $0x400, s21  }
0x9d: {  	p3 =	sne.s32 s21, $0x1000  }
.Ltmp0:
0x9e: {  	_ = 	snop;
	(pc) =	sbr.rel @p3 .LBB2_3-.Ltmp0, $4  }
0x9f: {  	[tilespmem:v22+s23+$0x0] =	vst.idx.add.f32.msk $0xffff, v1  }
0xa0: {  	_ =	swait.ge [sflag:s13], $0x4000  }
0xa1: {  	[sflag:s13] =	ssyncset.done $0x0  }
0xa2: {  	s3 =	sadd.s32 $0x2, s3;
	[sflag:s13] =	ssyncadd.s32 $0xFFFFC000  }
0xa3: {  	_ =	swait.ge [sflag:s26], $0x400  }
0xa4: {  	[sflag:s26] =	ssyncset.done $0x0  }
0xa5: {  	[sflag:s26] =	ssyncadd.s32 $0xFFFFFC00  }
0xa6: {  	p3 =	seq.s32 s10, $0x4;
	_ =	swait.ge [sflag:s26], $0x400  }
0xa7: {  	s3 =	sadd.s32 @!p3 s19, s12;
	s12 =	simm.s32 @!p3 $0x0;
	[sflag:s26] =	ssyncset.done $0x0  }
0xa8: {  	s16 =	simm.s32 @!p3 $0x1BF00;
	s8 =	sadd.s32 @!p3 s6, s3;
	[sflag:s26] =	ssyncadd.s32 $0xFFFFFC00  }
0xa9: {  	[tilespmem:s16], [sflag:$0x3] =	stream.linear.gather @!p3 [hbm4b:s8+s12], $0x400, $0x38;
	[tilespmem:$0x1FF00] =	vst v63  }
0xaa: {  	s3 =	sadd.s32 @!p3 s7, s3;
	s8 =	simm.s32 @!p3 $0x1C300  }
0xab: {  	[tilespmem:s8], [sflag:$0x3] =	stream.linear.gather @!p3 [hbm4b:s3+s12], $0x400, $0x38;
	[tilespmem:$0x1FF00] =	vst v63  }
0xac: {  	s12 =	simm.s32 $0x0;
	s3 =	simm.s32 $0x1  }
0xad: {  	[tilespmem:s31], [sflag:$0x1] =	stream.indirect.gather [hbm4b:s1+s30], $0x80, s28, s30, $0xb8;
	[tilespmem:$0x1FF00] =	vst v63  }
.LBB2_5:
0xae: {  	s8 =	sshll.u32 s3, $0x7  }
0xaf: {  	_ =	swait.ge [sflag:s0], $0x4000;
	s16 =	sadd.s32 $0xFFFFFF80, s8  }
0xb0: {  	s17 =	sshra.s32 s12, $0x2;
	[sflag:s0] =	ssyncset.done $0x0;
	v22 =	vor.u32 s16, v0  }
0xb1: {  	s18 =	sadd.s32 $0x1C780, s17;
	[sflag:s0] =	ssyncadd.s32 $0xFFFFC000  }
0xb2: {  	[tilespmem:s5], [sflag:$0x2] =	stream.indirect.gather [hbm4b:s1+s30], $0x80, s18, s30, $0xb8;
	[tilespmem:$0x1FF00] =	vst v63  }
0xb3: {  	s21 =	sadd.s32 $0x1CB00, s17  }
0xb4: {  	[spmem:s2] =	stream.indirect.scatter.add.f32 [tilespmem:s31], [sflag:$0x4], $0x80, s21, s30, $0xb8;
	[tilespmem:$0x1FF00] =	vst v63  }
0xb5: {  	v23 =	vmov s16;
	v22 =	vld.idx.msk [tilespmem:v22+s29+$0x0], $0xffff  }
0xb6: {  	v24 =	vor.u32 $0x10, v23  }
0xb7: {  	v24 =	vbroadcast v24, $0x0;
	_ =	sdelay $0x1  }
0xb8: {  	v24 =	vor.u32 v0, v24;
	_ =	sdelay $0x3  }
0xb9: {  	[tilespmem:v22+s23+$0x0] =	vst.idx.add.f32.msk $0xffff, v1  }
0xba: {  	v22 =	vld.idx.msk [tilespmem:v24+s29+$0x0], $0xffff  }
0xbb: {  	v53 =	vor.u32 $0x20, v23  }
0xbc: {  	v24 =	vbroadcast v53, $0x0;
	_ =	sdelay $0x1  }
0xbd: {  	v24 =	vor.u32 v0, v24;
	_ =	sdelay $0x3  }
0xbe: {  	[tilespmem:v22+s23+$0x0] =	vst.idx.add.f32.msk $0xffff, v1  }
0xbf: {  	v22 =	vld.idx.msk [tilespmem:v24+s29+$0x0], $0xffff  }
0xc0: {  	v54 =	vor.u32 $0x30, v23  }
0xc1: {  	v24 =	vbroadcast v54, $0x0;
	_ =	sdelay $0x1  }
0xc2: {  	v24 =	vor.u32 v0, v24;
	_ =	sdelay $0x3  }
0xc3: {  	[tilespmem:v22+s23+$0x0] =	vst.idx.add.f32.msk $0xffff, v1  }
0xc4: {  	v22 =	vld.idx.msk [tilespmem:v24+s29+$0x0], $0xffff  }
0xc5: {  	v55 =	vor.u32 $0x40, v23  }
0xc6: {  	v24 =	vbroadcast v55, $0x0;
	_ =	sdelay $0x1  }
0xc7: {  	v24 =	vor.u32 v0, v24;
	_ =	sdelay $0x3  }
0xc8: {  	[tilespmem:v22+s23+$0x0] =	vst.idx.add.f32.msk $0xffff, v1  }
0xc9: {  	v22 =	vld.idx.msk [tilespmem:v24+s29+$0x0], $0xffff  }
0xca: {  	v56 =	vor.u32 $0x50, v23  }
0xcb: {  	v24 =	vbroadcast v56, $0x0;
	_ =	sdelay $0x1  }
0xcc: {  	v24 =	vor.u32 v0, v24;
	_ =	sdelay $0x3  }
0xcd: {  	[tilespmem:v22+s23+$0x0] =	vst.idx.add.f32.msk $0xffff, v1  }
0xce: {  	v22 =	vld.idx.msk [tilespmem:v24+s29+$0x0], $0xffff  }
0xcf: {  	v57 =	vor.u32 $0x60, v23  }
0xd0: {  	v24 =	vbroadcast v57, $0x0;
	_ =	sdelay $0x1  }
0xd1: {  	v24 =	vor.u32 v0, v24;
	_ =	sdelay $0x3  }
0xd2: {  	[tilespmem:v22+s23+$0x0] =	vst.idx.add.f32.msk $0xffff, v1  }
0xd3: {  	v22 =	vld.idx.msk [tilespmem:v24+s29+$0x0], $0xffff  }
0xd4: {  	v23 =	vor.u32 $0x70, v23  }
0xd5: {  	v23 =	vbroadcast v23, $0x0;
	_ =	sdelay $0x1  }
0xd6: {  	v23 =	vor.u32 v0, v23;
	_ =	sdelay $0x3  }
0xd7: {  	[tilespmem:v22+s23+$0x0] =	vst.idx.add.f32.msk $0xffff, v1  }
0xd8: {  	v22 =	vld.idx.msk [tilespmem:v23+s29+$0x0], $0xffff;
	_ =	sdelay $0x7  }
0xd9: {  	[tilespmem:v22+s23+$0x0] =	vst.idx.add.f32.msk $0xffff, v1  }
0xda: {  	_ =	swait.ge [sflag:s13], $0x4000  }
0xdb: {  	[sflag:s13] =	ssyncset.done $0x0  }
0xdc: {  	p4 =	seq.s32 s12, $0xC00;
	[sflag:s13] =	ssyncadd.s32 $0xFFFFC000  }
0xdd: {  	s16 =	sshra.s32 @!p4 s12, $0x2;
	_ =	swait.ge [sflag:s14], $0x4000  }
0xde: {  	s16 =	sadd.s32 @!p4 $0x1C800, s16;
	v22 =	vor.u32 s8, v0;
	[sflag:s14] =	ssyncset.done $0x0  }
0xdf: {  	s18 =	simm.s32 @!p4 $0x80;
	s21 =	simm.s32 @!p4 $0x13F00;
	[sflag:s14] =	ssyncadd.s32 $0xFFFFC000  }
0xe0: {  	[tilespmem:s21], [sflag:$0x1] =	stream.indirect.gather @!p4 [hbm4b:s1+s18], $0x80, s16, s18, $0xb8;
	[tilespmem:$0x1FF00] =	vst v63  }
0xe1: {  	s24 =	sadd.s32 $0x1CB80, s17  }
0xe2: {  	[spmem:s2] =	stream.indirect.scatter.add.f32 [tilespmem:s5], [sflag:$0x4], $0x80, s24, s30, $0xb8;
	[tilespmem:$0x1FF00] =	vst v63  }
0xe3: {  	v23 =	vmov s8;
	v22 =	vld.idx.msk [tilespmem:v22+s29+$0x0], $0xffff  }
0xe4: {  	v58 =	vor.u32 $0x10, v23  }
0xe5: {  	v24 =	vbroadcast v58, $0x0;
	_ =	sdelay $0x1  }
0xe6: {  	v24 =	vor.u32 v0, v24;
	_ =	sdelay $0x3  }
0xe7: {  	[tilespmem:v22+s23+$0x0] =	vst.idx.add.f32.msk $0xffff, v1  }
0xe8: {  	v22 =	vld.idx.msk [tilespmem:v24+s29+$0x0], $0xffff  }
0xe9: {  	v59 =	vor.u32 $0x20, v23  }
0xea: {  	v24 =	vbroadcast v59, $0x0;
	_ =	sdelay $0x1  }
0xeb: {  	v24 =	vor.u32 v0, v24;
	_ =	sdelay $0x3  }
0xec: {  	[tilespmem:v22+s23+$0x0] =	vst.idx.add.f32.msk $0xffff, v1  }
0xed: {  	v22 =	vld.idx.msk [tilespmem:v24+s29+$0x0], $0xffff  }
0xee: {  	v60 =	vor.u32 $0x30, v23  }
0xef: {  	v24 =	vbroadcast v60, $0x0;
	_ =	sdelay $0x1  }
0xf0: {  	v24 =	vor.u32 v0, v24;
	_ =	sdelay $0x3  }
0xf1: {  	[tilespmem:v22+s23+$0x0] =	vst.idx.add.f32.msk $0xffff, v1  }
0xf2: {  	v22 =	vld.idx.msk [tilespmem:v24+s29+$0x0], $0xffff  }
0xf3: {  	v61 =	vor.u32 $0x40, v23  }
0xf4: {  	v24 =	vbroadcast v61, $0x0;
	_ =	sdelay $0x1  }
0xf5: {  	v24 =	vor.u32 v0, v24;
	_ =	sdelay $0x3  }
0xf6: {  	[tilespmem:v22+s23+$0x0] =	vst.idx.add.f32.msk $0xffff, v1  }
0xf7: {  	v22 =	vld.idx.msk [tilespmem:v24+s29+$0x0], $0xffff  }
0xf8: {  	v62 =	vor.u32 $0x50, v23  }
0xf9: {  	v24 =	vbroadcast v62, $0x0;
	_ =	sdelay $0x1  }
0xfa: {  	v24 =	vor.u32 v0, v24;
	_ =	sdelay $0x3  }
0xfb: {  	[tilespmem:v22+s23+$0x0] =	vst.idx.add.f32.msk $0xffff, v1  }
0xfc: {  	v22 =	vld.idx.msk [tilespmem:v24+s29+$0x0], $0xffff  }
0xfd: {  	v63 =	vor.u32 $0x60, v23  }
0xfe: {  	v24 =	vbroadcast v63, $0x0;
	_ =	sdelay $0x1  }
0xff: {  	v24 =	vor.u32 v0, v24;
	_ =	sdelay $0x3  }
0x100: {  	[tilespmem:v22+s23+$0x0] =	vst.idx.add.f32.msk $0xffff, v1  }
0x101: {  	v22 =	vld.idx.msk [tilespmem:v24+s29+$0x0], $0xffff  }
0x102: {  	v23 =	vor.u32 $0x70, v23  }
0x103: {  	v23 =	vbroadcast v23, $0x0;
	_ =	sdelay $0x1  }
0x104: {  	v23 =	vor.u32 v0, v23;
	_ =	sdelay $0x3  }
0x105: {  	[tilespmem:v22+s23+$0x0] =	vst.idx.add.f32.msk $0xffff, v1  }
0x106: {  	v22 =	vld.idx.msk [tilespmem:v23+s29+$0x0], $0xffff;
	_ =	sdelay $0x4  }
0x107: {  	s12 =	sadd.s32 $0x400, s12  }
0x108: {  	p4 =	sne.s32 s12, $0x1000  }
.Ltmp1:
0x109: {  	_ = 	snop;
	(pc) =	sbr.rel @p4 .LBB2_5-.Ltmp1, $4  }
0x10a: {  	[tilespmem:v22+s23+$0x0] =	vst.idx.add.f32.msk $0xffff, v1  }
0x10b: {  	_ =	swait.ge [sflag:s13], $0x4000  }
0x10c: {  	[sflag:s13] =	ssyncset.done $0x0  }
0x10d: {  	s3 =	sadd.s32 $0x2, s3;
	[sflag:s13] =	ssyncadd.s32 $0xFFFFC000  }
.Ltmp2:
0x10e: {  	(pc) =	sbr.rel @p3 .LBB2_8-.Ltmp2, $1  }
0x10f: {  	_ =	sdelay $0x3  }
0x110: {  	_ =	swait.ge [sflag:s26], $0x400  }
.Ltmp3:
0x111: {  	[sflag:s26] =	ssyncset.done $0x0;
	(pc) =	sbr.rel .LBB2_2-.Ltmp3, $4  }
0x112: {  	[sflag:s26] =	ssyncadd.s32 $0xFFFFFC00  }
0x113: {  	_ =	swait.ge [sflag:s26], $0x400  }
0x114: {  	[sflag:s26] =	ssyncset.done $0x0  }
0x115: {  	s10 =	sadd.s32 $0x1, s10;
	[sflag:s26] =	ssyncadd.s32 $0xFFFFFC00  }
.LBB2_8:
0x116: {  	_ =	sdelay $0x1  }
0x117: {  	[bflag:$0x0] =	sbarrier.arrive $0xFFFF  }
0x118: {  	s16 =	rddreg [dreg:$0x3]  }
0x119: {  	[spmem:s16] =	stream.indirect_vreg.scatter.add.f32 [tilespmem:s23], [sflag:$0x5], $0x80, v0, vm0, $0xb8;
	[tilespmem:$0x1FF00] =	vst v63  }
0x11a: {  	_ =	swait.ge [sflag:s22], $0x800  }
0x11b: {  	[sflag:s22] =	ssyncset.done $0x0  }
0x11c: {  	s3 =	simm.s32 $0x1D700;
	[sflag:s22] =	ssyncadd.s32 $0xFFFFF800  }
0x11d: {  	[spmem:s16] =	stream.indirect_vreg.scatter.add.f32 [tilespmem:s3], [sflag:$0x5], $0x80, v2, vm0, $0xb8;
	[tilespmem:$0x1FF00] =	vst v63  }
0x11e: {  	_ =	swait.ge [sflag:s22], $0x800  }
0x11f: {  	[sflag:s22] =	ssyncset.done $0x0  }
0x120: {  	s17 =	simm.s32 $0x1DF00;
	[sflag:s22] =	ssyncadd.s32 $0xFFFFF800  }
0x121: {  	[spmem:s16] =	stream.indirect_vreg.scatter.add.f32 [tilespmem:s17], [sflag:$0x5], $0x80, v4, vm0, $0xb8;
	[tilespmem:$0x1FF00] =	vst v63  }
0x122: {  	_ =	swait.ge [sflag:s22], $0x800  }
0x123: {  	[sflag:s22] =	ssyncset.done $0x0  }
0x124: {  	s18 =	simm.s32 $0x1E700;
	[sflag:s22] =	ssyncadd.s32 $0xFFFFF800  }
0x125: {  	[spmem:s16] =	stream.indirect_vreg.scatter.add.f32 [tilespmem:s18], [sflag:$0x5], $0x80, v5, vm0, $0xb8;
	[tilespmem:$0x1FF00] =	vst v63  }
0x126: {  	_ =	swait.ge [sflag:s22], $0x800  }
0x127: {  	[sflag:s22] =	ssyncset.done $0x0  }
0x128: {  	s21 =	simm.s32 $0x1EF00;
	[sflag:s22] =	ssyncadd.s32 $0xFFFFF800  }
0x129: {  	[spmem:s16] =	stream.indirect_vreg.scatter.add.f32 [tilespmem:s21], [sflag:$0x5], $0x80, v6, vm0, $0xb8;
	[tilespmem:$0x1FF00] =	vst v63  }
0x12a: {  	_ =	swait.ge [sflag:s22], $0x800  }
0x12b: {  	[sflag:s22] =	ssyncset.done $0x0  }
0x12c: {  	[sflag:s22] =	ssyncadd.s32 $0xFFFFF800  }
0x12d: {  	[bflag:$0x0] =	sbarrier.arrive $0xFFFF  }
0x12e: {  	[tilespmem:s5], [sflag:$0x5] =	stream.linear.gather [spmem:s16], $0x2800, $0x38;
	[tilespmem:$0x1FF00] =	vst v63  }
0x12f: {  	_ =	swait.ge [sflag:s22], $0x2800  }
0x130: {  	[sflag:s22] =	ssyncset.done $0x0  }
0x131: {  	s24 =	sadd.s32 $0x0, s20;
	s8 =	rddreg [dreg:$0x10];
	[sflag:s22] =	ssyncadd.s32 $0xFFFFD800  }
0x132: {  	[hbm:s24], [sflag:s11] =	dma.local [spmem:s8], $0x300  }
0x133: {  	_ =	swait.ge [sflag:s22], $0x300  }
0x134: {  	s17 =	rddreg [dreg:$0x6]  }
0x135: {  	s3 =	simm.s32 $0x300;
	[sflag:s22] =	ssyncset.done $0x0;
	s8 =	sadd.s32 $0x1800, s17  }
.LBB2_9:
0x136: {  	s10 =	sadd.s32 s3, s20  }
0x137: {  	s12 =	sshrl.u32 s8, $0x3;
	[sflag:s22] =	ssyncadd.s32 $0xFFFFFD00;
	p3 =	sne.s32 s3, $0x2400  }
0x138: {  	[hbm:s10], [sflag:s11] =	dma.local [spmem:s12], $0x300  }
.Ltmp4:
0x139: {  	_ = 	snop;
	(pc) =	sbr.rel @p3 .LBB2_9-.Ltmp4, $4  }
0x13a: {  	_ = 	snop  }
0x13b: {  	s3 =	sadd.s32 $0x300, s3  }
0x13c: {  	_ =	swait.ge [sflag:s22], $0x300  }
0x13d: {  	s8 =	sadd.s32 $0x1800, s8;
	[sflag:s22] =	ssyncset.done $0x0  }
0x13e: {  	s3 =	sadd.s32 $0x0, s9  }
0x13f: {  	v22 =	vor.u32 s3, v0;
	_ =	sdelay $0x3  }
0x140: {  	[sflag:s22] =	ssyncadd.s32 $0xFFFFFD00  }
0x141: {  	v22 =	vld.idx.msk [tilespmem:v22+s5+$0x0], $0xffff;
	_ =	sdelay $0x4  }
0x142: {  	[tilespmem:v3+s15+$0x0] =	vst.idx.msk $0xffff, v22  }
0x143: {  	[tilespmem:v7+s15+$0x0] =	vst.idx.msk $0xffff, v22  }
0x144: {  	[tilespmem:v8+s15+$0x0] =	vst.idx.msk $0xffff, v22  }
0x145: {  	[tilespmem:v9+s15+$0x0] =	vst.idx.msk $0xffff, v22  }
0x146: {  	[tilespmem:v10+s15+$0x0] =	vst.idx.msk $0xffff, v22  }
0x147: {  	[tilespmem:v11+s15+$0x0] =	vst.idx.msk $0xffff, v22  }
0x148: {  	[tilespmem:v12+s15+$0x0] =	vst.idx.msk $0xffff, v22  }
0x149: {  	[tilespmem:v13+s15+$0x0] =	vst.idx.msk $0xffff, v22  }
0x14a: {  	[tilespmem:v14+s15+$0x0] =	vst.idx.msk $0xffff, v22  }
0x14b: {  	[tilespmem:v15+s15+$0x0] =	vst.idx.msk $0xffff, v22  }
0x14c: {  	[tilespmem:v16+s15+$0x0] =	vst.idx.msk $0xffff, v22  }
0x14d: {  	[tilespmem:v17+s15+$0x0] =	vst.idx.msk $0xffff, v22  }
0x14e: {  	[tilespmem:v18+s15+$0x0] =	vst.idx.msk $0xffff, v22  }
0x14f: {  	[tilespmem:v19+s15+$0x0] =	vst.idx.msk $0xffff, v22  }
0x150: {  	[tilespmem:v20+s15+$0x0] =	vst.idx.msk $0xffff, v22  }
0x151: {  	s10 =	rddreg [dreg:$0xe];
	s24 =	sadd.s32 $0x10, s9;
	[tilespmem:v21+s15+$0x0] =	vst.idx.msk $0xffff, v22  }
0x152: {  	v22 =	vor.u32 s24, v0;
	[hbm4b:s10+s4] =	stream.linear.scatter [tilespmem:s15], [sflag:$0x5], $0x800, $0x38;
	[tilespmem:$0x1FF00] =	vst v63  }
0x153: {  	s8 =	simm.s32 $0x20;
	_ =	swait.ge [sflag:s22], $0x800  }
0x154: {  	s3 =	smov.u32 s10;
	[sflag:s22] =	ssyncset.done $0x0;
	s18 =	rddreg [dreg:$0x7]  }
.LBB2_11:
0x155: {  	[sflag:s22] =	ssyncadd.s32 $0xFFFFF800  }
0x156: {  	s3 =	sadd.s32 $0x100, s3;
	s10 =	smov.u32 s8;
	s12 =	sadd.s32 $0x10, s8  }
0x157: {  	p3 =	sne.s32 s8, $0x260;
	v23 =	vld.idx.msk [tilespmem:v22+s5+$0x0], $0xffff;
	_ =	sdelay $0x5  }
0x158: {  	[tilespmem:v3+s15+$0x0] =	vst.idx.msk $0xffff, v23  }
0x159: {  	[tilespmem:v7+s15+$0x0] =	vst.idx.msk $0xffff, v23  }
0x15a: {  	[tilespmem:v8+s15+$0x0] =	vst.idx.msk $0xffff, v23  }
0x15b: {  	[tilespmem:v9+s15+$0x0] =	vst.idx.msk $0xffff, v23  }
0x15c: {  	[tilespmem:v10+s15+$0x0] =	vst.idx.msk $0xffff, v23  }
0x15d: {  	[tilespmem:v11+s15+$0x0] =	vst.idx.msk $0xffff, v23  }
0x15e: {  	[tilespmem:v12+s15+$0x0] =	vst.idx.msk $0xffff, v23  }
0x15f: {  	[tilespmem:v13+s15+$0x0] =	vst.idx.msk $0xffff, v23  }
0x160: {  	[tilespmem:v14+s15+$0x0] =	vst.idx.msk $0xffff, v23  }
0x161: {  	[tilespmem:v15+s15+$0x0] =	vst.idx.msk $0xffff, v23  }
0x162: {  	[tilespmem:v16+s15+$0x0] =	vst.idx.msk $0xffff, v23  }
0x163: {  	[tilespmem:v17+s15+$0x0] =	vst.idx.msk $0xffff, v23  }
0x164: {  	[tilespmem:v18+s15+$0x0] =	vst.idx.msk $0xffff, v23  }
0x165: {  	[tilespmem:v19+s15+$0x0] =	vst.idx.msk $0xffff, v23  }
.Ltmp5:
0x166: {  	s8 =	sadd.s32 s10, s9;
	[tilespmem:v20+s15+$0x0] =	vst.idx.msk $0xffff, v23;
	(pc) =	sbr.rel @p3 .LBB2_11-.Ltmp5, $4  }
0x167: {  	v22 =	vor.u32 s8, v0;
	[tilespmem:v21+s15+$0x0] =	vst.idx.msk $0xffff, v23  }
0x168: {  	[hbm4b:s3+s4] =	stream.linear.scatter [tilespmem:s15], [sflag:$0x5], $0x800, $0x38;
	[tilespmem:$0x1FF00] =	vst v63  }
0x169: {  	_ =	swait.ge [sflag:s22], $0x800  }
0x16a: {  	s8 =	smov.u32 s12;
	[sflag:s22] =	ssyncset.done $0x0  }
0x16b: {  	_ =	sdelay $0x2  }
0x16c: {  	[sflag:s22] =	ssyncadd.s32 $0xFFFFF800  }
0x16d: {  	v22 =	vld.idx.msk [tilespmem:v22+s5+$0x0], $0xffff;
	_ =	sdelay $0x4  }
0x16e: {  	[tilespmem:v3+s15+$0x0] =	vst.idx.msk $0xffff, v22  }
0x16f: {  	[tilespmem:v7+s15+$0x0] =	vst.idx.msk $0xffff, v22  }
0x170: {  	[tilespmem:v8+s15+$0x0] =	vst.idx.msk $0xffff, v22  }
0x171: {  	[tilespmem:v9+s15+$0x0] =	vst.idx.msk $0xffff, v22  }
0x172: {  	[tilespmem:v10+s15+$0x0] =	vst.idx.msk $0xffff, v22  }
0x173: {  	[tilespmem:v11+s15+$0x0] =	vst.idx.msk $0xffff, v22  }
0x174: {  	[tilespmem:v12+s15+$0x0] =	vst.idx.msk $0xffff, v22  }
0x175: {  	[tilespmem:v13+s15+$0x0] =	vst.idx.msk $0xffff, v22  }
0x176: {  	[tilespmem:v14+s15+$0x0] =	vst.idx.msk $0xffff, v22  }
0x177: {  	[tilespmem:v15+s15+$0x0] =	vst.idx.msk $0xffff, v22  }
0x178: {  	[tilespmem:v16+s15+$0x0] =	vst.idx.msk $0xffff, v22  }
0x179: {  	[tilespmem:v17+s15+$0x0] =	vst.idx.msk $0xffff, v22  }
0x17a: {  	[tilespmem:v18+s15+$0x0] =	vst.idx.msk $0xffff, v22  }
0x17b: {  	[tilespmem:v19+s15+$0x0] =	vst.idx.msk $0xffff, v22  }
0x17c: {  	[tilespmem:v20+s15+$0x0] =	vst.idx.msk $0xffff, v22  }
0x17d: {  	s3 =	sadd.s32 $0x100, s3;
	[tilespmem:v21+s15+$0x0] =	vst.idx.msk $0xffff, v22  }
0x17e: {  	[hbm4b:s3+s4] =	stream.linear.scatter [tilespmem:s15], [sflag:$0x5], $0x800, $0x38;
	[tilespmem:$0x1FF00] =	vst v63  }
0x17f: {  	_ =	swait.ge [sflag:s22], $0x800  }
0x180: {  	[sflag:s22] =	ssyncset.done $0x0  }
0x181: {  	v22 =	vlaneseq.u32 @!p2;
	s3 =	sshrl.u32 @!p2 s18, $0x3;
	s8 =	rddreg [dreg:$0xa];
	[sflag:s22] =	ssyncadd.s32 $0xFFFFF800  }
0x182: {  	v23 =	vor.u32 @!p2 $0x2700, v22;
	[hbm:s8], [sflag:s11] =	dma.local @!p2 [spmem:s3], $0x100  }
0x183: {  	s3 =	simm.s32 @!p2 $0x5  }
0x184: {  	_ =	swait.ge @!p2 [sflag:s3], $0x100  }
0x185: {  	[sflag:s3] =	ssyncset.done @!p2 $0x0  }
0x186: {  	v22 =	vmul.u32 @!p2 $0x80, v22;
	s8 =	simm.s32 @!p2 $0x17F00;
	[sflag:s3] =	ssyncadd.s32 @!p2 $0xFFFFFF00  }
0x187: {  	v23 =	vld.idx.msk @!p2 [tilespmem:v23+s8+$0x0], $0xffff  }
0x188: {  	v24 =	vor.u32 @!p2 $0x1, v22  }
0x189: {  	v25 =	vor.u32 @!p2 $0x2, v22  }
0x18a: {  	v26 =	vor.u32 @!p2 $0x3, v22  }
0x18b: {  	v27 =	vor.u32 @!p2 $0x4, v22;
	s8 =	simm.s32 @!p2 $0x1F700  }
0x18c: {  	v28 =	vor.u32 @!p2 $0x5, v22;
	[tilespmem:v22+s8+$0x0] =	vst.idx.msk @!p2 $0xffff, v23  }
0x18d: {  	[tilespmem:v24+s8+$0x0] =	vst.idx.msk @!p2 $0xffff, v23;
	v24 =	vor.u32 @!p2 $0x6, v22  }
0x18e: {  	[tilespmem:v25+s8+$0x0] =	vst.idx.msk @!p2 $0xffff, v23;
	v25 =	vor.u32 @!p2 $0x7, v22  }
0x18f: {  	[tilespmem:v26+s8+$0x0] =	vst.idx.msk @!p2 $0xffff, v23;
	v26 =	vor.u32 @!p2 $0x8, v22  }
0x190: {  	[tilespmem:v27+s8+$0x0] =	vst.idx.msk @!p2 $0xffff, v23;
	v27 =	vor.u32 @!p2 $0x9, v22  }
0x191: {  	[tilespmem:v28+s8+$0x0] =	vst.idx.msk @!p2 $0xffff, v23;
	v28 =	vor.u32 @!p2 $0xA, v22  }
0x192: {  	[tilespmem:v24+s8+$0x0] =	vst.idx.msk @!p2 $0xffff, v23;
	v24 =	vor.u32 @!p2 $0xB, v22  }
0x193: {  	[tilespmem:v25+s8+$0x0] =	vst.idx.msk @!p2 $0xffff, v23;
	v25 =	vor.u32 @!p2 $0xC, v22  }
0x194: {  	[tilespmem:v26+s8+$0x0] =	vst.idx.msk @!p2 $0xffff, v23;
	v26 =	vor.u32 @!p2 $0xD, v22  }
0x195: {  	[tilespmem:v27+s8+$0x0] =	vst.idx.msk @!p2 $0xffff, v23;
	v27 =	vor.u32 @!p2 $0xE, v22  }
0x196: {  	v22 =	vor.u32 @!p2 $0xF, v22;
	[tilespmem:v28+s8+$0x0] =	vst.idx.msk @!p2 $0xffff, v23  }
0x197: {  	[tilespmem:v24+s8+$0x0] =	vst.idx.msk @!p2 $0xffff, v23  }
0x198: {  	[tilespmem:v25+s8+$0x0] =	vst.idx.msk @!p2 $0xffff, v23  }
0x199: {  	[tilespmem:v26+s8+$0x0] =	vst.idx.msk @!p2 $0xffff, v23  }
0x19a: {  	[tilespmem:v27+s8+$0x0] =	vst.idx.msk @!p2 $0xffff, v23  }
0x19b: {  	s10 =	simm.s32 @!p2 $0x0;
	s12 =	rddreg [dreg:$0xb];
	[tilespmem:v22+s8+$0x0] =	vst.idx.msk @!p2 $0xffff, v23  }
0x19c: {  	[hbm4b:s12+s10] =	stream.linear.scatter @!p2 [tilespmem:s8], [sflag:$0x5], $0x800, $0x38;
	[tilespmem:$0x1FF00] =	vst v63  }
0x19d: {  	_ =	swait.ge @!p2 [sflag:s3], $0x800  }
0x19e: {  	s21 =	rddreg [dreg:$0xf]  }
0x19f: {  	s24 =	rddreg [dreg:$0xc];
	s10 =	sadd.s32 $0x1, s21  }
0x1a0: {  	p3 =	sne.s32 s10, s24  }
.Ltmp6:
0x1a1: {  	_ = 	snop;
	(pc) =	sbr.rel @p3 .LBB2_1-.Ltmp6, $3  }
0x1a2: {  	_ =	sdelay $0x1  }
0x1a3: {  	[sflag:s3] =	ssyncset.done @!p2 $0x0  }
0x1a4: {  	[sflag:s3] =	ssyncadd.s32 @!p2 $0xFFFFF800  }
0x1a5: {  	_ =	sfence.sel $0x180000  }
0x1a6: {  	[bflag:$0x0] =	sbarrier.arrive $0xFFFF  }
0x1a7: {  	_ =	strace $0x90000047  }
0x1a8: {  	s0 =	stileid.u32;
	[bflag:$0x2] =	sbarrier.arrive $0xFFFF  }
0x1a9: {  	p0 =	sne.s32 s0, $0x0;
	s0 =	rddreg [dreg:$0x4]  }
0x1aa: {  	s0 =	sadd.s32 @!p0 $0x100000, s0  }
0x1ab: {  	[sflag:s0] =	ssyncadd.tile.s32 @!p0 $0x1;
	_ =	shalt  }
.Lfunc_end2:
_tile_overlayer_lowered:
.L_overlay_start_2:
0x1ac: {  	(tag) =	ssettag $0x2  }
0x1ad: {  	s0 =	rddreg [dreg:$0x0];
	s2 =	stileid.u32  }
0x1ae: {  	s1 =	rddreg [dreg:$0x1];
	p0 =	sne.s32 s2, $0x0  }
0x1af: {  	s3 =	rddreg [dreg:$0x2];
	[bflag:$0x3] =	sbarrier.arrive $0xFFFF;
	s2 =	simm.s32 @!p0 $0x1C05  }
0x1b0: {  	[timem:s3], [sflag:s2] =	dma.local @!p0 [hbm:s0], s1  }
0x1b1: {  	s0 =	simm.s32 @!p0 $0x5  }
0x1b2: {  	_ =	swait.ge @!p0 [sflag:s0], s1  }
0x1b3: {  	s1 =	ssub.s32 @!p0 $0x0, s1;
	[sflag:s0] =	ssyncset.done @!p0 $0x0  }
0x1b4: {  	[sflag:s0] =	ssyncadd.s32 @!p0 s1  }
0x1b5: {  	[bflag:$0x3] =	sbarrier.arrive $0xFFFF  }
0x1b6: {  	_ =	shalt  }

</sc_bundles>
